<compile_context>
chip_gen: v7x
topology: tpu7x:2x2x1
jax: 0.10.2.dev20260603
libtpu: 0.0.44.dev20260713+nightly
codegen_flags: <defaults>
</compile_context>

<pallas_src>
import functools

import jax
import jax.numpy as jnp
import numpy as np
from jax import lax
from jax.experimental import pallas as pl
from jax.experimental.pallas import tpu as pltpu
from jax.experimental.pallas import tpu_sc as plsc

_SWAP_PROB = 0.1

_NC = 2
_NS = 16
_NW = _NC * _NS
_LANES = 16

_CHUNK_ROWS = 16
_NBUF = 4


def _ceil16(n):
    return (int(n) + 15) // 16 * 16



_ROTS = ((13, 15, 26, 6), (17, 29, 16, 24))


def _rotl(x, d):
    return (x << np.uint32(d)) | (x >> np.uint32(32 - d))


def _threefry2x32(k0, k1, x0, x1):
    k0, k1 = np.uint32(k0), np.uint32(k1)
    k2 = k0 ^ k1 ^ np.uint32(0x1BD11BDA)
    ks = (k0, k1, k2)
    x0 = (x0 + k0).astype(np.uint32)
    x1 = (x1 + k1).astype(np.uint32)
    for i in range(5):
        for r in _ROTS[i % 2]:
            x0 = (x0 + x1).astype(np.uint32)
            x1 = _rotl(x1, r) ^ x0
        x0 = (x0 + ks[(i + 1) % 3]).astype(np.uint32)
        x1 = (x1 + ks[(i + 2) % 3] + np.uint32(i + 1)).astype(np.uint32)
    return x0, x1


def _np_uniform(k0, k1, shape):
    n = int(np.prod(shape))
    idx = np.arange(n, dtype=np.uint64)
    c1 = (idx >> np.uint64(32)).astype(np.uint32)
    c2 = (idx & np.uint64(0xFFFFFFFF)).astype(np.uint32)
    b1, b2 = _threefry2x32(k0, k1, c1, c2)
    bits = b1 ^ b2
    fb = (bits >> np.uint32(9)) | np.uint32(0x3F800000)
    u = fb.view(np.float32) - np.float32(1.0)
    return np.maximum(np.float32(0.0), u).reshape(shape)


def _np_mask_perm(B, F):
    idx = np.arange(2, dtype=np.uint64)
    b1, b2 = _threefry2x32(
        np.uint32(0), np.uint32(42),
        (idx >> np.uint64(32)).astype(np.uint32),
        (idx & np.uint64(0xFFFFFFFF)).astype(np.uint32))
    mask = _np_uniform(b1[0], b2[0], (B, F)) < np.float32(_SWAP_PROB)
    perm = np.argsort(_np_uniform(b1[1], b2[1], (B, F)), axis=1, kind="stable")
    return mask, perm


@functools.lru_cache(maxsize=2)
def _bake(B, F):
    mask_np, perm_np = _np_mask_perm(B, F)
    perm_np = perm_np.astype(np.int64)

    CH = _CHUNK_ROWS
    n_chunks_total = B // CH

    r_l = np.arange(CH)[:, None]
    c_l = np.arange(F)[None, :]
    P = (r_l * F + c_l).astype(np.int64)

    i_idx, j_idx = np.nonzero(mask_np)
    src_col = perm_np[i_idx, j_idx]
    conf = mask_np[i_idx, src_col]
    chunk = i_idx // CH
    dst_p = P[i_idx % CH, j_idx]
    src_p = P[i_idx % CH, src_col]

    mask_phys = np.zeros((n_chunks_total, CH * F), dtype=bool)
    mask_phys[chunk, dst_p] = True
    pp = np.argmin(mask_phys, axis=1)

    span = np.int64(2 * CH * F)
    ukeys = np.unique(chunk[conf] * span + src_p[conf])
    uchunk = ukeys // span
    usrc = ukeys % span
    spill_counts = np.bincount(uchunk, minlength=n_chunks_total)
    s_pad = _ceil16(spill_counts.max() + 1)
    spill_start = np.concatenate([[0], np.cumsum(spill_counts)])
    uslot = np.arange(len(ukeys)) - spill_start[uchunk] + 1

    s1 = np.repeat(pp[:, None], s_pad, axis=1)
    s1[:, 0] = pp
    s1[uchunk, uslot] = usrc

    pos = np.searchsorted(ukeys, chunk * span + src_p)
    slot_of_pair = np.where(conf, np.take(uslot, np.minimum(pos, len(ukeys) - 1),
                                          mode='clip'), 0)
    p1_counts = np.bincount(chunk[~conf], minlength=n_chunks_total)
    p2_counts = np.bincount(chunk[conf], minlength=n_chunks_total)
    p1_pad = _ceil16(p1_counts.max())
    p2_pad = _ceil16(p2_counts.max())
    p1_pad += (-(s_pad + p1_pad + p2_pad)) % 128

    pad1 = (pp | (pp << 16)).astype(np.int64)
    s2 = np.repeat(pad1[:, None], p1_pad, axis=1)
    c1 = chunk[~conf]
    st1 = np.concatenate([[0], np.cumsum(p1_counts)])
    ppos1 = np.arange(len(c1)) - st1[c1]
    s2[c1, ppos1] = dst_p[~conf] | (src_p[~conf] << 16)

    pad2 = pp.astype(np.int64)
    s3 = np.repeat(pad2[:, None], p2_pad, axis=1)
    c2 = chunk[conf]
    st2 = np.concatenate([[0], np.cumsum(p2_counts)])
    ppos2 = np.arange(len(c2)) - st2[c2]
    s3[c2, ppos2] = dst_p[conf] | (slot_of_pair[conf] << 16)

    pv = np.concatenate([s1, s2, s3], axis=1).reshape(-1).astype(np.int32)
    return jnp.asarray(pv), int(s_pad), int(p1_pad), int(p2_pad)


def _make_sc_swap(B, F, s_pad, p1_pad, p2_pad):
    CH = _CHUNK_ROWS
    rows_per_w = B // _NW
    n_chunks = rows_per_w // CH
    blk = s_pad + p1_pad + p2_pad
    spill_len = -(-s_pad // 128) * 128
    assert n_chunks % _NBUF == 0 and n_chunks >= 2 * _NBUF
    assert F == 1024

    mesh = plsc.VectorSubcoreMesh(core_axis_name="c", subcore_axis_name="s")

    @functools.partial(
        pl.kernel,
        out_type=jax.ShapeDtypeStruct((B, F), jnp.float32),
        mesh=mesh,
        compiler_params=pltpu.CompilerParams(
            needs_layout_passes=False, use_tc_tiling_on_sc=True),
        scratch_types=(
            [pltpu.VMEM((CH, F), jnp.float32)] * _NBUF
            + [pltpu.VMEM((blk,), jnp.int32)] * _NBUF
            + [pltpu.VMEM((spill_len,), jnp.float32),
               pltpu.SemaphoreType.DMA((_NBUF,)),
               pltpu.SemaphoreType.DMA((_NBUF,))]
        ),
    )
    def sc_swap(x_hbm, pv_hbm, out_hbm, *scratch):
        ovs = scratch[:_NBUF]
        pvs = scratch[_NBUF:2 * _NBUF]
        sp = scratch[2 * _NBUF]
        in_sem, out_sem = scratch[2 * _NBUF + 1], scratch[2 * _NBUF + 2]
        wid = lax.axis_index("s") * _NC + lax.axis_index("c")
        rbase = wid * rows_per_w
        pbase = wid * n_chunks * blk

        def start_in(c, b):
            pltpu.async_copy(
                x_hbm.at[pl.ds(rbase + c * CH, CH)],
                ovs[b].at[pl.ds(0, CH)], in_sem.at[b])
            pltpu.async_copy(
                pv_hbm.at[pl.ds(pbase + c * blk, blk)],
                pvs[b], in_sem.at[b])

        def wait_in(b):
            pltpu.make_async_copy(
                x_hbm.at[pl.ds(0, CH)],
                ovs[b].at[pl.ds(0, CH)], in_sem.at[b]).wait()
            pltpu.make_async_copy(
                pv_hbm.at[pl.ds(0, blk)], pvs[b], in_sem.at[b]).wait()

        def start_out(c, b):
            pltpu.async_copy(
                ovs[b].at[pl.ds(0, CH)],
                out_hbm.at[pl.ds(rbase + c * CH, CH)], out_sem.at[b])

        def wait_out(b):
            pltpu.make_async_copy(
                ovs[b].at[pl.ds(0, CH)],
                out_hbm.at[pl.ds(0, CH)], out_sem.at[b]).wait()

        def process(c, b):
            wait_in(b)
            ob, pb = ovs[b], pvs[b]

            @plsc.parallel_loop(0, s_pad // _LANES, unroll=2)
            def stage1(k):
                w = pb[pl.ds(k * _LANES, _LANES)]
                vals = plsc.load_gather(ob, [w >> 10, w & 0x3FF])
                sp[pl.ds(k * _LANES, _LANES)] = vals

            @plsc.parallel_loop(0, p1_pad // _LANES, unroll=4)
            def stage2(k):
                w = pb[pl.ds(s_pad + k * _LANES, _LANES)]
                s = w >> 16
                d = w & 0xFFFF
                vals = plsc.load_gather(ob, [s >> 10, s & 0x3FF])
                plsc.store_scatter(ob, [d >> 10, d & 0x3FF], vals)

            @plsc.parallel_loop(0, p2_pad // _LANES, unroll=2)
            def stage3(k):
                w = pb[pl.ds(s_pad + p1_pad + k * _LANES, _LANES)]
                d = w & 0xFFFF
                vals = plsc.load_gather(sp, [w >> 16])
                plsc.store_scatter(ob, [d >> 10, d & 0x3FF], vals)

            start_out(c, b)

        for b in range(_NBUF):
            start_in(b, b)
        process(0, 0)

        def outer(o, _):
            for b in range(_NBUF):
                c = o * _NBUF + b + 1
                wait_out(b)
                start_in(c + _NBUF - 1, b)
                process(c, (b + 1) % _NBUF)
            return 0

        lax.fori_loop(0, (n_chunks - _NBUF) // _NBUF, outer, 0)
        for c in range(n_chunks - _NBUF + 1, n_chunks):
            process(c, c % _NBUF)
        for b in range(_NBUF):
            wait_out(b)

    return sc_swap


def kernel(x):
    B, F = x.shape
    pv, s_pad, p1_pad, p2_pad = _bake(B, F)
    return _make_sc_swap(B, F, s_pad, p1_pad, p2_pad)(x, pv)

# --- scband reference (transcript-rebuilt; emitter-appended) ---
"""Pipeline reference for scband-swapping-corruption-7438883357300 (READ-ONLY COPY).

The authoritative reference and input builder live on the scoring server;
editing this copy changes nothing except your own understanding.
"""

import jax, jax.numpy as jnp
import numpy as np

SWAP_PROB = 0.1  # config['swap_prob']; feature_groups is None -> ungrouped branch


def setup_inputs(seed: int = 0) -> dict:
    key = jax.random.key(seed)
    x = jax.random.normal(key, (16384, 1024), dtype=jnp.float32)
    return {"x": x}


def reference(x):
    # Faithful translation of SwappingCorruption.forward with feature_groups=None.
    # Torch semantics per row i:
    #   swap_mask[i] = rand(F) < swap_prob
    #   perm_i = randperm(F)
    #   x[i, swap_mask[i]] = x[i, perm_i[swap_mask[i]]]
    # which is elementwise: out[i, j] = x[i, perm_i[j]] if swap_mask[i, j] else x[i, j]
    # (RHS is read from the pre-assignment row, matching torch's single-statement
    #  fancy-index assignment.)
    B, F = x.shape
    kmask, kperm = jax.random.split(jax.random.key(42))
    swap_mask = jax.random.uniform(kmask, (B, F), dtype=jnp.float32) < SWAP_PROB
    # per-row random permutation via argsort of iid uniforms (vectorized randperm)
    perm = jnp.argsort(jax.random.uniform(kperm, (B, F)), axis=1)
    gathered = jnp.take_along_axis(x, perm, axis=1)
    return jnp.where(swap_mask, gathered, x)

if __name__ == "__main__":
    import jax
    _d = setup_inputs()
    print(jax.jit(kernel)(*tuple(_d.values())))

</pallas_src>

<mosaic_0001>
#map = affine_map<(d0, d1) -> (0, 0)>
#map1 = affine_map<(d0, d1) -> (0)>
module attributes {stable_mosaic.version = 14 : i64} {
  func.func @sc_swap(%arg0: i32, %arg1: i32, %arg2: memref<16384x1024xf32, #tpu.memory_space<hbm>>, %arg3: memref<2097152xi32, #tpu.memory_space<hbm>>, %arg4: memref<16384x1024xf32, #tpu.memory_space<hbm>>, %arg5: memref<16x1024xf32, #tpu.memory_space<vmem>>, %arg6: memref<16x1024xf32, #tpu.memory_space<vmem>>, %arg7: memref<16x1024xf32, #tpu.memory_space<vmem>>, %arg8: memref<16x1024xf32, #tpu.memory_space<vmem>>, %arg9: memref<2048xi32, #tpu.memory_space<vmem>>, %arg10: memref<2048xi32, #tpu.memory_space<vmem>>, %arg11: memref<2048xi32, #tpu.memory_space<vmem>>, %arg12: memref<2048xi32, #tpu.memory_space<vmem>>, %arg13: memref<256xf32, #tpu.memory_space<vmem>>, %arg14: memref<4x!tpu.dma_semaphore, #tpu.memory_space<semaphore_mem>>, %arg15: memref<4x!tpu.dma_semaphore, #tpu.memory_space<semaphore_mem>>) attributes {dimension_semantics = [#tpu.dimension_semantics<core_parallel>, #tpu.dimension_semantics<subcore_parallel>], iteration_bounds = array<i64: 2, 16>, scalar_prefetch = 0 : i64, scratch_operands = 11 : i64, tpu.core_type = #tpu.core_type<sc_vector_subcore>, window_params = [{transform_indices = #map}, {transform_indices = #map1}, {transform_indices = #map}]} {
    %mul3A = arith.constant 2 : i32
    %mul3A_0 = arith.muli %arg1, %mul3A : i32
    %add3A = arith.addi %mul3A_0, %arg0 : i32
    %mul3A_1 = arith.constant 512 : i32
    %mul3A_2 = arith.muli %add3A, %mul3A_1 : i32
    %mul3A_3 = arith.constant 32 : i32
    %mul3A_4 = arith.muli %add3A, %mul3A_3 : i32
    %mul3A_5 = arith.constant 2048 : i32
    %mul3A_6 = arith.muli %mul3A_4, %mul3A_5 : i32
    %add3A_7 = arith.constant 0 : i32
    %add3A_8 = arith.addi %mul3A_2, %add3A_7 : i32
    %dma_start3A = arith.constant 0 : i32
    %dma_start3A_9 = arith.constant 0 : i32
    %dma_start3A_10 = arith.constant 0 : i32
    %dma_start3A_11 = tpu.memref_slice %arg5[%dma_start3A_9, %dma_start3A_10] : memref<16x1024xf32, #tpu.memory_space<vmem>> -> memref<16x1024xf32, #tpu.memory_space<vmem>>
    %dma_start3A_12 = arith.constant 0 : i32
    %dma_start3A_13 = tpu.memref_slice %arg2[%add3A_8, %dma_start3A_12] : memref<16384x1024xf32, #tpu.memory_space<hbm>> -> memref<16x1024xf32, #tpu.memory_space<hbm>>
    %dma_start3A_14 = tpu.memref_slice %arg14[%dma_start3A] : memref<4x!tpu.dma_semaphore, #tpu.memory_space<semaphore_mem>> -> memref<1x!tpu.dma_semaphore, #tpu.memory_space<semaphore_mem>>
    %dma_start3A_15 = tpu.memref_squeeze %dma_start3A_14 : memref<1x!tpu.dma_semaphore, #tpu.memory_space<semaphore_mem>> -> memref<!tpu.dma_semaphore, #tpu.memory_space<semaphore_mem>>
    %dma_start3A_16 = arith.constant 0 : i32
    %dma_start3A_17 = arith.constant 0 : i32
    %dma_start3A_18 = tpu.memref_slice %arg5[%dma_start3A_16, %dma_start3A_17] : memref<16x1024xf32, #tpu.memory_space<vmem>> -> memref<16x1024xf32, #tpu.memory_space<vmem>>
    %dma_start3A_19 = arith.constant 0 : i32
    %dma_start3A_20 = tpu.memref_slice %arg2[%add3A_8, %dma_start3A_19] : memref<16384x1024xf32, #tpu.memory_space<hbm>> -> memref<16x1024xf32, #tpu.memory_space<hbm>>
    tpu.enqueue_dma source(%dma_start3A_20 : memref<16x1024xf32, #tpu.memory_space<hbm>>) target(%dma_start3A_18 : memref<16x1024xf32, #tpu.memory_space<vmem>>) target_semaphore(%dma_start3A_15 : memref<!tpu.dma_semaphore, #tpu.memory_space<semaphore_mem>>)
    %add3A_21 = arith.constant 0 : i32
    %add3A_22 = arith.addi %mul3A_6, %add3A_21 : i32
    %dma_start3A_23 = arith.constant 0 : i32
    %dma_start3A_24 = tpu.memref_slice %arg3[%add3A_22] : memref<2097152xi32, #tpu.memory_space<hbm>> -> memref<2048xi32, #tpu.memory_space<hbm>>
    %dma_start3A_25 = tpu.memref_slice %arg14[%dma_start3A_23] : memref<4x!tpu.dma_semaphore, #tpu.memory_space<semaphore_mem>> -> memref<1x!tpu.dma_semaphore, #tpu.memory_space<semaphore_mem>>
    %dma_start3A_26 = tpu.memref_squeeze %dma_start3A_25 : memref<1x!tpu.dma_semaphore, #tpu.memory_space<semaphore_mem>> -> memref<!tpu.dma_semaphore, #tpu.memory_space<semaphore_mem>>
    %dma_start3A_27 = tpu.memref_slice %arg3[%add3A_22] : memref<2097152xi32, #tpu.memory_space<hbm>> -> memref<2048xi32, #tpu.memory_space<hbm>>
    tpu.enqueue_dma source(%dma_start3A_27 : memref<2048xi32, #tpu.memory_space<hbm>>) target(%arg9 : memref<2048xi32, #tpu.memory_space<vmem>>) target_semaphore(%dma_start3A_26 : memref<!tpu.dma_semaphore, #tpu.memory_space<semaphore_mem>>)
    %add3A_28 = arith.constant 16 : i32
    %add3A_29 = arith.addi %mul3A_2, %add3A_28 : i32
    %dma_start3A_30 = arith.constant 1 : i32
    %dma_start3A_31 = arith.constant 0 : i32
    %dma_start3A_32 = arith.constant 0 : i32
    %dma_start3A_33 = tpu.memref_slice %arg6[%dma_start3A_31, %dma_start3A_32] : memref<16x1024xf32, #tpu.memory_space<vmem>> -> memref<16x1024xf32, #tpu.memory_space<vmem>>
    %dma_start3A_34 = arith.constant 0 : i32
    %dma_start3A_35 = tpu.memref_slice %arg2[%add3A_29, %dma_start3A_34] : memref<16384x1024xf32, #tpu.memory_space<hbm>> -> memref<16x1024xf32, #tpu.memory_space<hbm>>
    %dma_start3A_36 = tpu.memref_slice %arg14[%dma_start3A_30] : memref<4x!tpu.dma_semaphore, #tpu.memory_space<semaphore_mem>> -> memref<1x!tpu.dma_semaphore, #tpu.memory_space<semaphore_mem>>
    %dma_start3A_37 = tpu.memref_squeeze %dma_start3A_36 : memref<1x!tpu.dma_semaphore, #tpu.memory_space<semaphore_mem>> -> memref<!tpu.dma_semaphore, #tpu.memory_space<semaphore_mem>>
    %dma_start3A_38 = arith.constant 0 : i32
    %dma_start3A_39 = arith.constant 0 : i32
    %dma_start3A_40 = tpu.memref_slice %arg6[%dma_start3A_38, %dma_start3A_39] : memref<16x1024xf32, #tpu.memory_space<vmem>> -> memref<16x1024xf32, #tpu.memory_space<vmem>>
    %dma_start3A_41 = arith.constant 0 : i32
    %dma_start3A_42 = tpu.memref_slice %arg2[%add3A_29, %dma_start3A_41] : memref<16384x1024xf32, #tpu.memory_space<hbm>> -> memref<16x1024xf32, #tpu.memory_space<hbm>>
    tpu.enqueue_dma source(%dma_start3A_42 : memref<16x1024xf32, #tpu.memory_space<hbm>>) target(%dma_start3A_40 : memref<16x1024xf32, #tpu.memory_space<vmem>>) target_semaphore(%dma_start3A_37 : memref<!tpu.dma_semaphore, #tpu.memory_space<semaphore_mem>>)
    %add3A_43 = arith.constant 2048 : i32
    %add3A_44 = arith.addi %mul3A_6, %add3A_43 : i32
    %dma_start3A_45 = arith.constant 1 : i32
    %dma_start3A_46 = tpu.memref_slice %arg3[%add3A_44] : memref<2097152xi32, #tpu.memory_space<hbm>> -> memref<2048xi32, #tpu.memory_space<hbm>>
    %dma_start3A_47 = tpu.memref_slice %arg14[%dma_start3A_45] : memref<4x!tpu.dma_semaphore, #tpu.memory_space<semaphore_mem>> -> memref<1x!tpu.dma_semaphore, #tpu.memory_space<semaphore_mem>>
    %dma_start3A_48 = tpu.memref_squeeze %dma_start3A_47 : memref<1x!tpu.dma_semaphore, #tpu.memory_space<semaphore_mem>> -> memref<!tpu.dma_semaphore, #tpu.memory_space<semaphore_mem>>
    %dma_start3A_49 = tpu.memref_slice %arg3[%add3A_44] : memref<2097152xi32, #tpu.memory_space<hbm>> -> memref<2048xi32, #tpu.memory_space<hbm>>
    tpu.enqueue_dma source(%dma_start3A_49 : memref<2048xi32, #tpu.memory_space<hbm>>) target(%arg10 : memref<2048xi32, #tpu.memory_space<vmem>>) target_semaphore(%dma_start3A_48 : memref<!tpu.dma_semaphore, #tpu.memory_space<semaphore_mem>>)
    %add3A_50 = arith.constant 32 : i32
    %add3A_51 = arith.addi %mul3A_2, %add3A_50 : i32
    %dma_start3A_52 = arith.constant 2 : i32
    %dma_start3A_53 = arith.constant 0 : i32
    %dma_start3A_54 = arith.constant 0 : i32
    %dma_start3A_55 = tpu.memref_slice %arg7[%dma_start3A_53, %dma_start3A_54] : memref<16x1024xf32, #tpu.memory_space<vmem>> -> memref<16x1024xf32, #tpu.memory_space<vmem>>
    %dma_start3A_56 = arith.constant 0 : i32
    %dma_start3A_57 = tpu.memref_slice %arg2[%add3A_51, %dma_start3A_56] : memref<16384x1024xf32, #tpu.memory_space<hbm>> -> memref<16x1024xf32, #tpu.memory_space<hbm>>
    %dma_start3A_58 = tpu.memref_slice %arg14[%dma_start3A_52] : memref<4x!tpu.dma_semaphore, #tpu.memory_space<semaphore_mem>> -> memref<1x!tpu.dma_semaphore, #tpu.memory_space<semaphore_mem>>
    %dma_start3A_59 = tpu.memref_squeeze %dma_start3A_58 : memref<1x!tpu.dma_semaphore, #tpu.memory_space<semaphore_mem>> -> memref<!tpu.dma_semaphore, #tpu.memory_space<semaphore_mem>>
    %dma_start3A_60 = arith.constant 0 : i32
    %dma_start3A_61 = arith.constant 0 : i32
    %dma_start3A_62 = tpu.memref_slice %arg7[%dma_start3A_60, %dma_start3A_61] : memref<16x1024xf32, #tpu.memory_space<vmem>> -> memref<16x1024xf32, #tpu.memory_space<vmem>>
    %dma_start3A_63 = arith.constant 0 : i32
    %dma_start3A_64 = tpu.memref_slice %arg2[%add3A_51, %dma_start3A_63] : memref<16384x1024xf32, #tpu.memory_space<hbm>> -> memref<16x1024xf32, #tpu.memory_space<hbm>>
    tpu.enqueue_dma source(%dma_start3A_64 : memref<16x1024xf32, #tpu.memory_space<hbm>>) target(%dma_start3A_62 : memref<16x1024xf32, #tpu.memory_space<vmem>>) target_semaphore(%dma_start3A_59 : memref<!tpu.dma_semaphore, #tpu.memory_space<semaphore_mem>>)
    %add3A_65 = arith.constant 4096 : i32
    %add3A_66 = arith.addi %mul3A_6, %add3A_65 : i32
    %dma_start3A_67 = arith.constant 2 : i32
    %dma_start3A_68 = tpu.memref_slice %arg3[%add3A_66] : memref<2097152xi32, #tpu.memory_space<hbm>> -> memref<2048xi32, #tpu.memory_space<hbm>>
    %dma_start3A_69 = tpu.memref_slice %arg14[%dma_start3A_67] : memref<4x!tpu.dma_semaphore, #tpu.memory_space<semaphore_mem>> -> memref<1x!tpu.dma_semaphore, #tpu.memory_space<semaphore_mem>>
    %dma_start3A_70 = tpu.memref_squeeze %dma_start3A_69 : memref<1x!tpu.dma_semaphore, #tpu.memory_space<semaphore_mem>> -> memref<!tpu.dma_semaphore, #tpu.memory_space<semaphore_mem>>
    %dma_start3A_71 = tpu.memref_slice %arg3[%add3A_66] : memref<2097152xi32, #tpu.memory_space<hbm>> -> memref<2048xi32, #tpu.memory_space<hbm>>
    tpu.enqueue_dma source(%dma_start3A_71 : memref<2048xi32, #tpu.memory_space<hbm>>) target(%arg11 : memref<2048xi32, #tpu.memory_space<vmem>>) target_semaphore(%dma_start3A_70 : memref<!tpu.dma_semaphore, #tpu.memory_space<semaphore_mem>>)
    %add3A_72 = arith.constant 48 : i32
    %add3A_73 = arith.addi %mul3A_2, %add3A_72 : i32
    %dma_start3A_74 = arith.constant 3 : i32
    %dma_start3A_75 = arith.constant 0 : i32
    %dma_start3A_76 = arith.constant 0 : i32
    %dma_start3A_77 = tpu.memref_slice %arg8[%dma_start3A_75, %dma_start3A_76] : memref<16x1024xf32, #tpu.memory_space<vmem>> -> memref<16x1024xf32, #tpu.memory_space<vmem>>
    %dma_start3A_78 = arith.constant 0 : i32
    %dma_start3A_79 = tpu.memref_slice %arg2[%add3A_73, %dma_start3A_78] : memref<16384x1024xf32, #tpu.memory_space<hbm>> -> memref<16x1024xf32, #tpu.memory_space<hbm>>
    %dma_start3A_80 = tpu.memref_slice %arg14[%dma_start3A_74] : memref<4x!tpu.dma_semaphore, #tpu.memory_space<semaphore_mem>> -> memref<1x!tpu.dma_semaphore, #tpu.memory_space<semaphore_mem>>
    %dma_start3A_81 = tpu.memref_squeeze %dma_start3A_80 : memref<1x!tpu.dma_semaphore, #tpu.memory_space<semaphore_mem>> -> memref<!tpu.dma_semaphore, #tpu.memory_space<semaphore_mem>>
    %dma_start3A_82 = arith.constant 0 : i32
    %dma_start3A_83 = arith.constant 0 : i32
    %dma_start3A_84 = tpu.memref_slice %arg8[%dma_start3A_82, %dma_start3A_83] : memref<16x1024xf32, #tpu.memory_space<vmem>> -> memref<16x1024xf32, #tpu.memory_space<vmem>>
    %dma_start3A_85 = arith.constant 0 : i32
    %dma_start3A_86 = tpu.memref_slice %arg2[%add3A_73, %dma_start3A_85] : memref<16384x1024xf32, #tpu.memory_space<hbm>> -> memref<16x1024xf32, #tpu.memory_space<hbm>>
    tpu.enqueue_dma source(%dma_start3A_86 : memref<16x1024xf32, #tpu.memory_space<hbm>>) target(%dma_start3A_84 : memref<16x1024xf32, #tpu.memory_space<vmem>>) target_semaphore(%dma_start3A_81 : memref<!tpu.dma_semaphore, #tpu.memory_space<semaphore_mem>>)
    %add3A_87 = arith.constant 6144 : i32
    %add3A_88 = arith.addi %mul3A_6, %add3A_87 : i32
    %dma_start3A_89 = arith.constant 3 : i32
    %dma_start3A_90 = tpu.memref_slice %arg3[%add3A_88] : memref<2097152xi32, #tpu.memory_space<hbm>> -> memref<2048xi32, #tpu.memory_space<hbm>>
    %dma_start3A_91 = tpu.memref_slice %arg14[%dma_start3A_89] : memref<4x!tpu.dma_semaphore, #tpu.memory_space<semaphore_mem>> -> memref<1x!tpu.dma_semaphore, #tpu.memory_space<semaphore_mem>>
    %dma_start3A_92 = tpu.memref_squeeze %dma_start3A_91 : memref<1x!tpu.dma_semaphore, #tpu.memory_space<semaphore_mem>> -> memref<!tpu.dma_semaphore, #tpu.memory_space<semaphore_mem>>
    %dma_start3A_93 = tpu.memref_slice %arg3[%add3A_88] : memref<2097152xi32, #tpu.memory_space<hbm>> -> memref<2048xi32, #tpu.memory_space<hbm>>
    tpu.enqueue_dma source(%dma_start3A_93 : memref<2048xi32, #tpu.memory_space<hbm>>) target(%arg12 : memref<2048xi32, #tpu.memory_space<vmem>>) target_semaphore(%dma_start3A_92 : memref<!tpu.dma_semaphore, #tpu.memory_space<semaphore_mem>>)
    %dma_wait3A = arith.constant 0 : i32
    %dma_wait3A_94 = arith.constant 0 : i32
    %dma_wait3A_95 = arith.constant 0 : i32
    %dma_wait3A_96 = tpu.memref_slice %arg5[%dma_wait3A_94, %dma_wait3A_95] : memref<16x1024xf32, #tpu.memory_space<vmem>> -> memref<16x1024xf32, #tpu.memory_space<vmem>>
    %dma_wait3A_97 = arith.constant 0 : i32
    %dma_wait3A_98 = arith.constant 0 : i32
    %dma_wait3A_99 = tpu.memref_slice %arg2[%dma_wait3A_97, %dma_wait3A_98] : memref<16384x1024xf32, #tpu.memory_space<hbm>> -> memref<16x1024xf32, #tpu.memory_space<hbm>>
    %dma_wait3A_100 = tpu.memref_slice %arg14[%dma_wait3A] : memref<4x!tpu.dma_semaphore, #tpu.memory_space<semaphore_mem>> -> memref<1x!tpu.dma_semaphore, #tpu.memory_space<semaphore_mem>>
    %dma_wait3A_101 = tpu.memref_squeeze %dma_wait3A_100 : memref<1x!tpu.dma_semaphore, #tpu.memory_space<semaphore_mem>> -> memref<!tpu.dma_semaphore, #tpu.memory_space<semaphore_mem>>
    %dma_wait3A_102 = arith.constant 0 : i32
    %dma_wait3A_103 = arith.constant 0 : i32
    %dma_wait3A_104 = tpu.memref_slice %arg5[%dma_wait3A_102, %dma_wait3A_103] : memref<16x1024xf32, #tpu.memory_space<vmem>> -> memref<16x1024xf32, #tpu.memory_space<vmem>>
    %dma_wait3A_105 = arith.constant 0 : i32
    %dma_wait3A_106 = arith.constant 0 : i32
    %dma_wait3A_107 = tpu.memref_slice %arg2[%dma_wait3A_105, %dma_wait3A_106] : memref<16384x1024xf32, #tpu.memory_space<hbm>> -> memref<16x1024xf32, #tpu.memory_space<hbm>>
    tpu.wait_dma2 semaphore(%dma_wait3A_101 : memref<!tpu.dma_semaphore, #tpu.memory_space<semaphore_mem>>) src(%dma_wait3A_107 : memref<16x1024xf32, #tpu.memory_space<hbm>>) dst(%dma_wait3A_104 : memref<16x1024xf32, #tpu.memory_space<vmem>>)
    %dma_wait3A_108 = arith.constant 0 : i32
    %dma_wait3A_109 = arith.constant 0 : i32
    %dma_wait3A_110 = tpu.memref_slice %arg3[%dma_wait3A_109] : memref<2097152xi32, #tpu.memory_space<hbm>> -> memref<2048xi32, #tpu.memory_space<hbm>>
    %dma_wait3A_111 = tpu.memref_slice %arg14[%dma_wait3A_108] : memref<4x!tpu.dma_semaphore, #tpu.memory_space<semaphore_mem>> -> memref<1x!tpu.dma_semaphore, #tpu.memory_space<semaphore_mem>>
    %dma_wait3A_112 = tpu.memref_squeeze %dma_wait3A_111 : memref<1x!tpu.dma_semaphore, #tpu.memory_space<semaphore_mem>> -> memref<!tpu.dma_semaphore, #tpu.memory_space<semaphore_mem>>
    %dma_wait3A_113 = arith.constant 0 : i32
    %dma_wait3A_114 = tpu.memref_slice %arg3[%dma_wait3A_113] : memref<2097152xi32, #tpu.memory_space<hbm>> -> memref<2048xi32, #tpu.memory_space<hbm>>
    tpu.wait_dma2 semaphore(%dma_wait3A_112 : memref<!tpu.dma_semaphore, #tpu.memory_space<semaphore_mem>>) src(%dma_wait3A_114 : memref<2048xi32, #tpu.memory_space<hbm>>) dst(%arg9 : memref<2048xi32, #tpu.memory_space<vmem>>)
    %parallel_loop3A = arith.constant 0 : i32
    %parallel_loop3A_115 = arith.constant 14 : i32
    %parallel_loop3A_116 = arith.constant 1 : i32
    scf.for %parallel_loop3A_342 = %parallel_loop3A to %parallel_loop3A_115 step %parallel_loop3A_116  : i32 {
      %parallel_loop3A_343 = arith.constant 16 : i32
      %parallel_loop3A_344 = arith.muli %parallel_loop3A_342, %parallel_loop3A_343 : i32
      %parallel_loop3A_345 = arith.index_cast %parallel_loop3A_344 : i32 to index
      %parallel_loop3A_346 = tpu.vector_load %arg9[%parallel_loop3A_345] {strides = array<i32>} : memref<2048xi32, #tpu.memory_space<vmem>>, vector<16xi32>,
      %parallel_loop3A_347 = arith.constant 10 : i32
      %parallel_loop3A_348 = vector.broadcast %parallel_loop3A_347 : i32 to vector<16xi32>
      %parallel_loop3A_349 = arith.shrsi %parallel_loop3A_346, %parallel_loop3A_348 : vector<16xi32>
      %parallel_loop3A_350 = arith.constant 1023 : i32
      %parallel_loop3A_351 = vector.broadcast %parallel_loop3A_350 : i32 to vector<16xi32>
      %parallel_loop3A_352 = arith.andi %parallel_loop3A_346, %parallel_loop3A_351 : vector<16xi32>
      %parallel_loop3A_353 = tpu.vector_load_idx %arg5[%parallel_loop3A_349, %parallel_loop3A_352] : memref<16x1024xf32, #tpu.memory_space<vmem>>[vector<16xi32>, vector<16xi32>], vector<16xf32>,
      %parallel_loop3A_354 = arith.constant 16 : i32
      %parallel_loop3A_355 = arith.muli %parallel_loop3A_342, %parallel_loop3A_354 : i32
      %parallel_loop3A_356 = arith.index_cast %parallel_loop3A_355 : i32 to index
      %parallel_loop3A_357 = tpu.vector_load %arg13[%parallel_loop3A_356] {strides = array<i32>} : memref<256xf32, #tpu.memory_space<vmem>>, vector<16xf32>,
      tpu.vector_store %arg13[%parallel_loop3A_356], %parallel_loop3A_353 {strides = array<i32>} : memref<256xf32, #tpu.memory_space<vmem>>, vector<16xf32>,
    } {sc.loop_unroll_factor = 2 : i64, sc.parallel_access}
    %parallel_loop3A_117 = arith.constant 0 : i32
    %parallel_loop3A_118 = arith.constant 100 : i32
    %parallel_loop3A_119 = arith.constant 1 : i32
    scf.for %parallel_loop3A_342 = %parallel_loop3A_117 to %parallel_loop3A_118 step %parallel_loop3A_119  : i32 {
      %parallel_loop3A_343 = arith.constant 16 : i32
      %parallel_loop3A_344 = arith.muli %parallel_loop3A_342, %parallel_loop3A_343 : i32
      %parallel_loop3A_345 = arith.constant 224 : i32
      %parallel_loop3A_346 = arith.addi %parallel_loop3A_345, %parallel_loop3A_344 : i32
      %parallel_loop3A_347 = arith.index_cast %parallel_loop3A_346 : i32 to index
      %parallel_loop3A_348 = tpu.vector_load %arg9[%parallel_loop3A_347] {strides = array<i32>} : memref<2048xi32, #tpu.memory_space<vmem>>, vector<16xi32>,
      %parallel_loop3A_349 = arith.constant 16 : i32
      %parallel_loop3A_350 = vector.broadcast %parallel_loop3A_349 : i32 to vector<16xi32>
      %parallel_loop3A_351 = arith.shrsi %parallel_loop3A_348, %parallel_loop3A_350 : vector<16xi32>
      %parallel_loop3A_352 = arith.constant 65535 : i32
      %parallel_loop3A_353 = vector.broadcast %parallel_loop3A_352 : i32 to vector<16xi32>
      %parallel_loop3A_354 = arith.andi %parallel_loop3A_348, %parallel_loop3A_353 : vector<16xi32>
      %parallel_loop3A_355 = arith.constant 10 : i32
      %parallel_loop3A_356 = vector.broadcast %parallel_loop3A_355 : i32 to vector<16xi32>
      %parallel_loop3A_357 = arith.shrsi %parallel_loop3A_351, %parallel_loop3A_356 : vector<16xi32>
      %parallel_loop3A_358 = arith.constant 1023 : i32
      %parallel_loop3A_359 = vector.broadcast %parallel_loop3A_358 : i32 to vector<16xi32>
      %parallel_loop3A_360 = arith.andi %parallel_loop3A_351, %parallel_loop3A_359 : vector<16xi32>
      %parallel_loop3A_361 = tpu.vector_load_idx %arg5[%parallel_loop3A_357, %parallel_loop3A_360] : memref<16x1024xf32, #tpu.memory_space<vmem>>[vector<16xi32>, vector<16xi32>], vector<16xf32>,
      %parallel_loop3A_362 = arith.constant 10 : i32
      %parallel_loop3A_363 = vector.broadcast %parallel_loop3A_362 : i32 to vector<16xi32>
      %parallel_loop3A_364 = arith.shrsi %parallel_loop3A_354, %parallel_loop3A_363 : vector<16xi32>
      %parallel_loop3A_365 = arith.constant 1023 : i32
      %parallel_loop3A_366 = vector.broadcast %parallel_loop3A_365 : i32 to vector<16xi32>
      %parallel_loop3A_367 = arith.andi %parallel_loop3A_354, %parallel_loop3A_366 : vector<16xi32>
      tpu.vector_store_idx %arg5[%parallel_loop3A_364, %parallel_loop3A_367], %parallel_loop3A_361 : memref<16x1024xf32, #tpu.memory_space<vmem>>[vector<16xi32>, vector<16xi32>], vector<16xf32>,
    } {sc.loop_unroll_factor = 4 : i64, sc.parallel_access}
    %parallel_loop3A_120 = arith.constant 0 : i32
    %parallel_loop3A_121 = arith.constant 14 : i32
    %parallel_loop3A_122 = arith.constant 1 : i32
    scf.for %parallel_loop3A_342 = %parallel_loop3A_120 to %parallel_loop3A_121 step %parallel_loop3A_122  : i32 {
      %parallel_loop3A_343 = arith.constant 16 : i32
      %parallel_loop3A_344 = arith.muli %parallel_loop3A_342, %parallel_loop3A_343 : i32
      %parallel_loop3A_345 = arith.constant 1824 : i32
      %parallel_loop3A_346 = arith.addi %parallel_loop3A_345, %parallel_loop3A_344 : i32
      %parallel_loop3A_347 = arith.index_cast %parallel_loop3A_346 : i32 to index
      %parallel_loop3A_348 = tpu.vector_load %arg9[%parallel_loop3A_347] {strides = array<i32>} : memref<2048xi32, #tpu.memory_space<vmem>>, vector<16xi32>,
      %parallel_loop3A_349 = arith.constant 65535 : i32
      %parallel_loop3A_350 = vector.broadcast %parallel_loop3A_349 : i32 to vector<16xi32>
      %parallel_loop3A_351 = arith.andi %parallel_loop3A_348, %parallel_loop3A_350 : vector<16xi32>
      %parallel_loop3A_352 = arith.constant 16 : i32
      %parallel_loop3A_353 = vector.broadcast %parallel_loop3A_352 : i32 to vector<16xi32>
      %parallel_loop3A_354 = arith.shrsi %parallel_loop3A_348, %parallel_loop3A_353 : vector<16xi32>
      %parallel_loop3A_355 = tpu.vector_load_idx %arg13[%parallel_loop3A_354] : memref<256xf32, #tpu.memory_space<vmem>>[vector<16xi32>], vector<16xf32>,
      %parallel_loop3A_356 = arith.constant 10 : i32
      %parallel_loop3A_357 = vector.broadcast %parallel_loop3A_356 : i32 to vector<16xi32>
      %parallel_loop3A_358 = arith.shrsi %parallel_loop3A_351, %parallel_loop3A_357 : vector<16xi32>
      %parallel_loop3A_359 = arith.constant 1023 : i32
      %parallel_loop3A_360 = vector.broadcast %parallel_loop3A_359 : i32 to vector<16xi32>
      %parallel_loop3A_361 = arith.andi %parallel_loop3A_351, %parallel_loop3A_360 : vector<16xi32>
      tpu.vector_store_idx %arg5[%parallel_loop3A_358, %parallel_loop3A_361], %parallel_loop3A_355 : memref<16x1024xf32, #tpu.memory_space<vmem>>[vector<16xi32>, vector<16xi32>], vector<16xf32>,
    } {sc.loop_unroll_factor = 2 : i64, sc.parallel_access}
    %add3A_123 = arith.constant 0 : i32
    %add3A_124 = arith.addi %mul3A_2, %add3A_123 : i32
    %dma_start3A_125 = arith.constant 0 : i32
    %dma_start3A_126 = arith.constant 0 : i32
    %dma_start3A_127 = arith.constant 0 : i32
    %dma_start3A_128 = tpu.memref_slice %arg5[%dma_start3A_126, %dma_start3A_127] : memref<16x1024xf32, #tpu.memory_space<vmem>> -> memref<16x1024xf32, #tpu.memory_space<vmem>>
    %dma_start3A_129 = arith.constant 0 : i32
    %dma_start3A_130 = tpu.memref_slice %arg4[%add3A_124, %dma_start3A_129] : memref<16384x1024xf32, #tpu.memory_space<hbm>> -> memref<16x1024xf32, #tpu.memory_space<hbm>>
    %dma_start3A_131 = tpu.memref_slice %arg15[%dma_start3A_125] : memref<4x!tpu.dma_semaphore, #tpu.memory_space<semaphore_mem>> -> memref<1x!tpu.dma_semaphore, #tpu.memory_space<semaphore_mem>>
    %dma_start3A_132 = tpu.memref_squeeze %dma_start3A_131 : memref<1x!tpu.dma_semaphore, #tpu.memory_space<semaphore_mem>> -> memref<!tpu.dma_semaphore, #tpu.memory_space<semaphore_mem>>
    %dma_start3A_133 = arith.constant 0 : i32
    %dma_start3A_134 = tpu.memref_slice %arg4[%add3A_124, %dma_start3A_133] : memref<16384x1024xf32, #tpu.memory_space<hbm>> -> memref<16x1024xf32, #tpu.memory_space<hbm>>
    %dma_start3A_135 = arith.constant 0 : i32
    %dma_start3A_136 = arith.constant 0 : i32
    %dma_start3A_137 = tpu.memref_slice %arg5[%dma_start3A_135, %dma_start3A_136] : memref<16x1024xf32, #tpu.memory_space<vmem>> -> memref<16x1024xf32, #tpu.memory_space<vmem>>
    tpu.enqueue_dma source(%dma_start3A_137 : memref<16x1024xf32, #tpu.memory_space<vmem>>) target(%dma_start3A_134 : memref<16x1024xf32, #tpu.memory_space<hbm>>) target_semaphore(%dma_start3A_132 : memref<!tpu.dma_semaphore, #tpu.memory_space<semaphore_mem>>)
    %scan3A = arith.constant 0 : i32
    %scan3A_138 = arith.constant 0 : i32
    %scan3A_139 = arith.constant 7 : i32
    %scan3A_140 = arith.addi %scan3A_138, %scan3A_139 : i32
    %scan3A_141 = arith.constant 1 : i32
    %scan3A_142 = scf.for %scan3A_342 = %scan3A_138 to %scan3A_140 step %scan3A_141 iter_args(%scan3A_343 = %scan3A) -> (i32)  : i32 {
      %mul3A_344 = arith.constant 4 : i32
      %mul3A_345 = arith.muli %scan3A_342, %mul3A_344 : i32
      %add3A_346 = arith.constant 0 : i32
      %add3A_347 = arith.addi %mul3A_345, %add3A_346 : i32
      %add3A_348 = arith.constant 1 : i32
      %add3A_349 = arith.addi %add3A_347, %add3A_348 : i32
      %dma_wait3A_350 = arith.constant 0 : i32
      %dma_wait3A_351 = arith.constant 0 : i32
      %dma_wait3A_352 = arith.constant 0 : i32
      %dma_wait3A_353 = tpu.memref_slice %arg5[%dma_wait3A_351, %dma_wait3A_352] : memref<16x1024xf32, #tpu.memory_space<vmem>> -> memref<16x1024xf32, #tpu.memory_space<vmem>>
      %dma_wait3A_354 = arith.constant 0 : i32
      %dma_wait3A_355 = arith.constant 0 : i32
      %dma_wait3A_356 = tpu.memref_slice %arg4[%dma_wait3A_354, %dma_wait3A_355] : memref<16384x1024xf32, #tpu.memory_space<hbm>> -> memref<16x1024xf32, #tpu.memory_space<hbm>>
      %dma_wait3A_357 = tpu.memref_slice %arg15[%dma_wait3A_350] : memref<4x!tpu.dma_semaphore, #tpu.memory_space<semaphore_mem>> -> memref<1x!tpu.dma_semaphore, #tpu.memory_space<semaphore_mem>>
      %dma_wait3A_358 = tpu.memref_squeeze %dma_wait3A_357 : memref<1x!tpu.dma_semaphore, #tpu.memory_space<semaphore_mem>> -> memref<!tpu.dma_semaphore, #tpu.memory_space<semaphore_mem>>
      %dma_wait3A_359 = arith.constant 0 : i32
      %dma_wait3A_360 = arith.constant 0 : i32
      %dma_wait3A_361 = tpu.memref_slice %arg4[%dma_wait3A_359, %dma_wait3A_360] : memref<16384x1024xf32, #tpu.memory_space<hbm>> -> memref<16x1024xf32, #tpu.memory_space<hbm>>
      %dma_wait3A_362 = arith.constant 0 : i32
      %dma_wait3A_363 = arith.constant 0 : i32
      %dma_wait3A_364 = tpu.memref_slice %arg5[%dma_wait3A_362, %dma_wait3A_363] : memref<16x1024xf32, #tpu.memory_space<vmem>> -> memref<16x1024xf32, #tpu.memory_space<vmem>>
      tpu.wait_dma2 semaphore(%dma_wait3A_358 : memref<!tpu.dma_semaphore, #tpu.memory_space<semaphore_mem>>) src(%dma_wait3A_364 : memref<16x1024xf32, #tpu.memory_space<vmem>>) dst(%dma_wait3A_361 : memref<16x1024xf32, #tpu.memory_space<hbm>>)
      %add3A_365 = arith.constant 4 : i32
      %add3A_366 = arith.addi %add3A_349, %add3A_365 : i32
      %sub3A = arith.constant 1 : i32
      %sub3A_367 = arith.subi %add3A_366, %sub3A : i32
      %mul3A_368 = arith.constant 16 : i32
      %mul3A_369 = arith.muli %sub3A_367, %mul3A_368 : i32
      %add3A_370 = arith.addi %mul3A_2, %mul3A_369 : i32
      %dma_start3A_371 = arith.constant 0 : i32
      %dma_start3A_372 = arith.constant 0 : i32
      %dma_start3A_373 = arith.constant 0 : i32
      %dma_start3A_374 = tpu.memref_slice %arg5[%dma_start3A_372, %dma_start3A_373] : memref<16x1024xf32, #tpu.memory_space<vmem>> -> memref<16x1024xf32, #tpu.memory_space<vmem>>
      %dma_start3A_375 = arith.constant 0 : i32
      %dma_start3A_376 = tpu.memref_slice %arg2[%add3A_370, %dma_start3A_375] : memref<16384x1024xf32, #tpu.memory_space<hbm>> -> memref<16x1024xf32, #tpu.memory_space<hbm>>
      %dma_start3A_377 = tpu.memref_slice %arg14[%dma_start3A_371] : memref<4x!tpu.dma_semaphore, #tpu.memory_space<semaphore_mem>> -> memref<1x!tpu.dma_semaphore, #tpu.memory_space<semaphore_mem>>
      %dma_start3A_378 = tpu.memref_squeeze %dma_start3A_377 : memref<1x!tpu.dma_semaphore, #tpu.memory_space<semaphore_mem>> -> memref<!tpu.dma_semaphore, #tpu.memory_space<semaphore_mem>>
      %dma_start3A_379 = arith.constant 0 : i32
      %dma_start3A_380 = arith.constant 0 : i32
      %dma_start3A_381 = tpu.memref_slice %arg5[%dma_start3A_379, %dma_start3A_380] : memref<16x1024xf32, #tpu.memory_space<vmem>> -> memref<16x1024xf32, #tpu.memory_space<vmem>>
      %dma_start3A_382 = arith.constant 0 : i32
      %dma_start3A_383 = tpu.memref_slice %arg2[%add3A_370, %dma_start3A_382] : memref<16384x1024xf32, #tpu.memory_space<hbm>> -> memref<16x1024xf32, #tpu.memory_space<hbm>>
      tpu.enqueue_dma source(%dma_start3A_383 : memref<16x1024xf32, #tpu.memory_space<hbm>>) target(%dma_start3A_381 : memref<16x1024xf32, #tpu.memory_space<vmem>>) target_semaphore(%dma_start3A_378 : memref<!tpu.dma_semaphore, #tpu.memory_space<semaphore_mem>>)
      %mul3A_384 = arith.constant 2048 : i32
      %mul3A_385 = arith.muli %sub3A_367, %mul3A_384 : i32
      %add3A_386 = arith.addi %mul3A_6, %mul3A_385 : i32
      %dma_start3A_387 = arith.constant 0 : i32
      %dma_start3A_388 = tpu.memref_slice %arg3[%add3A_386] : memref<2097152xi32, #tpu.memory_space<hbm>> -> memref<2048xi32, #tpu.memory_space<hbm>>
      %dma_start3A_389 = tpu.memref_slice %arg14[%dma_start3A_387] : memref<4x!tpu.dma_semaphore, #tpu.memory_space<semaphore_mem>> -> memref<1x!tpu.dma_semaphore, #tpu.memory_space<semaphore_mem>>
      %dma_start3A_390 = tpu.memref_squeeze %dma_start3A_389 : memref<1x!tpu.dma_semaphore, #tpu.memory_space<semaphore_mem>> -> memref<!tpu.dma_semaphore, #tpu.memory_space<semaphore_mem>>
      %dma_start3A_391 = tpu.memref_slice %arg3[%add3A_386] : memref<2097152xi32, #tpu.memory_space<hbm>> -> memref<2048xi32, #tpu.memory_space<hbm>>
      tpu.enqueue_dma source(%dma_start3A_391 : memref<2048xi32, #tpu.memory_space<hbm>>) target(%arg9 : memref<2048xi32, #tpu.memory_space<vmem>>) target_semaphore(%dma_start3A_390 : memref<!tpu.dma_semaphore, #tpu.memory_space<semaphore_mem>>)
      %dma_wait3A_392 = arith.constant 1 : i32
      %dma_wait3A_393 = arith.constant 0 : i32
      %dma_wait3A_394 = arith.constant 0 : i32
      %dma_wait3A_395 = tpu.memref_slice %arg6[%dma_wait3A_393, %dma_wait3A_394] : memref<16x1024xf32, #tpu.memory_space<vmem>> -> memref<16x1024xf32, #tpu.memory_space<vmem>>
      %dma_wait3A_396 = arith.constant 0 : i32
      %dma_wait3A_397 = arith.constant 0 : i32
      %dma_wait3A_398 = tpu.memref_slice %arg2[%dma_wait3A_396, %dma_wait3A_397] : memref<16384x1024xf32, #tpu.memory_space<hbm>> -> memref<16x1024xf32, #tpu.memory_space<hbm>>
      %dma_wait3A_399 = tpu.memref_slice %arg14[%dma_wait3A_392] : memref<4x!tpu.dma_semaphore, #tpu.memory_space<semaphore_mem>> -> memref<1x!tpu.dma_semaphore, #tpu.memory_space<semaphore_mem>>
      %dma_wait3A_400 = tpu.memref_squeeze %dma_wait3A_399 : memref<1x!tpu.dma_semaphore, #tpu.memory_space<semaphore_mem>> -> memref<!tpu.dma_semaphore, #tpu.memory_space<semaphore_mem>>
      %dma_wait3A_401 = arith.constant 0 : i32
      %dma_wait3A_402 = arith.constant 0 : i32
      %dma_wait3A_403 = tpu.memref_slice %arg6[%dma_wait3A_401, %dma_wait3A_402] : memref<16x1024xf32, #tpu.memory_space<vmem>> -> memref<16x1024xf32, #tpu.memory_space<vmem>>
      %dma_wait3A_404 = arith.constant 0 : i32
      %dma_wait3A_405 = arith.constant 0 : i32
      %dma_wait3A_406 = tpu.memref_slice %arg2[%dma_wait3A_404, %dma_wait3A_405] : memref<16384x1024xf32, #tpu.memory_space<hbm>> -> memref<16x1024xf32, #tpu.memory_space<hbm>>
      tpu.wait_dma2 semaphore(%dma_wait3A_400 : memref<!tpu.dma_semaphore, #tpu.memory_space<semaphore_mem>>) src(%dma_wait3A_406 : memref<16x1024xf32, #tpu.memory_space<hbm>>) dst(%dma_wait3A_403 : memref<16x1024xf32, #tpu.memory_space<vmem>>)
      %dma_wait3A_407 = arith.constant 1 : i32
      %dma_wait3A_408 = arith.constant 0 : i32
      %dma_wait3A_409 = tpu.memref_slice %arg3[%dma_wait3A_408] : memref<2097152xi32, #tpu.memory_space<hbm>> -> memref<2048xi32, #tpu.memory_space<hbm>>
      %dma_wait3A_410 = tpu.memref_slice %arg14[%dma_wait3A_407] : memref<4x!tpu.dma_semaphore, #tpu.memory_space<semaphore_mem>> -> memref<1x!tpu.dma_semaphore, #tpu.memory_space<semaphore_mem>>
      %dma_wait3A_411 = tpu.memref_squeeze %dma_wait3A_410 : memref<1x!tpu.dma_semaphore, #tpu.memory_space<semaphore_mem>> -> memref<!tpu.dma_semaphore, #tpu.memory_space<semaphore_mem>>
      %dma_wait3A_412 = arith.constant 0 : i32
      %dma_wait3A_413 = tpu.memref_slice %arg3[%dma_wait3A_412] : memref<2097152xi32, #tpu.memory_space<hbm>> -> memref<2048xi32, #tpu.memory_space<hbm>>
      tpu.wait_dma2 semaphore(%dma_wait3A_411 : memref<!tpu.dma_semaphore, #tpu.memory_space<semaphore_mem>>) src(%dma_wait3A_413 : memref<2048xi32, #tpu.memory_space<hbm>>) dst(%arg10 : memref<2048xi32, #tpu.memory_space<vmem>>)
      %parallel_loop3A_414 = arith.constant 0 : i32
      %parallel_loop3A_415 = arith.constant 14 : i32
      %parallel_loop3A_416 = arith.constant 1 : i32
      scf.for %parallel_loop3A_728 = %parallel_loop3A_414 to %parallel_loop3A_415 step %parallel_loop3A_416  : i32 {
        %parallel_loop3A_729 = arith.constant 16 : i32
        %parallel_loop3A_730 = arith.muli %parallel_loop3A_728, %parallel_loop3A_729 : i32
        %parallel_loop3A_731 = arith.index_cast %parallel_loop3A_730 : i32 to index
        %parallel_loop3A_732 = tpu.vector_load %arg10[%parallel_loop3A_731] {strides = array<i32>} : memref<2048xi32, #tpu.memory_space<vmem>>, vector<16xi32>,
        %parallel_loop3A_733 = arith.constant 10 : i32
        %parallel_loop3A_734 = vector.broadcast %parallel_loop3A_733 : i32 to vector<16xi32>
        %parallel_loop3A_735 = arith.shrsi %parallel_loop3A_732, %parallel_loop3A_734 : vector<16xi32>
        %parallel_loop3A_736 = arith.constant 1023 : i32
        %parallel_loop3A_737 = vector.broadcast %parallel_loop3A_736 : i32 to vector<16xi32>
        %parallel_loop3A_738 = arith.andi %parallel_loop3A_732, %parallel_loop3A_737 : vector<16xi32>
        %parallel_loop3A_739 = tpu.vector_load_idx %arg6[%parallel_loop3A_735, %parallel_loop3A_738] : memref<16x1024xf32, #tpu.memory_space<vmem>>[vector<16xi32>, vector<16xi32>], vector<16xf32>,
        %parallel_loop3A_740 = arith.constant 16 : i32
        %parallel_loop3A_741 = arith.muli %parallel_loop3A_728, %parallel_loop3A_740 : i32
        %parallel_loop3A_742 = arith.index_cast %parallel_loop3A_741 : i32 to index
        %parallel_loop3A_743 = tpu.vector_load %arg13[%parallel_loop3A_742] {strides = array<i32>} : memref<256xf32, #tpu.memory_space<vmem>>, vector<16xf32>,
        tpu.vector_store %arg13[%parallel_loop3A_742], %parallel_loop3A_739 {strides = array<i32>} : memref<256xf32, #tpu.memory_space<vmem>>, vector<16xf32>,
      } {sc.loop_unroll_factor = 2 : i64, sc.parallel_access}
      %parallel_loop3A_417 = arith.constant 0 : i32
      %parallel_loop3A_418 = arith.constant 100 : i32
      %parallel_loop3A_419 = arith.constant 1 : i32
      scf.for %parallel_loop3A_728 = %parallel_loop3A_417 to %parallel_loop3A_418 step %parallel_loop3A_419  : i32 {
        %parallel_loop3A_729 = arith.constant 16 : i32
        %parallel_loop3A_730 = arith.muli %parallel_loop3A_728, %parallel_loop3A_729 : i32
        %parallel_loop3A_731 = arith.constant 224 : i32
        %parallel_loop3A_732 = arith.addi %parallel_loop3A_731, %parallel_loop3A_730 : i32
        %parallel_loop3A_733 = arith.index_cast %parallel_loop3A_732 : i32 to index
        %parallel_loop3A_734 = tpu.vector_load %arg10[%parallel_loop3A_733] {strides = array<i32>} : memref<2048xi32, #tpu.memory_space<vmem>>, vector<16xi32>,
        %parallel_loop3A_735 = arith.constant 16 : i32
        %parallel_loop3A_736 = vector.broadcast %parallel_loop3A_735 : i32 to vector<16xi32>
        %parallel_loop3A_737 = arith.shrsi %parallel_loop3A_734, %parallel_loop3A_736 : vector<16xi32>
        %parallel_loop3A_738 = arith.constant 65535 : i32
        %parallel_loop3A_739 = vector.broadcast %parallel_loop3A_738 : i32 to vector<16xi32>
        %parallel_loop3A_740 = arith.andi %parallel_loop3A_734, %parallel_loop3A_739 : vector<16xi32>
        %parallel_loop3A_741 = arith.constant 10 : i32
        %parallel_loop3A_742 = vector.broadcast %parallel_loop3A_741 : i32 to vector<16xi32>
        %parallel_loop3A_743 = arith.shrsi %parallel_loop3A_737, %parallel_loop3A_742 : vector<16xi32>
        %parallel_loop3A_744 = arith.constant 1023 : i32
        %parallel_loop3A_745 = vector.broadcast %parallel_loop3A_744 : i32 to vector<16xi32>
        %parallel_loop3A_746 = arith.andi %parallel_loop3A_737, %parallel_loop3A_745 : vector<16xi32>
        %parallel_loop3A_747 = tpu.vector_load_idx %arg6[%parallel_loop3A_743, %parallel_loop3A_746] : memref<16x1024xf32, #tpu.memory_space<vmem>>[vector<16xi32>, vector<16xi32>], vector<16xf32>,
        %parallel_loop3A_748 = arith.constant 10 : i32
        %parallel_loop3A_749 = vector.broadcast %parallel_loop3A_748 : i32 to vector<16xi32>
        %parallel_loop3A_750 = arith.shrsi %parallel_loop3A_740, %parallel_loop3A_749 : vector<16xi32>
        %parallel_loop3A_751 = arith.constant 1023 : i32
        %parallel_loop3A_752 = vector.broadcast %parallel_loop3A_751 : i32 to vector<16xi32>
        %parallel_loop3A_753 = arith.andi %parallel_loop3A_740, %parallel_loop3A_752 : vector<16xi32>
        tpu.vector_store_idx %arg6[%parallel_loop3A_750, %parallel_loop3A_753], %parallel_loop3A_747 : memref<16x1024xf32, #tpu.memory_space<vmem>>[vector<16xi32>, vector<16xi32>], vector<16xf32>,
      } {sc.loop_unroll_factor = 4 : i64, sc.parallel_access}
      %parallel_loop3A_420 = arith.constant 0 : i32
      %parallel_loop3A_421 = arith.constant 14 : i32
      %parallel_loop3A_422 = arith.constant 1 : i32
      scf.for %parallel_loop3A_728 = %parallel_loop3A_420 to %parallel_loop3A_421 step %parallel_loop3A_422  : i32 {
        %parallel_loop3A_729 = arith.constant 16 : i32
        %parallel_loop3A_730 = arith.muli %parallel_loop3A_728, %parallel_loop3A_729 : i32
        %parallel_loop3A_731 = arith.constant 1824 : i32
        %parallel_loop3A_732 = arith.addi %parallel_loop3A_731, %parallel_loop3A_730 : i32
        %parallel_loop3A_733 = arith.index_cast %parallel_loop3A_732 : i32 to index
        %parallel_loop3A_734 = tpu.vector_load %arg10[%parallel_loop3A_733] {strides = array<i32>} : memref<2048xi32, #tpu.memory_space<vmem>>, vector<16xi32>,
        %parallel_loop3A_735 = arith.constant 65535 : i32
        %parallel_loop3A_736 = vector.broadcast %parallel_loop3A_735 : i32 to vector<16xi32>
        %parallel_loop3A_737 = arith.andi %parallel_loop3A_734, %parallel_loop3A_736 : vector<16xi32>
        %parallel_loop3A_738 = arith.constant 16 : i32
        %parallel_loop3A_739 = vector.broadcast %parallel_loop3A_738 : i32 to vector<16xi32>
        %parallel_loop3A_740 = arith.shrsi %parallel_loop3A_734, %parallel_loop3A_739 : vector<16xi32>
        %parallel_loop3A_741 = tpu.vector_load_idx %arg13[%parallel_loop3A_740] : memref<256xf32, #tpu.memory_space<vmem>>[vector<16xi32>], vector<16xf32>,
        %parallel_loop3A_742 = arith.constant 10 : i32
        %parallel_loop3A_743 = vector.broadcast %parallel_loop3A_742 : i32 to vector<16xi32>
        %parallel_loop3A_744 = arith.shrsi %parallel_loop3A_737, %parallel_loop3A_743 : vector<16xi32>
        %parallel_loop3A_745 = arith.constant 1023 : i32
        %parallel_loop3A_746 = vector.broadcast %parallel_loop3A_745 : i32 to vector<16xi32>
        %parallel_loop3A_747 = arith.andi %parallel_loop3A_737, %parallel_loop3A_746 : vector<16xi32>
        tpu.vector_store_idx %arg6[%parallel_loop3A_744, %parallel_loop3A_747], %parallel_loop3A_741 : memref<16x1024xf32, #tpu.memory_space<vmem>>[vector<16xi32>, vector<16xi32>], vector<16xf32>,
      } {sc.loop_unroll_factor = 2 : i64, sc.parallel_access}
      %mul3A_423 = arith.constant 16 : i32
      %mul3A_424 = arith.muli %add3A_349, %mul3A_423 : i32
      %add3A_425 = arith.addi %mul3A_2, %mul3A_424 : i32
      %dma_start3A_426 = arith.constant 1 : i32
      %dma_start3A_427 = arith.constant 0 : i32
      %dma_start3A_428 = arith.constant 0 : i32
      %dma_start3A_429 = tpu.memref_slice %arg6[%dma_start3A_427, %dma_start3A_428] : memref<16x1024xf32, #tpu.memory_space<vmem>> -> memref<16x1024xf32, #tpu.memory_space<vmem>>
      %dma_start3A_430 = arith.constant 0 : i32
      %dma_start3A_431 = tpu.memref_slice %arg4[%add3A_425, %dma_start3A_430] : memref<16384x1024xf32, #tpu.memory_space<hbm>> -> memref<16x1024xf32, #tpu.memory_space<hbm>>
      %dma_start3A_432 = tpu.memref_slice %arg15[%dma_start3A_426] : memref<4x!tpu.dma_semaphore, #tpu.memory_space<semaphore_mem>> -> memref<1x!tpu.dma_semaphore, #tpu.memory_space<semaphore_mem>>
      %dma_start3A_433 = tpu.memref_squeeze %dma_start3A_432 : memref<1x!tpu.dma_semaphore, #tpu.memory_space<semaphore_mem>> -> memref<!tpu.dma_semaphore, #tpu.memory_space<semaphore_mem>>
      %dma_start3A_434 = arith.constant 0 : i32
      %dma_start3A_435 = tpu.memref_slice %arg4[%add3A_425, %dma_start3A_434] : memref<16384x1024xf32, #tpu.memory_space<hbm>> -> memref<16x1024xf32, #tpu.memory_space<hbm>>
      %dma_start3A_436 = arith.constant 0 : i32
      %dma_start3A_437 = arith.constant 0 : i32
      %dma_start3A_438 = tpu.memref_slice %arg6[%dma_start3A_436, %dma_start3A_437] : memref<16x1024xf32, #tpu.memory_space<vmem>> -> memref<16x1024xf32, #tpu.memory_space<vmem>>
      tpu.enqueue_dma source(%dma_start3A_438 : memref<16x1024xf32, #tpu.memory_space<vmem>>) target(%dma_start3A_435 : memref<16x1024xf32, #tpu.memory_space<hbm>>) target_semaphore(%dma_start3A_433 : memref<!tpu.dma_semaphore, #tpu.memory_space<semaphore_mem>>)
      %mul3A_439 = arith.constant 4 : i32
      %mul3A_440 = arith.muli %scan3A_342, %mul3A_439 : i32
      %add3A_441 = arith.constant 1 : i32
      %add3A_442 = arith.addi %mul3A_440, %add3A_441 : i32
      %add3A_443 = arith.constant 1 : i32
      %add3A_444 = arith.addi %add3A_442, %add3A_443 : i32
      %dma_wait3A_445 = arith.constant 1 : i32
      %dma_wait3A_446 = arith.constant 0 : i32
      %dma_wait3A_447 = arith.constant 0 : i32
      %dma_wait3A_448 = tpu.memref_slice %arg6[%dma_wait3A_446, %dma_wait3A_447] : memref<16x1024xf32, #tpu.memory_space<vmem>> -> memref<16x1024xf32, #tpu.memory_space<vmem>>
      %dma_wait3A_449 = arith.constant 0 : i32
      %dma_wait3A_450 = arith.constant 0 : i32
      %dma_wait3A_451 = tpu.memref_slice %arg4[%dma_wait3A_449, %dma_wait3A_450] : memref<16384x1024xf32, #tpu.memory_space<hbm>> -> memref<16x1024xf32, #tpu.memory_space<hbm>>
      %dma_wait3A_452 = tpu.memref_slice %arg15[%dma_wait3A_445] : memref<4x!tpu.dma_semaphore, #tpu.memory_space<semaphore_mem>> -> memref<1x!tpu.dma_semaphore, #tpu.memory_space<semaphore_mem>>
      %dma_wait3A_453 = tpu.memref_squeeze %dma_wait3A_452 : memref<1x!tpu.dma_semaphore, #tpu.memory_space<semaphore_mem>> -> memref<!tpu.dma_semaphore, #tpu.memory_space<semaphore_mem>>
      %dma_wait3A_454 = arith.constant 0 : i32
      %dma_wait3A_455 = arith.constant 0 : i32
      %dma_wait3A_456 = tpu.memref_slice %arg4[%dma_wait3A_454, %dma_wait3A_455] : memref<16384x1024xf32, #tpu.memory_space<hbm>> -> memref<16x1024xf32, #tpu.memory_space<hbm>>
      %dma_wait3A_457 = arith.constant 0 : i32
      %dma_wait3A_458 = arith.constant 0 : i32
      %dma_wait3A_459 = tpu.memref_slice %arg6[%dma_wait3A_457, %dma_wait3A_458] : memref<16x1024xf32, #tpu.memory_space<vmem>> -> memref<16x1024xf32, #tpu.memory_space<vmem>>
      tpu.wait_dma2 semaphore(%dma_wait3A_453 : memref<!tpu.dma_semaphore, #tpu.memory_space<semaphore_mem>>) src(%dma_wait3A_459 : memref<16x1024xf32, #tpu.memory_space<vmem>>) dst(%dma_wait3A_456 : memref<16x1024xf32, #tpu.memory_space<hbm>>)
      %add3A_460 = arith.constant 4 : i32
      %add3A_461 = arith.addi %add3A_444, %add3A_460 : i32
      %sub3A_462 = arith.constant 1 : i32
      %sub3A_463 = arith.subi %add3A_461, %sub3A_462 : i32
      %mul3A_464 = arith.constant 16 : i32
      %mul3A_465 = arith.muli %sub3A_463, %mul3A_464 : i32
      %add3A_466 = arith.addi %mul3A_2, %mul3A_465 : i32
      %dma_start3A_467 = arith.constant 1 : i32
      %dma_start3A_468 = arith.constant 0 : i32
      %dma_start3A_469 = arith.constant 0 : i32
      %dma_start3A_470 = tpu.memref_slice %arg6[%dma_start3A_468, %dma_start3A_469] : memref<16x1024xf32, #tpu.memory_space<vmem>> -> memref<16x1024xf32, #tpu.memory_space<vmem>>
      %dma_start3A_471 = arith.constant 0 : i32
      %dma_start3A_472 = tpu.memref_slice %arg2[%add3A_466, %dma_start3A_471] : memref<16384x1024xf32, #tpu.memory_space<hbm>> -> memref<16x1024xf32, #tpu.memory_space<hbm>>
      %dma_start3A_473 = tpu.memref_slice %arg14[%dma_start3A_467] : memref<4x!tpu.dma_semaphore, #tpu.memory_space<semaphore_mem>> -> memref<1x!tpu.dma_semaphore, #tpu.memory_space<semaphore_mem>>
      %dma_start3A_474 = tpu.memref_squeeze %dma_start3A_473 : memref<1x!tpu.dma_semaphore, #tpu.memory_space<semaphore_mem>> -> memref<!tpu.dma_semaphore, #tpu.memory_space<semaphore_mem>>
      %dma_start3A_475 = arith.constant 0 : i32
      %dma_start3A_476 = arith.constant 0 : i32
      %dma_start3A_477 = tpu.memref_slice %arg6[%dma_start3A_475, %dma_start3A_476] : memref<16x1024xf32, #tpu.memory_space<vmem>> -> memref<16x1024xf32, #tpu.memory_space<vmem>>
      %dma_start3A_478 = arith.constant 0 : i32
      %dma_start3A_479 = tpu.memref_slice %arg2[%add3A_466, %dma_start3A_478] : memref<16384x1024xf32, #tpu.memory_space<hbm>> -> memref<16x1024xf32, #tpu.memory_space<hbm>>
      tpu.enqueue_dma source(%dma_start3A_479 : memref<16x1024xf32, #tpu.memory_space<hbm>>) target(%dma_start3A_477 : memref<16x1024xf32, #tpu.memory_space<vmem>>) target_semaphore(%dma_start3A_474 : memref<!tpu.dma_semaphore, #tpu.memory_space<semaphore_mem>>)
      %mul3A_480 = arith.constant 2048 : i32
      %mul3A_481 = arith.muli %sub3A_463, %mul3A_480 : i32
      %add3A_482 = arith.addi %mul3A_6, %mul3A_481 : i32
      %dma_start3A_483 = arith.constant 1 : i32
      %dma_start3A_484 = tpu.memref_slice %arg3[%add3A_482] : memref<2097152xi32, #tpu.memory_space<hbm>> -> memref<2048xi32, #tpu.memory_space<hbm>>
      %dma_start3A_485 = tpu.memref_slice %arg14[%dma_start3A_483] : memref<4x!tpu.dma_semaphore, #tpu.memory_space<semaphore_mem>> -> memref<1x!tpu.dma_semaphore, #tpu.memory_space<semaphore_mem>>
      %dma_start3A_486 = tpu.memref_squeeze %dma_start3A_485 : memref<1x!tpu.dma_semaphore, #tpu.memory_space<semaphore_mem>> -> memref<!tpu.dma_semaphore, #tpu.memory_space<semaphore_mem>>
      %dma_start3A_487 = tpu.memref_slice %arg3[%add3A_482] : memref<2097152xi32, #tpu.memory_space<hbm>> -> memref<2048xi32, #tpu.memory_space<hbm>>
      tpu.enqueue_dma source(%dma_start3A_487 : memref<2048xi32, #tpu.memory_space<hbm>>) target(%arg10 : memref<2048xi32, #tpu.memory_space<vmem>>) target_semaphore(%dma_start3A_486 : memref<!tpu.dma_semaphore, #tpu.memory_space<semaphore_mem>>)
      %dma_wait3A_488 = arith.constant 2 : i32
      %dma_wait3A_489 = arith.constant 0 : i32
      %dma_wait3A_490 = arith.constant 0 : i32
      %dma_wait3A_491 = tpu.memref_slice %arg7[%dma_wait3A_489, %dma_wait3A_490] : memref<16x1024xf32, #tpu.memory_space<vmem>> -> memref<16x1024xf32, #tpu.memory_space<vmem>>
      %dma_wait3A_492 = arith.constant 0 : i32
      %dma_wait3A_493 = arith.constant 0 : i32
      %dma_wait3A_494 = tpu.memref_slice %arg2[%dma_wait3A_492, %dma_wait3A_493] : memref<16384x1024xf32, #tpu.memory_space<hbm>> -> memref<16x1024xf32, #tpu.memory_space<hbm>>
      %dma_wait3A_495 = tpu.memref_slice %arg14[%dma_wait3A_488] : memref<4x!tpu.dma_semaphore, #tpu.memory_space<semaphore_mem>> -> memref<1x!tpu.dma_semaphore, #tpu.memory_space<semaphore_mem>>
      %dma_wait3A_496 = tpu.memref_squeeze %dma_wait3A_495 : memref<1x!tpu.dma_semaphore, #tpu.memory_space<semaphore_mem>> -> memref<!tpu.dma_semaphore, #tpu.memory_space<semaphore_mem>>
      %dma_wait3A_497 = arith.constant 0 : i32
      %dma_wait3A_498 = arith.constant 0 : i32
      %dma_wait3A_499 = tpu.memref_slice %arg7[%dma_wait3A_497, %dma_wait3A_498] : memref<16x1024xf32, #tpu.memory_space<vmem>> -> memref<16x1024xf32, #tpu.memory_space<vmem>>
      %dma_wait3A_500 = arith.constant 0 : i32
      %dma_wait3A_501 = arith.constant 0 : i32
      %dma_wait3A_502 = tpu.memref_slice %arg2[%dma_wait3A_500, %dma_wait3A_501] : memref<16384x1024xf32, #tpu.memory_space<hbm>> -> memref<16x1024xf32, #tpu.memory_space<hbm>>
      tpu.wait_dma2 semaphore(%dma_wait3A_496 : memref<!tpu.dma_semaphore, #tpu.memory_space<semaphore_mem>>) src(%dma_wait3A_502 : memref<16x1024xf32, #tpu.memory_space<hbm>>) dst(%dma_wait3A_499 : memref<16x1024xf32, #tpu.memory_space<vmem>>)
      %dma_wait3A_503 = arith.constant 2 : i32
      %dma_wait3A_504 = arith.constant 0 : i32
      %dma_wait3A_505 = tpu.memref_slice %arg3[%dma_wait3A_504] : memref<2097152xi32, #tpu.memory_space<hbm>> -> memref<2048xi32, #tpu.memory_space<hbm>>
      %dma_wait3A_506 = tpu.memref_slice %arg14[%dma_wait3A_503] : memref<4x!tpu.dma_semaphore, #tpu.memory_space<semaphore_mem>> -> memref<1x!tpu.dma_semaphore, #tpu.memory_space<semaphore_mem>>
      %dma_wait3A_507 = tpu.memref_squeeze %dma_wait3A_506 : memref<1x!tpu.dma_semaphore, #tpu.memory_space<semaphore_mem>> -> memref<!tpu.dma_semaphore, #tpu.memory_space<semaphore_mem>>
      %dma_wait3A_508 = arith.constant 0 : i32
      %dma_wait3A_509 = tpu.memref_slice %arg3[%dma_wait3A_508] : memref<2097152xi32, #tpu.memory_space<hbm>> -> memref<2048xi32, #tpu.memory_space<hbm>>
      tpu.wait_dma2 semaphore(%dma_wait3A_507 : memref<!tpu.dma_semaphore, #tpu.memory_space<semaphore_mem>>) src(%dma_wait3A_509 : memref<2048xi32, #tpu.memory_space<hbm>>) dst(%arg11 : memref<2048xi32, #tpu.memory_space<vmem>>)
      %parallel_loop3A_510 = arith.constant 0 : i32
      %parallel_loop3A_511 = arith.constant 14 : i32
      %parallel_loop3A_512 = arith.constant 1 : i32
      scf.for %parallel_loop3A_728 = %parallel_loop3A_510 to %parallel_loop3A_511 step %parallel_loop3A_512  : i32 {
        %parallel_loop3A_729 = arith.constant 16 : i32
        %parallel_loop3A_730 = arith.muli %parallel_loop3A_728, %parallel_loop3A_729 : i32
        %parallel_loop3A_731 = arith.index_cast %parallel_loop3A_730 : i32 to index
        %parallel_loop3A_732 = tpu.vector_load %arg11[%parallel_loop3A_731] {strides = array<i32>} : memref<2048xi32, #tpu.memory_space<vmem>>, vector<16xi32>,
        %parallel_loop3A_733 = arith.constant 10 : i32
        %parallel_loop3A_734 = vector.broadcast %parallel_loop3A_733 : i32 to vector<16xi32>
        %parallel_loop3A_735 = arith.shrsi %parallel_loop3A_732, %parallel_loop3A_734 : vector<16xi32>
        %parallel_loop3A_736 = arith.constant 1023 : i32
        %parallel_loop3A_737 = vector.broadcast %parallel_loop3A_736 : i32 to vector<16xi32>
        %parallel_loop3A_738 = arith.andi %parallel_loop3A_732, %parallel_loop3A_737 : vector<16xi32>
        %parallel_loop3A_739 = tpu.vector_load_idx %arg7[%parallel_loop3A_735, %parallel_loop3A_738] : memref<16x1024xf32, #tpu.memory_space<vmem>>[vector<16xi32>, vector<16xi32>], vector<16xf32>,
        %parallel_loop3A_740 = arith.constant 16 : i32
        %parallel_loop3A_741 = arith.muli %parallel_loop3A_728, %parallel_loop3A_740 : i32
        %parallel_loop3A_742 = arith.index_cast %parallel_loop3A_741 : i32 to index
        %parallel_loop3A_743 = tpu.vector_load %arg13[%parallel_loop3A_742] {strides = array<i32>} : memref<256xf32, #tpu.memory_space<vmem>>, vector<16xf32>,
        tpu.vector_store %arg13[%parallel_loop3A_742], %parallel_loop3A_739 {strides = array<i32>} : memref<256xf32, #tpu.memory_space<vmem>>, vector<16xf32>,
      } {sc.loop_unroll_factor = 2 : i64, sc.parallel_access}
      %parallel_loop3A_513 = arith.constant 0 : i32
      %parallel_loop3A_514 = arith.constant 100 : i32
      %parallel_loop3A_515 = arith.constant 1 : i32
      scf.for %parallel_loop3A_728 = %parallel_loop3A_513 to %parallel_loop3A_514 step %parallel_loop3A_515  : i32 {
        %parallel_loop3A_729 = arith.constant 16 : i32
        %parallel_loop3A_730 = arith.muli %parallel_loop3A_728, %parallel_loop3A_729 : i32
        %parallel_loop3A_731 = arith.constant 224 : i32
        %parallel_loop3A_732 = arith.addi %parallel_loop3A_731, %parallel_loop3A_730 : i32
        %parallel_loop3A_733 = arith.index_cast %parallel_loop3A_732 : i32 to index
        %parallel_loop3A_734 = tpu.vector_load %arg11[%parallel_loop3A_733] {strides = array<i32>} : memref<2048xi32, #tpu.memory_space<vmem>>, vector<16xi32>,
        %parallel_loop3A_735 = arith.constant 16 : i32
        %parallel_loop3A_736 = vector.broadcast %parallel_loop3A_735 : i32 to vector<16xi32>
        %parallel_loop3A_737 = arith.shrsi %parallel_loop3A_734, %parallel_loop3A_736 : vector<16xi32>
        %parallel_loop3A_738 = arith.constant 65535 : i32
        %parallel_loop3A_739 = vector.broadcast %parallel_loop3A_738 : i32 to vector<16xi32>
        %parallel_loop3A_740 = arith.andi %parallel_loop3A_734, %parallel_loop3A_739 : vector<16xi32>
        %parallel_loop3A_741 = arith.constant 10 : i32
        %parallel_loop3A_742 = vector.broadcast %parallel_loop3A_741 : i32 to vector<16xi32>
        %parallel_loop3A_743 = arith.shrsi %parallel_loop3A_737, %parallel_loop3A_742 : vector<16xi32>
        %parallel_loop3A_744 = arith.constant 1023 : i32
        %parallel_loop3A_745 = vector.broadcast %parallel_loop3A_744 : i32 to vector<16xi32>
        %parallel_loop3A_746 = arith.andi %parallel_loop3A_737, %parallel_loop3A_745 : vector<16xi32>
        %parallel_loop3A_747 = tpu.vector_load_idx %arg7[%parallel_loop3A_743, %parallel_loop3A_746] : memref<16x1024xf32, #tpu.memory_space<vmem>>[vector<16xi32>, vector<16xi32>], vector<16xf32>,
        %parallel_loop3A_748 = arith.constant 10 : i32
        %parallel_loop3A_749 = vector.broadcast %parallel_loop3A_748 : i32 to vector<16xi32>
        %parallel_loop3A_750 = arith.shrsi %parallel_loop3A_740, %parallel_loop3A_749 : vector<16xi32>
        %parallel_loop3A_751 = arith.constant 1023 : i32
        %parallel_loop3A_752 = vector.broadcast %parallel_loop3A_751 : i32 to vector<16xi32>
        %parallel_loop3A_753 = arith.andi %parallel_loop3A_740, %parallel_loop3A_752 : vector<16xi32>
        tpu.vector_store_idx %arg7[%parallel_loop3A_750, %parallel_loop3A_753], %parallel_loop3A_747 : memref<16x1024xf32, #tpu.memory_space<vmem>>[vector<16xi32>, vector<16xi32>], vector<16xf32>,
      } {sc.loop_unroll_factor = 4 : i64, sc.parallel_access}
      %parallel_loop3A_516 = arith.constant 0 : i32
      %parallel_loop3A_517 = arith.constant 14 : i32
      %parallel_loop3A_518 = arith.constant 1 : i32
      scf.for %parallel_loop3A_728 = %parallel_loop3A_516 to %parallel_loop3A_517 step %parallel_loop3A_518  : i32 {
        %parallel_loop3A_729 = arith.constant 16 : i32
        %parallel_loop3A_730 = arith.muli %parallel_loop3A_728, %parallel_loop3A_729 : i32
        %parallel_loop3A_731 = arith.constant 1824 : i32
        %parallel_loop3A_732 = arith.addi %parallel_loop3A_731, %parallel_loop3A_730 : i32
        %parallel_loop3A_733 = arith.index_cast %parallel_loop3A_732 : i32 to index
        %parallel_loop3A_734 = tpu.vector_load %arg11[%parallel_loop3A_733] {strides = array<i32>} : memref<2048xi32, #tpu.memory_space<vmem>>, vector<16xi32>,
        %parallel_loop3A_735 = arith.constant 65535 : i32
        %parallel_loop3A_736 = vector.broadcast %parallel_loop3A_735 : i32 to vector<16xi32>
        %parallel_loop3A_737 = arith.andi %parallel_loop3A_734, %parallel_loop3A_736 : vector<16xi32>
        %parallel_loop3A_738 = arith.constant 16 : i32
        %parallel_loop3A_739 = vector.broadcast %parallel_loop3A_738 : i32 to vector<16xi32>
        %parallel_loop3A_740 = arith.shrsi %parallel_loop3A_734, %parallel_loop3A_739 : vector<16xi32>
        %parallel_loop3A_741 = tpu.vector_load_idx %arg13[%parallel_loop3A_740] : memref<256xf32, #tpu.memory_space<vmem>>[vector<16xi32>], vector<16xf32>,
        %parallel_loop3A_742 = arith.constant 10 : i32
        %parallel_loop3A_743 = vector.broadcast %parallel_loop3A_742 : i32 to vector<16xi32>
        %parallel_loop3A_744 = arith.shrsi %parallel_loop3A_737, %parallel_loop3A_743 : vector<16xi32>
        %parallel_loop3A_745 = arith.constant 1023 : i32
        %parallel_loop3A_746 = vector.broadcast %parallel_loop3A_745 : i32 to vector<16xi32>
        %parallel_loop3A_747 = arith.andi %parallel_loop3A_737, %parallel_loop3A_746 : vector<16xi32>
        tpu.vector_store_idx %arg7[%parallel_loop3A_744, %parallel_loop3A_747], %parallel_loop3A_741 : memref<16x1024xf32, #tpu.memory_space<vmem>>[vector<16xi32>, vector<16xi32>], vector<16xf32>,
      } {sc.loop_unroll_factor = 2 : i64, sc.parallel_access}
      %mul3A_519 = arith.constant 16 : i32
      %mul3A_520 = arith.muli %add3A_444, %mul3A_519 : i32
      %add3A_521 = arith.addi %mul3A_2, %mul3A_520 : i32
      %dma_start3A_522 = arith.constant 2 : i32
      %dma_start3A_523 = arith.constant 0 : i32
      %dma_start3A_524 = arith.constant 0 : i32
      %dma_start3A_525 = tpu.memref_slice %arg7[%dma_start3A_523, %dma_start3A_524] : memref<16x1024xf32, #tpu.memory_space<vmem>> -> memref<16x1024xf32, #tpu.memory_space<vmem>>
      %dma_start3A_526 = arith.constant 0 : i32
      %dma_start3A_527 = tpu.memref_slice %arg4[%add3A_521, %dma_start3A_526] : memref<16384x1024xf32, #tpu.memory_space<hbm>> -> memref<16x1024xf32, #tpu.memory_space<hbm>>
      %dma_start3A_528 = tpu.memref_slice %arg15[%dma_start3A_522] : memref<4x!tpu.dma_semaphore, #tpu.memory_space<semaphore_mem>> -> memref<1x!tpu.dma_semaphore, #tpu.memory_space<semaphore_mem>>
      %dma_start3A_529 = tpu.memref_squeeze %dma_start3A_528 : memref<1x!tpu.dma_semaphore, #tpu.memory_space<semaphore_mem>> -> memref<!tpu.dma_semaphore, #tpu.memory_space<semaphore_mem>>
      %dma_start3A_530 = arith.constant 0 : i32
      %dma_start3A_531 = tpu.memref_slice %arg4[%add3A_521, %dma_start3A_530] : memref<16384x1024xf32, #tpu.memory_space<hbm>> -> memref<16x1024xf32, #tpu.memory_space<hbm>>
      %dma_start3A_532 = arith.constant 0 : i32
      %dma_start3A_533 = arith.constant 0 : i32
      %dma_start3A_534 = tpu.memref_slice %arg7[%dma_start3A_532, %dma_start3A_533] : memref<16x1024xf32, #tpu.memory_space<vmem>> -> memref<16x1024xf32, #tpu.memory_space<vmem>>
      tpu.enqueue_dma source(%dma_start3A_534 : memref<16x1024xf32, #tpu.memory_space<vmem>>) target(%dma_start3A_531 : memref<16x1024xf32, #tpu.memory_space<hbm>>) target_semaphore(%dma_start3A_529 : memref<!tpu.dma_semaphore, #tpu.memory_space<semaphore_mem>>)
      %mul3A_535 = arith.constant 4 : i32
      %mul3A_536 = arith.muli %scan3A_342, %mul3A_535 : i32
      %add3A_537 = arith.constant 2 : i32
      %add3A_538 = arith.addi %mul3A_536, %add3A_537 : i32
      %add3A_539 = arith.constant 1 : i32
      %add3A_540 = arith.addi %add3A_538, %add3A_539 : i32
      %dma_wait3A_541 = arith.constant 2 : i32
      %dma_wait3A_542 = arith.constant 0 : i32
      %dma_wait3A_543 = arith.constant 0 : i32
      %dma_wait3A_544 = tpu.memref_slice %arg7[%dma_wait3A_542, %dma_wait3A_543] : memref<16x1024xf32, #tpu.memory_space<vmem>> -> memref<16x1024xf32, #tpu.memory_space<vmem>>
      %dma_wait3A_545 = arith.constant 0 : i32
      %dma_wait3A_546 = arith.constant 0 : i32
      %dma_wait3A_547 = tpu.memref_slice %arg4[%dma_wait3A_545, %dma_wait3A_546] : memref<16384x1024xf32, #tpu.memory_space<hbm>> -> memref<16x1024xf32, #tpu.memory_space<hbm>>
      %dma_wait3A_548 = tpu.memref_slice %arg15[%dma_wait3A_541] : memref<4x!tpu.dma_semaphore, #tpu.memory_space<semaphore_mem>> -> memref<1x!tpu.dma_semaphore, #tpu.memory_space<semaphore_mem>>
      %dma_wait3A_549 = tpu.memref_squeeze %dma_wait3A_548 : memref<1x!tpu.dma_semaphore, #tpu.memory_space<semaphore_mem>> -> memref<!tpu.dma_semaphore, #tpu.memory_space<semaphore_mem>>
      %dma_wait3A_550 = arith.constant 0 : i32
      %dma_wait3A_551 = arith.constant 0 : i32
      %dma_wait3A_552 = tpu.memref_slice %arg4[%dma_wait3A_550, %dma_wait3A_551] : memref<16384x1024xf32, #tpu.memory_space<hbm>> -> memref<16x1024xf32, #tpu.memory_space<hbm>>
      %dma_wait3A_553 = arith.constant 0 : i32
      %dma_wait3A_554 = arith.constant 0 : i32
      %dma_wait3A_555 = tpu.memref_slice %arg7[%dma_wait3A_553, %dma_wait3A_554] : memref<16x1024xf32, #tpu.memory_space<vmem>> -> memref<16x1024xf32, #tpu.memory_space<vmem>>
      tpu.wait_dma2 semaphore(%dma_wait3A_549 : memref<!tpu.dma_semaphore, #tpu.memory_space<semaphore_mem>>) src(%dma_wait3A_555 : memref<16x1024xf32, #tpu.memory_space<vmem>>) dst(%dma_wait3A_552 : memref<16x1024xf32, #tpu.memory_space<hbm>>)
      %add3A_556 = arith.constant 4 : i32
      %add3A_557 = arith.addi %add3A_540, %add3A_556 : i32
      %sub3A_558 = arith.constant 1 : i32
      %sub3A_559 = arith.subi %add3A_557, %sub3A_558 : i32
      %mul3A_560 = arith.constant 16 : i32
      %mul3A_561 = arith.muli %sub3A_559, %mul3A_560 : i32
      %add3A_562 = arith.addi %mul3A_2, %mul3A_561 : i32
      %dma_start3A_563 = arith.constant 2 : i32
      %dma_start3A_564 = arith.constant 0 : i32
      %dma_start3A_565 = arith.constant 0 : i32
      %dma_start3A_566 = tpu.memref_slice %arg7[%dma_start3A_564, %dma_start3A_565] : memref<16x1024xf32, #tpu.memory_space<vmem>> -> memref<16x1024xf32, #tpu.memory_space<vmem>>
      %dma_start3A_567 = arith.constant 0 : i32
      %dma_start3A_568 = tpu.memref_slice %arg2[%add3A_562, %dma_start3A_567] : memref<16384x1024xf32, #tpu.memory_space<hbm>> -> memref<16x1024xf32, #tpu.memory_space<hbm>>
      %dma_start3A_569 = tpu.memref_slice %arg14[%dma_start3A_563] : memref<4x!tpu.dma_semaphore, #tpu.memory_space<semaphore_mem>> -> memref<1x!tpu.dma_semaphore, #tpu.memory_space<semaphore_mem>>
      %dma_start3A_570 = tpu.memref_squeeze %dma_start3A_569 : memref<1x!tpu.dma_semaphore, #tpu.memory_space<semaphore_mem>> -> memref<!tpu.dma_semaphore, #tpu.memory_space<semaphore_mem>>
      %dma_start3A_571 = arith.constant 0 : i32
      %dma_start3A_572 = arith.constant 0 : i32
      %dma_start3A_573 = tpu.memref_slice %arg7[%dma_start3A_571, %dma_start3A_572] : memref<16x1024xf32, #tpu.memory_space<vmem>> -> memref<16x1024xf32, #tpu.memory_space<vmem>>
      %dma_start3A_574 = arith.constant 0 : i32
      %dma_start3A_575 = tpu.memref_slice %arg2[%add3A_562, %dma_start3A_574] : memref<16384x1024xf32, #tpu.memory_space<hbm>> -> memref<16x1024xf32, #tpu.memory_space<hbm>>
      tpu.enqueue_dma source(%dma_start3A_575 : memref<16x1024xf32, #tpu.memory_space<hbm>>) target(%dma_start3A_573 : memref<16x1024xf32, #tpu.memory_space<vmem>>) target_semaphore(%dma_start3A_570 : memref<!tpu.dma_semaphore, #tpu.memory_space<semaphore_mem>>)
      %mul3A_576 = arith.constant 2048 : i32
      %mul3A_577 = arith.muli %sub3A_559, %mul3A_576 : i32
      %add3A_578 = arith.addi %mul3A_6, %mul3A_577 : i32
      %dma_start3A_579 = arith.constant 2 : i32
      %dma_start3A_580 = tpu.memref_slice %arg3[%add3A_578] : memref<2097152xi32, #tpu.memory_space<hbm>> -> memref<2048xi32, #tpu.memory_space<hbm>>
      %dma_start3A_581 = tpu.memref_slice %arg14[%dma_start3A_579] : memref<4x!tpu.dma_semaphore, #tpu.memory_space<semaphore_mem>> -> memref<1x!tpu.dma_semaphore, #tpu.memory_space<semaphore_mem>>
      %dma_start3A_582 = tpu.memref_squeeze %dma_start3A_581 : memref<1x!tpu.dma_semaphore, #tpu.memory_space<semaphore_mem>> -> memref<!tpu.dma_semaphore, #tpu.memory_space<semaphore_mem>>
      %dma_start3A_583 = tpu.memref_slice %arg3[%add3A_578] : memref<2097152xi32, #tpu.memory_space<hbm>> -> memref<2048xi32, #tpu.memory_space<hbm>>
      tpu.enqueue_dma source(%dma_start3A_583 : memref<2048xi32, #tpu.memory_space<hbm>>) target(%arg11 : memref<2048xi32, #tpu.memory_space<vmem>>) target_semaphore(%dma_start3A_582 : memref<!tpu.dma_semaphore, #tpu.memory_space<semaphore_mem>>)
      %dma_wait3A_584 = arith.constant 3 : i32
      %dma_wait3A_585 = arith.constant 0 : i32
      %dma_wait3A_586 = arith.constant 0 : i32
      %dma_wait3A_587 = tpu.memref_slice %arg8[%dma_wait3A_585, %dma_wait3A_586] : memref<16x1024xf32, #tpu.memory_space<vmem>> -> memref<16x1024xf32, #tpu.memory_space<vmem>>
      %dma_wait3A_588 = arith.constant 0 : i32
      %dma_wait3A_589 = arith.constant 0 : i32
      %dma_wait3A_590 = tpu.memref_slice %arg2[%dma_wait3A_588, %dma_wait3A_589] : memref<16384x1024xf32, #tpu.memory_space<hbm>> -> memref<16x1024xf32, #tpu.memory_space<hbm>>
      %dma_wait3A_591 = tpu.memref_slice %arg14[%dma_wait3A_584] : memref<4x!tpu.dma_semaphore, #tpu.memory_space<semaphore_mem>> -> memref<1x!tpu.dma_semaphore, #tpu.memory_space<semaphore_mem>>
      %dma_wait3A_592 = tpu.memref_squeeze %dma_wait3A_591 : memref<1x!tpu.dma_semaphore, #tpu.memory_space<semaphore_mem>> -> memref<!tpu.dma_semaphore, #tpu.memory_space<semaphore_mem>>
      %dma_wait3A_593 = arith.constant 0 : i32
      %dma_wait3A_594 = arith.constant 0 : i32
      %dma_wait3A_595 = tpu.memref_slice %arg8[%dma_wait3A_593, %dma_wait3A_594] : memref<16x1024xf32, #tpu.memory_space<vmem>> -> memref<16x1024xf32, #tpu.memory_space<vmem>>
      %dma_wait3A_596 = arith.constant 0 : i32
      %dma_wait3A_597 = arith.constant 0 : i32
      %dma_wait3A_598 = tpu.memref_slice %arg2[%dma_wait3A_596, %dma_wait3A_597] : memref<16384x1024xf32, #tpu.memory_space<hbm>> -> memref<16x1024xf32, #tpu.memory_space<hbm>>
      tpu.wait_dma2 semaphore(%dma_wait3A_592 : memref<!tpu.dma_semaphore, #tpu.memory_space<semaphore_mem>>) src(%dma_wait3A_598 : memref<16x1024xf32, #tpu.memory_space<hbm>>) dst(%dma_wait3A_595 : memref<16x1024xf32, #tpu.memory_space<vmem>>)
      %dma_wait3A_599 = arith.constant 3 : i32
      %dma_wait3A_600 = arith.constant 0 : i32
      %dma_wait3A_601 = tpu.memref_slice %arg3[%dma_wait3A_600] : memref<2097152xi32, #tpu.memory_space<hbm>> -> memref<2048xi32, #tpu.memory_space<hbm>>
      %dma_wait3A_602 = tpu.memref_slice %arg14[%dma_wait3A_599] : memref<4x!tpu.dma_semaphore, #tpu.memory_space<semaphore_mem>> -> memref<1x!tpu.dma_semaphore, #tpu.memory_space<semaphore_mem>>
      %dma_wait3A_603 = tpu.memref_squeeze %dma_wait3A_602 : memref<1x!tpu.dma_semaphore, #tpu.memory_space<semaphore_mem>> -> memref<!tpu.dma_semaphore, #tpu.memory_space<semaphore_mem>>
      %dma_wait3A_604 = arith.constant 0 : i32
      %dma_wait3A_605 = tpu.memref_slice %arg3[%dma_wait3A_604] : memref<2097152xi32, #tpu.memory_space<hbm>> -> memref<2048xi32, #tpu.memory_space<hbm>>
      tpu.wait_dma2 semaphore(%dma_wait3A_603 : memref<!tpu.dma_semaphore, #tpu.memory_space<semaphore_mem>>) src(%dma_wait3A_605 : memref<2048xi32, #tpu.memory_space<hbm>>) dst(%arg12 : memref<2048xi32, #tpu.memory_space<vmem>>)
      %parallel_loop3A_606 = arith.constant 0 : i32
      %parallel_loop3A_607 = arith.constant 14 : i32
      %parallel_loop3A_608 = arith.constant 1 : i32
      scf.for %parallel_loop3A_728 = %parallel_loop3A_606 to %parallel_loop3A_607 step %parallel_loop3A_608  : i32 {
        %parallel_loop3A_729 = arith.constant 16 : i32
        %parallel_loop3A_730 = arith.muli %parallel_loop3A_728, %parallel_loop3A_729 : i32
        %parallel_loop3A_731 = arith.index_cast %parallel_loop3A_730 : i32 to index
        %parallel_loop3A_732 = tpu.vector_load %arg12[%parallel_loop3A_731] {strides = array<i32>} : memref<2048xi32, #tpu.memory_space<vmem>>, vector<16xi32>,
        %parallel_loop3A_733 = arith.constant 10 : i32
        %parallel_loop3A_734 = vector.broadcast %parallel_loop3A_733 : i32 to vector<16xi32>
        %parallel_loop3A_735 = arith.shrsi %parallel_loop3A_732, %parallel_loop3A_734 : vector<16xi32>
        %parallel_loop3A_736 = arith.constant 1023 : i32
        %parallel_loop3A_737 = vector.broadcast %parallel_loop3A_736 : i32 to vector<16xi32>
        %parallel_loop3A_738 = arith.andi %parallel_loop3A_732, %parallel_loop3A_737 : vector<16xi32>
        %parallel_loop3A_739 = tpu.vector_load_idx %arg8[%parallel_loop3A_735, %parallel_loop3A_738] : memref<16x1024xf32, #tpu.memory_space<vmem>>[vector<16xi32>, vector<16xi32>], vector<16xf32>,
        %parallel_loop3A_740 = arith.constant 16 : i32
        %parallel_loop3A_741 = arith.muli %parallel_loop3A_728, %parallel_loop3A_740 : i32
        %parallel_loop3A_742 = arith.index_cast %parallel_loop3A_741 : i32 to index
        %parallel_loop3A_743 = tpu.vector_load %arg13[%parallel_loop3A_742] {strides = array<i32>} : memref<256xf32, #tpu.memory_space<vmem>>, vector<16xf32>,
        tpu.vector_store %arg13[%parallel_loop3A_742], %parallel_loop3A_739 {strides = array<i32>} : memref<256xf32, #tpu.memory_space<vmem>>, vector<16xf32>,
      } {sc.loop_unroll_factor = 2 : i64, sc.parallel_access}
      %parallel_loop3A_609 = arith.constant 0 : i32
      %parallel_loop3A_610 = arith.constant 100 : i32
      %parallel_loop3A_611 = arith.constant 1 : i32
      scf.for %parallel_loop3A_728 = %parallel_loop3A_609 to %parallel_loop3A_610 step %parallel_loop3A_611  : i32 {
        %parallel_loop3A_729 = arith.constant 16 : i32
        %parallel_loop3A_730 = arith.muli %parallel_loop3A_728, %parallel_loop3A_729 : i32
        %parallel_loop3A_731 = arith.constant 224 : i32
        %parallel_loop3A_732 = arith.addi %parallel_loop3A_731, %parallel_loop3A_730 : i32
        %parallel_loop3A_733 = arith.index_cast %parallel_loop3A_732 : i32 to index
        %parallel_loop3A_734 = tpu.vector_load %arg12[%parallel_loop3A_733] {strides = array<i32>} : memref<2048xi32, #tpu.memory_space<vmem>>, vector<16xi32>,
        %parallel_loop3A_735 = arith.constant 16 : i32
        %parallel_loop3A_736 = vector.broadcast %parallel_loop3A_735 : i32 to vector<16xi32>
        %parallel_loop3A_737 = arith.shrsi %parallel_loop3A_734, %parallel_loop3A_736 : vector<16xi32>
        %parallel_loop3A_738 = arith.constant 65535 : i32
        %parallel_loop3A_739 = vector.broadcast %parallel_loop3A_738 : i32 to vector<16xi32>
        %parallel_loop3A_740 = arith.andi %parallel_loop3A_734, %parallel_loop3A_739 : vector<16xi32>
        %parallel_loop3A_741 = arith.constant 10 : i32
        %parallel_loop3A_742 = vector.broadcast %parallel_loop3A_741 : i32 to vector<16xi32>
        %parallel_loop3A_743 = arith.shrsi %parallel_loop3A_737, %parallel_loop3A_742 : vector<16xi32>
        %parallel_loop3A_744 = arith.constant 1023 : i32
        %parallel_loop3A_745 = vector.broadcast %parallel_loop3A_744 : i32 to vector<16xi32>
        %parallel_loop3A_746 = arith.andi %parallel_loop3A_737, %parallel_loop3A_745 : vector<16xi32>
        %parallel_loop3A_747 = tpu.vector_load_idx %arg8[%parallel_loop3A_743, %parallel_loop3A_746] : memref<16x1024xf32, #tpu.memory_space<vmem>>[vector<16xi32>, vector<16xi32>], vector<16xf32>,
        %parallel_loop3A_748 = arith.constant 10 : i32
        %parallel_loop3A_749 = vector.broadcast %parallel_loop3A_748 : i32 to vector<16xi32>
        %parallel_loop3A_750 = arith.shrsi %parallel_loop3A_740, %parallel_loop3A_749 : vector<16xi32>
        %parallel_loop3A_751 = arith.constant 1023 : i32
        %parallel_loop3A_752 = vector.broadcast %parallel_loop3A_751 : i32 to vector<16xi32>
        %parallel_loop3A_753 = arith.andi %parallel_loop3A_740, %parallel_loop3A_752 : vector<16xi32>
        tpu.vector_store_idx %arg8[%parallel_loop3A_750, %parallel_loop3A_753], %parallel_loop3A_747 : memref<16x1024xf32, #tpu.memory_space<vmem>>[vector<16xi32>, vector<16xi32>], vector<16xf32>,
      } {sc.loop_unroll_factor = 4 : i64, sc.parallel_access}
      %parallel_loop3A_612 = arith.constant 0 : i32
      %parallel_loop3A_613 = arith.constant 14 : i32
      %parallel_loop3A_614 = arith.constant 1 : i32
      scf.for %parallel_loop3A_728 = %parallel_loop3A_612 to %parallel_loop3A_613 step %parallel_loop3A_614  : i32 {
        %parallel_loop3A_729 = arith.constant 16 : i32
        %parallel_loop3A_730 = arith.muli %parallel_loop3A_728, %parallel_loop3A_729 : i32
        %parallel_loop3A_731 = arith.constant 1824 : i32
        %parallel_loop3A_732 = arith.addi %parallel_loop3A_731, %parallel_loop3A_730 : i32
        %parallel_loop3A_733 = arith.index_cast %parallel_loop3A_732 : i32 to index
        %parallel_loop3A_734 = tpu.vector_load %arg12[%parallel_loop3A_733] {strides = array<i32>} : memref<2048xi32, #tpu.memory_space<vmem>>, vector<16xi32>,
        %parallel_loop3A_735 = arith.constant 65535 : i32
        %parallel_loop3A_736 = vector.broadcast %parallel_loop3A_735 : i32 to vector<16xi32>
        %parallel_loop3A_737 = arith.andi %parallel_loop3A_734, %parallel_loop3A_736 : vector<16xi32>
        %parallel_loop3A_738 = arith.constant 16 : i32
        %parallel_loop3A_739 = vector.broadcast %parallel_loop3A_738 : i32 to vector<16xi32>
        %parallel_loop3A_740 = arith.shrsi %parallel_loop3A_734, %parallel_loop3A_739 : vector<16xi32>
        %parallel_loop3A_741 = tpu.vector_load_idx %arg13[%parallel_loop3A_740] : memref<256xf32, #tpu.memory_space<vmem>>[vector<16xi32>], vector<16xf32>,
        %parallel_loop3A_742 = arith.constant 10 : i32
        %parallel_loop3A_743 = vector.broadcast %parallel_loop3A_742 : i32 to vector<16xi32>
        %parallel_loop3A_744 = arith.shrsi %parallel_loop3A_737, %parallel_loop3A_743 : vector<16xi32>
        %parallel_loop3A_745 = arith.constant 1023 : i32
        %parallel_loop3A_746 = vector.broadcast %parallel_loop3A_745 : i32 to vector<16xi32>
        %parallel_loop3A_747 = arith.andi %parallel_loop3A_737, %parallel_loop3A_746 : vector<16xi32>
        tpu.vector_store_idx %arg8[%parallel_loop3A_744, %parallel_loop3A_747], %parallel_loop3A_741 : memref<16x1024xf32, #tpu.memory_space<vmem>>[vector<16xi32>, vector<16xi32>], vector<16xf32>,
      } {sc.loop_unroll_factor = 2 : i64, sc.parallel_access}
      %mul3A_615 = arith.constant 16 : i32
      %mul3A_616 = arith.muli %add3A_540, %mul3A_615 : i32
      %add3A_617 = arith.addi %mul3A_2, %mul3A_616 : i32
      %dma_start3A_618 = arith.constant 3 : i32
      %dma_start3A_619 = arith.constant 0 : i32
      %dma_start3A_620 = arith.constant 0 : i32
      %dma_start3A_621 = tpu.memref_slice %arg8[%dma_start3A_619, %dma_start3A_620] : memref<16x1024xf32, #tpu.memory_space<vmem>> -> memref<16x1024xf32, #tpu.memory_space<vmem>>
      %dma_start3A_622 = arith.constant 0 : i32
      %dma_start3A_623 = tpu.memref_slice %arg4[%add3A_617, %dma_start3A_622] : memref<16384x1024xf32, #tpu.memory_space<hbm>> -> memref<16x1024xf32, #tpu.memory_space<hbm>>
      %dma_start3A_624 = tpu.memref_slice %arg15[%dma_start3A_618] : memref<4x!tpu.dma_semaphore, #tpu.memory_space<semaphore_mem>> -> memref<1x!tpu.dma_semaphore, #tpu.memory_space<semaphore_mem>>
      %dma_start3A_625 = tpu.memref_squeeze %dma_start3A_624 : memref<1x!tpu.dma_semaphore, #tpu.memory_space<semaphore_mem>> -> memref<!tpu.dma_semaphore, #tpu.memory_space<semaphore_mem>>
      %dma_start3A_626 = arith.constant 0 : i32
      %dma_start3A_627 = tpu.memref_slice %arg4[%add3A_617, %dma_start3A_626] : memref<16384x1024xf32, #tpu.memory_space<hbm>> -> memref<16x1024xf32, #tpu.memory_space<hbm>>
      %dma_start3A_628 = arith.constant 0 : i32
      %dma_start3A_629 = arith.constant 0 : i32
      %dma_start3A_630 = tpu.memref_slice %arg8[%dma_start3A_628, %dma_start3A_629] : memref<16x1024xf32, #tpu.memory_space<vmem>> -> memref<16x1024xf32, #tpu.memory_space<vmem>>
      tpu.enqueue_dma source(%dma_start3A_630 : memref<16x1024xf32, #tpu.memory_space<vmem>>) target(%dma_start3A_627 : memref<16x1024xf32, #tpu.memory_space<hbm>>) target_semaphore(%dma_start3A_625 : memref<!tpu.dma_semaphore, #tpu.memory_space<semaphore_mem>>)
      %mul3A_631 = arith.constant 4 : i32
      %mul3A_632 = arith.muli %scan3A_342, %mul3A_631 : i32
      %add3A_633 = arith.constant 3 : i32
      %add3A_634 = arith.addi %mul3A_632, %add3A_633 : i32
      %add3A_635 = arith.constant 1 : i32
      %add3A_636 = arith.addi %add3A_634, %add3A_635 : i32
      %dma_wait3A_637 = arith.constant 3 : i32
      %dma_wait3A_638 = arith.constant 0 : i32
      %dma_wait3A_639 = arith.constant 0 : i32
      %dma_wait3A_640 = tpu.memref_slice %arg8[%dma_wait3A_638, %dma_wait3A_639] : memref<16x1024xf32, #tpu.memory_space<vmem>> -> memref<16x1024xf32, #tpu.memory_space<vmem>>
      %dma_wait3A_641 = arith.constant 0 : i32
      %dma_wait3A_642 = arith.constant 0 : i32
      %dma_wait3A_643 = tpu.memref_slice %arg4[%dma_wait3A_641, %dma_wait3A_642] : memref<16384x1024xf32, #tpu.memory_space<hbm>> -> memref<16x1024xf32, #tpu.memory_space<hbm>>
      %dma_wait3A_644 = tpu.memref_slice %arg15[%dma_wait3A_637] : memref<4x!tpu.dma_semaphore, #tpu.memory_space<semaphore_mem>> -> memref<1x!tpu.dma_semaphore, #tpu.memory_space<semaphore_mem>>
      %dma_wait3A_645 = tpu.memref_squeeze %dma_wait3A_644 : memref<1x!tpu.dma_semaphore, #tpu.memory_space<semaphore_mem>> -> memref<!tpu.dma_semaphore, #tpu.memory_space<semaphore_mem>>
      %dma_wait3A_646 = arith.constant 0 : i32
      %dma_wait3A_647 = arith.constant 0 : i32
      %dma_wait3A_648 = tpu.memref_slice %arg4[%dma_wait3A_646, %dma_wait3A_647] : memref<16384x1024xf32, #tpu.memory_space<hbm>> -> memref<16x1024xf32, #tpu.memory_space<hbm>>
      %dma_wait3A_649 = arith.constant 0 : i32
      %dma_wait3A_650 = arith.constant 0 : i32
      %dma_wait3A_651 = tpu.memref_slice %arg8[%dma_wait3A_649, %dma_wait3A_650] : memref<16x1024xf32, #tpu.memory_space<vmem>> -> memref<16x1024xf32, #tpu.memory_space<vmem>>
      tpu.wait_dma2 semaphore(%dma_wait3A_645 : memref<!tpu.dma_semaphore, #tpu.memory_space<semaphore_mem>>) src(%dma_wait3A_651 : memref<16x1024xf32, #tpu.memory_space<vmem>>) dst(%dma_wait3A_648 : memref<16x1024xf32, #tpu.memory_space<hbm>>)
      %add3A_652 = arith.constant 4 : i32
      %add3A_653 = arith.addi %add3A_636, %add3A_652 : i32
      %sub3A_654 = arith.constant 1 : i32
      %sub3A_655 = arith.subi %add3A_653, %sub3A_654 : i32
      %mul3A_656 = arith.constant 16 : i32
      %mul3A_657 = arith.muli %sub3A_655, %mul3A_656 : i32
      %add3A_658 = arith.addi %mul3A_2, %mul3A_657 : i32
      %dma_start3A_659 = arith.constant 3 : i32
      %dma_start3A_660 = arith.constant 0 : i32
      %dma_start3A_661 = arith.constant 0 : i32
      %dma_start3A_662 = tpu.memref_slice %arg8[%dma_start3A_660, %dma_start3A_661] : memref<16x1024xf32, #tpu.memory_space<vmem>> -> memref<16x1024xf32, #tpu.memory_space<vmem>>
      %dma_start3A_663 = arith.constant 0 : i32
      %dma_start3A_664 = tpu.memref_slice %arg2[%add3A_658, %dma_start3A_663] : memref<16384x1024xf32, #tpu.memory_space<hbm>> -> memref<16x1024xf32, #tpu.memory_space<hbm>>
      %dma_start3A_665 = tpu.memref_slice %arg14[%dma_start3A_659] : memref<4x!tpu.dma_semaphore, #tpu.memory_space<semaphore_mem>> -> memref<1x!tpu.dma_semaphore, #tpu.memory_space<semaphore_mem>>
      %dma_start3A_666 = tpu.memref_squeeze %dma_start3A_665 : memref<1x!tpu.dma_semaphore, #tpu.memory_space<semaphore_mem>> -> memref<!tpu.dma_semaphore, #tpu.memory_space<semaphore_mem>>
      %dma_start3A_667 = arith.constant 0 : i32
      %dma_start3A_668 = arith.constant 0 : i32
      %dma_start3A_669 = tpu.memref_slice %arg8[%dma_start3A_667, %dma_start3A_668] : memref<16x1024xf32, #tpu.memory_space<vmem>> -> memref<16x1024xf32, #tpu.memory_space<vmem>>
      %dma_start3A_670 = arith.constant 0 : i32
      %dma_start3A_671 = tpu.memref_slice %arg2[%add3A_658, %dma_start3A_670] : memref<16384x1024xf32, #tpu.memory_space<hbm>> -> memref<16x1024xf32, #tpu.memory_space<hbm>>
      tpu.enqueue_dma source(%dma_start3A_671 : memref<16x1024xf32, #tpu.memory_space<hbm>>) target(%dma_start3A_669 : memref<16x1024xf32, #tpu.memory_space<vmem>>) target_semaphore(%dma_start3A_666 : memref<!tpu.dma_semaphore, #tpu.memory_space<semaphore_mem>>)
      %mul3A_672 = arith.constant 2048 : i32
      %mul3A_673 = arith.muli %sub3A_655, %mul3A_672 : i32
      %add3A_674 = arith.addi %mul3A_6, %mul3A_673 : i32
      %dma_start3A_675 = arith.constant 3 : i32
      %dma_start3A_676 = tpu.memref_slice %arg3[%add3A_674] : memref<2097152xi32, #tpu.memory_space<hbm>> -> memref<2048xi32, #tpu.memory_space<hbm>>
      %dma_start3A_677 = tpu.memref_slice %arg14[%dma_start3A_675] : memref<4x!tpu.dma_semaphore, #tpu.memory_space<semaphore_mem>> -> memref<1x!tpu.dma_semaphore, #tpu.memory_space<semaphore_mem>>
      %dma_start3A_678 = tpu.memref_squeeze %dma_start3A_677 : memref<1x!tpu.dma_semaphore, #tpu.memory_space<semaphore_mem>> -> memref<!tpu.dma_semaphore, #tpu.memory_space<semaphore_mem>>
      %dma_start3A_679 = tpu.memref_slice %arg3[%add3A_674] : memref<2097152xi32, #tpu.memory_space<hbm>> -> memref<2048xi32, #tpu.memory_space<hbm>>
      tpu.enqueue_dma source(%dma_start3A_679 : memref<2048xi32, #tpu.memory_space<hbm>>) target(%arg12 : memref<2048xi32, #tpu.memory_space<vmem>>) target_semaphore(%dma_start3A_678 : memref<!tpu.dma_semaphore, #tpu.memory_space<semaphore_mem>>)
      %dma_wait3A_680 = arith.constant 0 : i32
      %dma_wait3A_681 = arith.constant 0 : i32
      %dma_wait3A_682 = arith.constant 0 : i32
      %dma_wait3A_683 = tpu.memref_slice %arg5[%dma_wait3A_681, %dma_wait3A_682] : memref<16x1024xf32, #tpu.memory_space<vmem>> -> memref<16x1024xf32, #tpu.memory_space<vmem>>
      %dma_wait3A_684 = arith.constant 0 : i32
      %dma_wait3A_685 = arith.constant 0 : i32
      %dma_wait3A_686 = tpu.memref_slice %arg2[%dma_wait3A_684, %dma_wait3A_685] : memref<16384x1024xf32, #tpu.memory_space<hbm>> -> memref<16x1024xf32, #tpu.memory_space<hbm>>
      %dma_wait3A_687 = tpu.memref_slice %arg14[%dma_wait3A_680] : memref<4x!tpu.dma_semaphore, #tpu.memory_space<semaphore_mem>> -> memref<1x!tpu.dma_semaphore, #tpu.memory_space<semaphore_mem>>
      %dma_wait3A_688 = tpu.memref_squeeze %dma_wait3A_687 : memref<1x!tpu.dma_semaphore, #tpu.memory_space<semaphore_mem>> -> memref<!tpu.dma_semaphore, #tpu.memory_space<semaphore_mem>>
      %dma_wait3A_689 = arith.constant 0 : i32
      %dma_wait3A_690 = arith.constant 0 : i32
      %dma_wait3A_691 = tpu.memref_slice %arg5[%dma_wait3A_689, %dma_wait3A_690] : memref<16x1024xf32, #tpu.memory_space<vmem>> -> memref<16x1024xf32, #tpu.memory_space<vmem>>
      %dma_wait3A_692 = arith.constant 0 : i32
      %dma_wait3A_693 = arith.constant 0 : i32
      %dma_wait3A_694 = tpu.memref_slice %arg2[%dma_wait3A_692, %dma_wait3A_693] : memref<16384x1024xf32, #tpu.memory_space<hbm>> -> memref<16x1024xf32, #tpu.memory_space<hbm>>
      tpu.wait_dma2 semaphore(%dma_wait3A_688 : memref<!tpu.dma_semaphore, #tpu.memory_space<semaphore_mem>>) src(%dma_wait3A_694 : memref<16x1024xf32, #tpu.memory_space<hbm>>) dst(%dma_wait3A_691 : memref<16x1024xf32, #tpu.memory_space<vmem>>)
      %dma_wait3A_695 = arith.constant 0 : i32
      %dma_wait3A_696 = arith.constant 0 : i32
      %dma_wait3A_697 = tpu.memref_slice %arg3[%dma_wait3A_696] : memref<2097152xi32, #tpu.memory_space<hbm>> -> memref<2048xi32, #tpu.memory_space<hbm>>
      %dma_wait3A_698 = tpu.memref_slice %arg14[%dma_wait3A_695] : memref<4x!tpu.dma_semaphore, #tpu.memory_space<semaphore_mem>> -> memref<1x!tpu.dma_semaphore, #tpu.memory_space<semaphore_mem>>
      %dma_wait3A_699 = tpu.memref_squeeze %dma_wait3A_698 : memref<1x!tpu.dma_semaphore, #tpu.memory_space<semaphore_mem>> -> memref<!tpu.dma_semaphore, #tpu.memory_space<semaphore_mem>>
      %dma_wait3A_700 = arith.constant 0 : i32
      %dma_wait3A_701 = tpu.memref_slice %arg3[%dma_wait3A_700] : memref<2097152xi32, #tpu.memory_space<hbm>> -> memref<2048xi32, #tpu.memory_space<hbm>>
      tpu.wait_dma2 semaphore(%dma_wait3A_699 : memref<!tpu.dma_semaphore, #tpu.memory_space<semaphore_mem>>) src(%dma_wait3A_701 : memref<2048xi32, #tpu.memory_space<hbm>>) dst(%arg9 : memref<2048xi32, #tpu.memory_space<vmem>>)
      %parallel_loop3A_702 = arith.constant 0 : i32
      %parallel_loop3A_703 = arith.constant 14 : i32
      %parallel_loop3A_704 = arith.constant 1 : i32
      scf.for %parallel_loop3A_728 = %parallel_loop3A_702 to %parallel_loop3A_703 step %parallel_loop3A_704  : i32 {
        %parallel_loop3A_729 = arith.constant 16 : i32
        %parallel_loop3A_730 = arith.muli %parallel_loop3A_728, %parallel_loop3A_729 : i32
        %parallel_loop3A_731 = arith.index_cast %parallel_loop3A_730 : i32 to index
        %parallel_loop3A_732 = tpu.vector_load %arg9[%parallel_loop3A_731] {strides = array<i32>} : memref<2048xi32, #tpu.memory_space<vmem>>, vector<16xi32>,
        %parallel_loop3A_733 = arith.constant 10 : i32
        %parallel_loop3A_734 = vector.broadcast %parallel_loop3A_733 : i32 to vector<16xi32>
        %parallel_loop3A_735 = arith.shrsi %parallel_loop3A_732, %parallel_loop3A_734 : vector<16xi32>
        %parallel_loop3A_736 = arith.constant 1023 : i32
        %parallel_loop3A_737 = vector.broadcast %parallel_loop3A_736 : i32 to vector<16xi32>
        %parallel_loop3A_738 = arith.andi %parallel_loop3A_732, %parallel_loop3A_737 : vector<16xi32>
        %parallel_loop3A_739 = tpu.vector_load_idx %arg5[%parallel_loop3A_735, %parallel_loop3A_738] : memref<16x1024xf32, #tpu.memory_space<vmem>>[vector<16xi32>, vector<16xi32>], vector<16xf32>,
        %parallel_loop3A_740 = arith.constant 16 : i32
        %parallel_loop3A_741 = arith.muli %parallel_loop3A_728, %parallel_loop3A_740 : i32
        %parallel_loop3A_742 = arith.index_cast %parallel_loop3A_741 : i32 to index
        %parallel_loop3A_743 = tpu.vector_load %arg13[%parallel_loop3A_742] {strides = array<i32>} : memref<256xf32, #tpu.memory_space<vmem>>, vector<16xf32>,
        tpu.vector_store %arg13[%parallel_loop3A_742], %parallel_loop3A_739 {strides = array<i32>} : memref<256xf32, #tpu.memory_space<vmem>>, vector<16xf32>,
      } {sc.loop_unroll_factor = 2 : i64, sc.parallel_access}
      %parallel_loop3A_705 = arith.constant 0 : i32
      %parallel_loop3A_706 = arith.constant 100 : i32
      %parallel_loop3A_707 = arith.constant 1 : i32
      scf.for %parallel_loop3A_728 = %parallel_loop3A_705 to %parallel_loop3A_706 step %parallel_loop3A_707  : i32 {
        %parallel_loop3A_729 = arith.constant 16 : i32
        %parallel_loop3A_730 = arith.muli %parallel_loop3A_728, %parallel_loop3A_729 : i32
        %parallel_loop3A_731 = arith.constant 224 : i32
        %parallel_loop3A_732 = arith.addi %parallel_loop3A_731, %parallel_loop3A_730 : i32
        %parallel_loop3A_733 = arith.index_cast %parallel_loop3A_732 : i32 to index
        %parallel_loop3A_734 = tpu.vector_load %arg9[%parallel_loop3A_733] {strides = array<i32>} : memref<2048xi32, #tpu.memory_space<vmem>>, vector<16xi32>,
        %parallel_loop3A_735 = arith.constant 16 : i32
        %parallel_loop3A_736 = vector.broadcast %parallel_loop3A_735 : i32 to vector<16xi32>
        %parallel_loop3A_737 = arith.shrsi %parallel_loop3A_734, %parallel_loop3A_736 : vector<16xi32>
        %parallel_loop3A_738 = arith.constant 65535 : i32
        %parallel_loop3A_739 = vector.broadcast %parallel_loop3A_738 : i32 to vector<16xi32>
        %parallel_loop3A_740 = arith.andi %parallel_loop3A_734, %parallel_loop3A_739 : vector<16xi32>
        %parallel_loop3A_741 = arith.constant 10 : i32
        %parallel_loop3A_742 = vector.broadcast %parallel_loop3A_741 : i32 to vector<16xi32>
        %parallel_loop3A_743 = arith.shrsi %parallel_loop3A_737, %parallel_loop3A_742 : vector<16xi32>
        %parallel_loop3A_744 = arith.constant 1023 : i32
        %parallel_loop3A_745 = vector.broadcast %parallel_loop3A_744 : i32 to vector<16xi32>
        %parallel_loop3A_746 = arith.andi %parallel_loop3A_737, %parallel_loop3A_745 : vector<16xi32>
        %parallel_loop3A_747 = tpu.vector_load_idx %arg5[%parallel_loop3A_743, %parallel_loop3A_746] : memref<16x1024xf32, #tpu.memory_space<vmem>>[vector<16xi32>, vector<16xi32>], vector<16xf32>,
        %parallel_loop3A_748 = arith.constant 10 : i32
        %parallel_loop3A_749 = vector.broadcast %parallel_loop3A_748 : i32 to vector<16xi32>
        %parallel_loop3A_750 = arith.shrsi %parallel_loop3A_740, %parallel_loop3A_749 : vector<16xi32>
        %parallel_loop3A_751 = arith.constant 1023 : i32
        %parallel_loop3A_752 = vector.broadcast %parallel_loop3A_751 : i32 to vector<16xi32>
        %parallel_loop3A_753 = arith.andi %parallel_loop3A_740, %parallel_loop3A_752 : vector<16xi32>
        tpu.vector_store_idx %arg5[%parallel_loop3A_750, %parallel_loop3A_753], %parallel_loop3A_747 : memref<16x1024xf32, #tpu.memory_space<vmem>>[vector<16xi32>, vector<16xi32>], vector<16xf32>,
      } {sc.loop_unroll_factor = 4 : i64, sc.parallel_access}
      %parallel_loop3A_708 = arith.constant 0 : i32
      %parallel_loop3A_709 = arith.constant 14 : i32
      %parallel_loop3A_710 = arith.constant 1 : i32
      scf.for %parallel_loop3A_728 = %parallel_loop3A_708 to %parallel_loop3A_709 step %parallel_loop3A_710  : i32 {
        %parallel_loop3A_729 = arith.constant 16 : i32
        %parallel_loop3A_730 = arith.muli %parallel_loop3A_728, %parallel_loop3A_729 : i32
        %parallel_loop3A_731 = arith.constant 1824 : i32
        %parallel_loop3A_732 = arith.addi %parallel_loop3A_731, %parallel_loop3A_730 : i32
        %parallel_loop3A_733 = arith.index_cast %parallel_loop3A_732 : i32 to index
        %parallel_loop3A_734 = tpu.vector_load %arg9[%parallel_loop3A_733] {strides = array<i32>} : memref<2048xi32, #tpu.memory_space<vmem>>, vector<16xi32>,
        %parallel_loop3A_735 = arith.constant 65535 : i32
        %parallel_loop3A_736 = vector.broadcast %parallel_loop3A_735 : i32 to vector<16xi32>
        %parallel_loop3A_737 = arith.andi %parallel_loop3A_734, %parallel_loop3A_736 : vector<16xi32>
        %parallel_loop3A_738 = arith.constant 16 : i32
        %parallel_loop3A_739 = vector.broadcast %parallel_loop3A_738 : i32 to vector<16xi32>
        %parallel_loop3A_740 = arith.shrsi %parallel_loop3A_734, %parallel_loop3A_739 : vector<16xi32>
        %parallel_loop3A_741 = tpu.vector_load_idx %arg13[%parallel_loop3A_740] : memref<256xf32, #tpu.memory_space<vmem>>[vector<16xi32>], vector<16xf32>,
        %parallel_loop3A_742 = arith.constant 10 : i32
        %parallel_loop3A_743 = vector.broadcast %parallel_loop3A_742 : i32 to vector<16xi32>
        %parallel_loop3A_744 = arith.shrsi %parallel_loop3A_737, %parallel_loop3A_743 : vector<16xi32>
        %parallel_loop3A_745 = arith.constant 1023 : i32
        %parallel_loop3A_746 = vector.broadcast %parallel_loop3A_745 : i32 to vector<16xi32>
        %parallel_loop3A_747 = arith.andi %parallel_loop3A_737, %parallel_loop3A_746 : vector<16xi32>
        tpu.vector_store_idx %arg5[%parallel_loop3A_744, %parallel_loop3A_747], %parallel_loop3A_741 : memref<16x1024xf32, #tpu.memory_space<vmem>>[vector<16xi32>, vector<16xi32>], vector<16xf32>,
      } {sc.loop_unroll_factor = 2 : i64, sc.parallel_access}
      %mul3A_711 = arith.constant 16 : i32
      %mul3A_712 = arith.muli %add3A_636, %mul3A_711 : i32
      %add3A_713 = arith.addi %mul3A_2, %mul3A_712 : i32
      %dma_start3A_714 = arith.constant 0 : i32
      %dma_start3A_715 = arith.constant 0 : i32
      %dma_start3A_716 = arith.constant 0 : i32
      %dma_start3A_717 = tpu.memref_slice %arg5[%dma_start3A_715, %dma_start3A_716] : memref<16x1024xf32, #tpu.memory_space<vmem>> -> memref<16x1024xf32, #tpu.memory_space<vmem>>
      %dma_start3A_718 = arith.constant 0 : i32
      %dma_start3A_719 = tpu.memref_slice %arg4[%add3A_713, %dma_start3A_718] : memref<16384x1024xf32, #tpu.memory_space<hbm>> -> memref<16x1024xf32, #tpu.memory_space<hbm>>
      %dma_start3A_720 = tpu.memref_slice %arg15[%dma_start3A_714] : memref<4x!tpu.dma_semaphore, #tpu.memory_space<semaphore_mem>> -> memref<1x!tpu.dma_semaphore, #tpu.memory_space<semaphore_mem>>
      %dma_start3A_721 = tpu.memref_squeeze %dma_start3A_720 : memref<1x!tpu.dma_semaphore, #tpu.memory_space<semaphore_mem>> -> memref<!tpu.dma_semaphore, #tpu.memory_space<semaphore_mem>>
      %dma_start3A_722 = arith.constant 0 : i32
      %dma_start3A_723 = tpu.memref_slice %arg4[%add3A_713, %dma_start3A_722] : memref<16384x1024xf32, #tpu.memory_space<hbm>> -> memref<16x1024xf32, #tpu.memory_space<hbm>>
      %dma_start3A_724 = arith.constant 0 : i32
      %dma_start3A_725 = arith.constant 0 : i32
      %dma_start3A_726 = tpu.memref_slice %arg5[%dma_start3A_724, %dma_start3A_725] : memref<16x1024xf32, #tpu.memory_space<vmem>> -> memref<16x1024xf32, #tpu.memory_space<vmem>>
      tpu.enqueue_dma source(%dma_start3A_726 : memref<16x1024xf32, #tpu.memory_space<vmem>>) target(%dma_start3A_723 : memref<16x1024xf32, #tpu.memory_space<hbm>>) target_semaphore(%dma_start3A_721 : memref<!tpu.dma_semaphore, #tpu.memory_space<semaphore_mem>>)
      %scan3A_727 = arith.constant 0 : i32
      scf.yield %scan3A_727 : i32
    }
    %scan3A_143 = arith.constant 7 : i32
    %dma_wait3A_144 = arith.constant 1 : i32
    %dma_wait3A_145 = arith.constant 0 : i32
    %dma_wait3A_146 = arith.constant 0 : i32
    %dma_wait3A_147 = tpu.memref_slice %arg6[%dma_wait3A_145, %dma_wait3A_146] : memref<16x1024xf32, #tpu.memory_space<vmem>> -> memref<16x1024xf32, #tpu.memory_space<vmem>>
    %dma_wait3A_148 = arith.constant 0 : i32
    %dma_wait3A_149 = arith.constant 0 : i32
    %dma_wait3A_150 = tpu.memref_slice %arg2[%dma_wait3A_148, %dma_wait3A_149] : memref<16384x1024xf32, #tpu.memory_space<hbm>> -> memref<16x1024xf32, #tpu.memory_space<hbm>>
    %dma_wait3A_151 = tpu.memref_slice %arg14[%dma_wait3A_144] : memref<4x!tpu.dma_semaphore, #tpu.memory_space<semaphore_mem>> -> memref<1x!tpu.dma_semaphore, #tpu.memory_space<semaphore_mem>>
    %dma_wait3A_152 = tpu.memref_squeeze %dma_wait3A_151 : memref<1x!tpu.dma_semaphore, #tpu.memory_space<semaphore_mem>> -> memref<!tpu.dma_semaphore, #tpu.memory_space<semaphore_mem>>
    %dma_wait3A_153 = arith.constant 0 : i32
    %dma_wait3A_154 = arith.constant 0 : i32
    %dma_wait3A_155 = tpu.memref_slice %arg6[%dma_wait3A_153, %dma_wait3A_154] : memref<16x1024xf32, #tpu.memory_space<vmem>> -> memref<16x1024xf32, #tpu.memory_space<vmem>>
    %dma_wait3A_156 = arith.constant 0 : i32
    %dma_wait3A_157 = arith.constant 0 : i32
    %dma_wait3A_158 = tpu.memref_slice %arg2[%dma_wait3A_156, %dma_wait3A_157] : memref<16384x1024xf32, #tpu.memory_space<hbm>> -> memref<16x1024xf32, #tpu.memory_space<hbm>>
    tpu.wait_dma2 semaphore(%dma_wait3A_152 : memref<!tpu.dma_semaphore, #tpu.memory_space<semaphore_mem>>) src(%dma_wait3A_158 : memref<16x1024xf32, #tpu.memory_space<hbm>>) dst(%dma_wait3A_155 : memref<16x1024xf32, #tpu.memory_space<vmem>>)
    %dma_wait3A_159 = arith.constant 1 : i32
    %dma_wait3A_160 = arith.constant 0 : i32
    %dma_wait3A_161 = tpu.memref_slice %arg3[%dma_wait3A_160] : memref<2097152xi32, #tpu.memory_space<hbm>> -> memref<2048xi32, #tpu.memory_space<hbm>>
    %dma_wait3A_162 = tpu.memref_slice %arg14[%dma_wait3A_159] : memref<4x!tpu.dma_semaphore, #tpu.memory_space<semaphore_mem>> -> memref<1x!tpu.dma_semaphore, #tpu.memory_space<semaphore_mem>>
    %dma_wait3A_163 = tpu.memref_squeeze %dma_wait3A_162 : memref<1x!tpu.dma_semaphore, #tpu.memory_space<semaphore_mem>> -> memref<!tpu.dma_semaphore, #tpu.memory_space<semaphore_mem>>
    %dma_wait3A_164 = arith.constant 0 : i32
    %dma_wait3A_165 = tpu.memref_slice %arg3[%dma_wait3A_164] : memref<2097152xi32, #tpu.memory_space<hbm>> -> memref<2048xi32, #tpu.memory_space<hbm>>
    tpu.wait_dma2 semaphore(%dma_wait3A_163 : memref<!tpu.dma_semaphore, #tpu.memory_space<semaphore_mem>>) src(%dma_wait3A_165 : memref<2048xi32, #tpu.memory_space<hbm>>) dst(%arg10 : memref<2048xi32, #tpu.memory_space<vmem>>)
    %parallel_loop3A_166 = arith.constant 0 : i32
    %parallel_loop3A_167 = arith.constant 14 : i32
    %parallel_loop3A_168 = arith.constant 1 : i32
    scf.for %parallel_loop3A_342 = %parallel_loop3A_166 to %parallel_loop3A_167 step %parallel_loop3A_168  : i32 {
      %parallel_loop3A_343 = arith.constant 16 : i32
      %parallel_loop3A_344 = arith.muli %parallel_loop3A_342, %parallel_loop3A_343 : i32
      %parallel_loop3A_345 = arith.index_cast %parallel_loop3A_344 : i32 to index
      %parallel_loop3A_346 = tpu.vector_load %arg10[%parallel_loop3A_345] {strides = array<i32>} : memref<2048xi32, #tpu.memory_space<vmem>>, vector<16xi32>,
      %parallel_loop3A_347 = arith.constant 10 : i32
      %parallel_loop3A_348 = vector.broadcast %parallel_loop3A_347 : i32 to vector<16xi32>
      %parallel_loop3A_349 = arith.shrsi %parallel_loop3A_346, %parallel_loop3A_348 : vector<16xi32>
      %parallel_loop3A_350 = arith.constant 1023 : i32
      %parallel_loop3A_351 = vector.broadcast %parallel_loop3A_350 : i32 to vector<16xi32>
      %parallel_loop3A_352 = arith.andi %parallel_loop3A_346, %parallel_loop3A_351 : vector<16xi32>
      %parallel_loop3A_353 = tpu.vector_load_idx %arg6[%parallel_loop3A_349, %parallel_loop3A_352] : memref<16x1024xf32, #tpu.memory_space<vmem>>[vector<16xi32>, vector<16xi32>], vector<16xf32>,
      %parallel_loop3A_354 = arith.constant 16 : i32
      %parallel_loop3A_355 = arith.muli %parallel_loop3A_342, %parallel_loop3A_354 : i32
      %parallel_loop3A_356 = arith.index_cast %parallel_loop3A_355 : i32 to index
      %parallel_loop3A_357 = tpu.vector_load %arg13[%parallel_loop3A_356] {strides = array<i32>} : memref<256xf32, #tpu.memory_space<vmem>>, vector<16xf32>,
      tpu.vector_store %arg13[%parallel_loop3A_356], %parallel_loop3A_353 {strides = array<i32>} : memref<256xf32, #tpu.memory_space<vmem>>, vector<16xf32>,
    } {sc.loop_unroll_factor = 2 : i64, sc.parallel_access}
    %parallel_loop3A_169 = arith.constant 0 : i32
    %parallel_loop3A_170 = arith.constant 100 : i32
    %parallel_loop3A_171 = arith.constant 1 : i32
    scf.for %parallel_loop3A_342 = %parallel_loop3A_169 to %parallel_loop3A_170 step %parallel_loop3A_171  : i32 {
      %parallel_loop3A_343 = arith.constant 16 : i32
      %parallel_loop3A_344 = arith.muli %parallel_loop3A_342, %parallel_loop3A_343 : i32
      %parallel_loop3A_345 = arith.constant 224 : i32
      %parallel_loop3A_346 = arith.addi %parallel_loop3A_345, %parallel_loop3A_344 : i32
      %parallel_loop3A_347 = arith.index_cast %parallel_loop3A_346 : i32 to index
      %parallel_loop3A_348 = tpu.vector_load %arg10[%parallel_loop3A_347] {strides = array<i32>} : memref<2048xi32, #tpu.memory_space<vmem>>, vector<16xi32>,
      %parallel_loop3A_349 = arith.constant 16 : i32
      %parallel_loop3A_350 = vector.broadcast %parallel_loop3A_349 : i32 to vector<16xi32>
      %parallel_loop3A_351 = arith.shrsi %parallel_loop3A_348, %parallel_loop3A_350 : vector<16xi32>
      %parallel_loop3A_352 = arith.constant 65535 : i32
      %parallel_loop3A_353 = vector.broadcast %parallel_loop3A_352 : i32 to vector<16xi32>
      %parallel_loop3A_354 = arith.andi %parallel_loop3A_348, %parallel_loop3A_353 : vector<16xi32>
      %parallel_loop3A_355 = arith.constant 10 : i32
      %parallel_loop3A_356 = vector.broadcast %parallel_loop3A_355 : i32 to vector<16xi32>
      %parallel_loop3A_357 = arith.shrsi %parallel_loop3A_351, %parallel_loop3A_356 : vector<16xi32>
      %parallel_loop3A_358 = arith.constant 1023 : i32
      %parallel_loop3A_359 = vector.broadcast %parallel_loop3A_358 : i32 to vector<16xi32>
      %parallel_loop3A_360 = arith.andi %parallel_loop3A_351, %parallel_loop3A_359 : vector<16xi32>
      %parallel_loop3A_361 = tpu.vector_load_idx %arg6[%parallel_loop3A_357, %parallel_loop3A_360] : memref<16x1024xf32, #tpu.memory_space<vmem>>[vector<16xi32>, vector<16xi32>], vector<16xf32>,
      %parallel_loop3A_362 = arith.constant 10 : i32
      %parallel_loop3A_363 = vector.broadcast %parallel_loop3A_362 : i32 to vector<16xi32>
      %parallel_loop3A_364 = arith.shrsi %parallel_loop3A_354, %parallel_loop3A_363 : vector<16xi32>
      %parallel_loop3A_365 = arith.constant 1023 : i32
      %parallel_loop3A_366 = vector.broadcast %parallel_loop3A_365 : i32 to vector<16xi32>
      %parallel_loop3A_367 = arith.andi %parallel_loop3A_354, %parallel_loop3A_366 : vector<16xi32>
      tpu.vector_store_idx %arg6[%parallel_loop3A_364, %parallel_loop3A_367], %parallel_loop3A_361 : memref<16x1024xf32, #tpu.memory_space<vmem>>[vector<16xi32>, vector<16xi32>], vector<16xf32>,
    } {sc.loop_unroll_factor = 4 : i64, sc.parallel_access}
    %parallel_loop3A_172 = arith.constant 0 : i32
    %parallel_loop3A_173 = arith.constant 14 : i32
    %parallel_loop3A_174 = arith.constant 1 : i32
    scf.for %parallel_loop3A_342 = %parallel_loop3A_172 to %parallel_loop3A_173 step %parallel_loop3A_174  : i32 {
      %parallel_loop3A_343 = arith.constant 16 : i32
      %parallel_loop3A_344 = arith.muli %parallel_loop3A_342, %parallel_loop3A_343 : i32
      %parallel_loop3A_345 = arith.constant 1824 : i32
      %parallel_loop3A_346 = arith.addi %parallel_loop3A_345, %parallel_loop3A_344 : i32
      %parallel_loop3A_347 = arith.index_cast %parallel_loop3A_346 : i32 to index
      %parallel_loop3A_348 = tpu.vector_load %arg10[%parallel_loop3A_347] {strides = array<i32>} : memref<2048xi32, #tpu.memory_space<vmem>>, vector<16xi32>,
      %parallel_loop3A_349 = arith.constant 65535 : i32
      %parallel_loop3A_350 = vector.broadcast %parallel_loop3A_349 : i32 to vector<16xi32>
      %parallel_loop3A_351 = arith.andi %parallel_loop3A_348, %parallel_loop3A_350 : vector<16xi32>
      %parallel_loop3A_352 = arith.constant 16 : i32
      %parallel_loop3A_353 = vector.broadcast %parallel_loop3A_352 : i32 to vector<16xi32>
      %parallel_loop3A_354 = arith.shrsi %parallel_loop3A_348, %parallel_loop3A_353 : vector<16xi32>
      %parallel_loop3A_355 = tpu.vector_load_idx %arg13[%parallel_loop3A_354] : memref<256xf32, #tpu.memory_space<vmem>>[vector<16xi32>], vector<16xf32>,
      %parallel_loop3A_356 = arith.constant 10 : i32
      %parallel_loop3A_357 = vector.broadcast %parallel_loop3A_356 : i32 to vector<16xi32>
      %parallel_loop3A_358 = arith.shrsi %parallel_loop3A_351, %parallel_loop3A_357 : vector<16xi32>
      %parallel_loop3A_359 = arith.constant 1023 : i32
      %parallel_loop3A_360 = vector.broadcast %parallel_loop3A_359 : i32 to vector<16xi32>
      %parallel_loop3A_361 = arith.andi %parallel_loop3A_351, %parallel_loop3A_360 : vector<16xi32>
      tpu.vector_store_idx %arg6[%parallel_loop3A_358, %parallel_loop3A_361], %parallel_loop3A_355 : memref<16x1024xf32, #tpu.memory_space<vmem>>[vector<16xi32>, vector<16xi32>], vector<16xf32>,
    } {sc.loop_unroll_factor = 2 : i64, sc.parallel_access}
    %add3A_175 = arith.constant 464 : i32
    %add3A_176 = arith.addi %mul3A_2, %add3A_175 : i32
    %dma_start3A_177 = arith.constant 1 : i32
    %dma_start3A_178 = arith.constant 0 : i32
    %dma_start3A_179 = arith.constant 0 : i32
    %dma_start3A_180 = tpu.memref_slice %arg6[%dma_start3A_178, %dma_start3A_179] : memref<16x1024xf32, #tpu.memory_space<vmem>> -> memref<16x1024xf32, #tpu.memory_space<vmem>>
    %dma_start3A_181 = arith.constant 0 : i32
    %dma_start3A_182 = tpu.memref_slice %arg4[%add3A_176, %dma_start3A_181] : memref<16384x1024xf32, #tpu.memory_space<hbm>> -> memref<16x1024xf32, #tpu.memory_space<hbm>>
    %dma_start3A_183 = tpu.memref_slice %arg15[%dma_start3A_177] : memref<4x!tpu.dma_semaphore, #tpu.memory_space<semaphore_mem>> -> memref<1x!tpu.dma_semaphore, #tpu.memory_space<semaphore_mem>>
    %dma_start3A_184 = tpu.memref_squeeze %dma_start3A_183 : memref<1x!tpu.dma_semaphore, #tpu.memory_space<semaphore_mem>> -> memref<!tpu.dma_semaphore, #tpu.memory_space<semaphore_mem>>
    %dma_start3A_185 = arith.constant 0 : i32
    %dma_start3A_186 = tpu.memref_slice %arg4[%add3A_176, %dma_start3A_185] : memref<16384x1024xf32, #tpu.memory_space<hbm>> -> memref<16x1024xf32, #tpu.memory_space<hbm>>
    %dma_start3A_187 = arith.constant 0 : i32
    %dma_start3A_188 = arith.constant 0 : i32
    %dma_start3A_189 = tpu.memref_slice %arg6[%dma_start3A_187, %dma_start3A_188] : memref<16x1024xf32, #tpu.memory_space<vmem>> -> memref<16x1024xf32, #tpu.memory_space<vmem>>
    tpu.enqueue_dma source(%dma_start3A_189 : memref<16x1024xf32, #tpu.memory_space<vmem>>) target(%dma_start3A_186 : memref<16x1024xf32, #tpu.memory_space<hbm>>) target_semaphore(%dma_start3A_184 : memref<!tpu.dma_semaphore, #tpu.memory_space<semaphore_mem>>)
    %dma_wait3A_190 = arith.constant 2 : i32
    %dma_wait3A_191 = arith.constant 0 : i32
    %dma_wait3A_192 = arith.constant 0 : i32
    %dma_wait3A_193 = tpu.memref_slice %arg7[%dma_wait3A_191, %dma_wait3A_192] : memref<16x1024xf32, #tpu.memory_space<vmem>> -> memref<16x1024xf32, #tpu.memory_space<vmem>>
    %dma_wait3A_194 = arith.constant 0 : i32
    %dma_wait3A_195 = arith.constant 0 : i32
    %dma_wait3A_196 = tpu.memref_slice %arg2[%dma_wait3A_194, %dma_wait3A_195] : memref<16384x1024xf32, #tpu.memory_space<hbm>> -> memref<16x1024xf32, #tpu.memory_space<hbm>>
    %dma_wait3A_197 = tpu.memref_slice %arg14[%dma_wait3A_190] : memref<4x!tpu.dma_semaphore, #tpu.memory_space<semaphore_mem>> -> memref<1x!tpu.dma_semaphore, #tpu.memory_space<semaphore_mem>>
    %dma_wait3A_198 = tpu.memref_squeeze %dma_wait3A_197 : memref<1x!tpu.dma_semaphore, #tpu.memory_space<semaphore_mem>> -> memref<!tpu.dma_semaphore, #tpu.memory_space<semaphore_mem>>
    %dma_wait3A_199 = arith.constant 0 : i32
    %dma_wait3A_200 = arith.constant 0 : i32
    %dma_wait3A_201 = tpu.memref_slice %arg7[%dma_wait3A_199, %dma_wait3A_200] : memref<16x1024xf32, #tpu.memory_space<vmem>> -> memref<16x1024xf32, #tpu.memory_space<vmem>>
    %dma_wait3A_202 = arith.constant 0 : i32
    %dma_wait3A_203 = arith.constant 0 : i32
    %dma_wait3A_204 = tpu.memref_slice %arg2[%dma_wait3A_202, %dma_wait3A_203] : memref<16384x1024xf32, #tpu.memory_space<hbm>> -> memref<16x1024xf32, #tpu.memory_space<hbm>>
    tpu.wait_dma2 semaphore(%dma_wait3A_198 : memref<!tpu.dma_semaphore, #tpu.memory_space<semaphore_mem>>) src(%dma_wait3A_204 : memref<16x1024xf32, #tpu.memory_space<hbm>>) dst(%dma_wait3A_201 : memref<16x1024xf32, #tpu.memory_space<vmem>>)
    %dma_wait3A_205 = arith.constant 2 : i32
    %dma_wait3A_206 = arith.constant 0 : i32
    %dma_wait3A_207 = tpu.memref_slice %arg3[%dma_wait3A_206] : memref<2097152xi32, #tpu.memory_space<hbm>> -> memref<2048xi32, #tpu.memory_space<hbm>>
    %dma_wait3A_208 = tpu.memref_slice %arg14[%dma_wait3A_205] : memref<4x!tpu.dma_semaphore, #tpu.memory_space<semaphore_mem>> -> memref<1x!tpu.dma_semaphore, #tpu.memory_space<semaphore_mem>>
    %dma_wait3A_209 = tpu.memref_squeeze %dma_wait3A_208 : memref<1x!tpu.dma_semaphore, #tpu.memory_space<semaphore_mem>> -> memref<!tpu.dma_semaphore, #tpu.memory_space<semaphore_mem>>
    %dma_wait3A_210 = arith.constant 0 : i32
    %dma_wait3A_211 = tpu.memref_slice %arg3[%dma_wait3A_210] : memref<2097152xi32, #tpu.memory_space<hbm>> -> memref<2048xi32, #tpu.memory_space<hbm>>
    tpu.wait_dma2 semaphore(%dma_wait3A_209 : memref<!tpu.dma_semaphore, #tpu.memory_space<semaphore_mem>>) src(%dma_wait3A_211 : memref<2048xi32, #tpu.memory_space<hbm>>) dst(%arg11 : memref<2048xi32, #tpu.memory_space<vmem>>)
    %parallel_loop3A_212 = arith.constant 0 : i32
    %parallel_loop3A_213 = arith.constant 14 : i32
    %parallel_loop3A_214 = arith.constant 1 : i32
    scf.for %parallel_loop3A_342 = %parallel_loop3A_212 to %parallel_loop3A_213 step %parallel_loop3A_214  : i32 {
      %parallel_loop3A_343 = arith.constant 16 : i32
      %parallel_loop3A_344 = arith.muli %parallel_loop3A_342, %parallel_loop3A_343 : i32
      %parallel_loop3A_345 = arith.index_cast %parallel_loop3A_344 : i32 to index
      %parallel_loop3A_346 = tpu.vector_load %arg11[%parallel_loop3A_345] {strides = array<i32>} : memref<2048xi32, #tpu.memory_space<vmem>>, vector<16xi32>,
      %parallel_loop3A_347 = arith.constant 10 : i32
      %parallel_loop3A_348 = vector.broadcast %parallel_loop3A_347 : i32 to vector<16xi32>
      %parallel_loop3A_349 = arith.shrsi %parallel_loop3A_346, %parallel_loop3A_348 : vector<16xi32>
      %parallel_loop3A_350 = arith.constant 1023 : i32
      %parallel_loop3A_351 = vector.broadcast %parallel_loop3A_350 : i32 to vector<16xi32>
      %parallel_loop3A_352 = arith.andi %parallel_loop3A_346, %parallel_loop3A_351 : vector<16xi32>
      %parallel_loop3A_353 = tpu.vector_load_idx %arg7[%parallel_loop3A_349, %parallel_loop3A_352] : memref<16x1024xf32, #tpu.memory_space<vmem>>[vector<16xi32>, vector<16xi32>], vector<16xf32>,
      %parallel_loop3A_354 = arith.constant 16 : i32
      %parallel_loop3A_355 = arith.muli %parallel_loop3A_342, %parallel_loop3A_354 : i32
      %parallel_loop3A_356 = arith.index_cast %parallel_loop3A_355 : i32 to index
      %parallel_loop3A_357 = tpu.vector_load %arg13[%parallel_loop3A_356] {strides = array<i32>} : memref<256xf32, #tpu.memory_space<vmem>>, vector<16xf32>,
      tpu.vector_store %arg13[%parallel_loop3A_356], %parallel_loop3A_353 {strides = array<i32>} : memref<256xf32, #tpu.memory_space<vmem>>, vector<16xf32>,
    } {sc.loop_unroll_factor = 2 : i64, sc.parallel_access}
    %parallel_loop3A_215 = arith.constant 0 : i32
    %parallel_loop3A_216 = arith.constant 100 : i32
    %parallel_loop3A_217 = arith.constant 1 : i32
    scf.for %parallel_loop3A_342 = %parallel_loop3A_215 to %parallel_loop3A_216 step %parallel_loop3A_217  : i32 {
      %parallel_loop3A_343 = arith.constant 16 : i32
      %parallel_loop3A_344 = arith.muli %parallel_loop3A_342, %parallel_loop3A_343 : i32
      %parallel_loop3A_345 = arith.constant 224 : i32
      %parallel_loop3A_346 = arith.addi %parallel_loop3A_345, %parallel_loop3A_344 : i32
      %parallel_loop3A_347 = arith.index_cast %parallel_loop3A_346 : i32 to index
      %parallel_loop3A_348 = tpu.vector_load %arg11[%parallel_loop3A_347] {strides = array<i32>} : memref<2048xi32, #tpu.memory_space<vmem>>, vector<16xi32>,
      %parallel_loop3A_349 = arith.constant 16 : i32
      %parallel_loop3A_350 = vector.broadcast %parallel_loop3A_349 : i32 to vector<16xi32>
      %parallel_loop3A_351 = arith.shrsi %parallel_loop3A_348, %parallel_loop3A_350 : vector<16xi32>
      %parallel_loop3A_352 = arith.constant 65535 : i32
      %parallel_loop3A_353 = vector.broadcast %parallel_loop3A_352 : i32 to vector<16xi32>
      %parallel_loop3A_354 = arith.andi %parallel_loop3A_348, %parallel_loop3A_353 : vector<16xi32>
      %parallel_loop3A_355 = arith.constant 10 : i32
      %parallel_loop3A_356 = vector.broadcast %parallel_loop3A_355 : i32 to vector<16xi32>
      %parallel_loop3A_357 = arith.shrsi %parallel_loop3A_351, %parallel_loop3A_356 : vector<16xi32>
      %parallel_loop3A_358 = arith.constant 1023 : i32
      %parallel_loop3A_359 = vector.broadcast %parallel_loop3A_358 : i32 to vector<16xi32>
      %parallel_loop3A_360 = arith.andi %parallel_loop3A_351, %parallel_loop3A_359 : vector<16xi32>
      %parallel_loop3A_361 = tpu.vector_load_idx %arg7[%parallel_loop3A_357, %parallel_loop3A_360] : memref<16x1024xf32, #tpu.memory_space<vmem>>[vector<16xi32>, vector<16xi32>], vector<16xf32>,
      %parallel_loop3A_362 = arith.constant 10 : i32
      %parallel_loop3A_363 = vector.broadcast %parallel_loop3A_362 : i32 to vector<16xi32>
      %parallel_loop3A_364 = arith.shrsi %parallel_loop3A_354, %parallel_loop3A_363 : vector<16xi32>
      %parallel_loop3A_365 = arith.constant 1023 : i32
      %parallel_loop3A_366 = vector.broadcast %parallel_loop3A_365 : i32 to vector<16xi32>
      %parallel_loop3A_367 = arith.andi %parallel_loop3A_354, %parallel_loop3A_366 : vector<16xi32>
      tpu.vector_store_idx %arg7[%parallel_loop3A_364, %parallel_loop3A_367], %parallel_loop3A_361 : memref<16x1024xf32, #tpu.memory_space<vmem>>[vector<16xi32>, vector<16xi32>], vector<16xf32>,
    } {sc.loop_unroll_factor = 4 : i64, sc.parallel_access}
    %parallel_loop3A_218 = arith.constant 0 : i32
    %parallel_loop3A_219 = arith.constant 14 : i32
    %parallel_loop3A_220 = arith.constant 1 : i32
    scf.for %parallel_loop3A_342 = %parallel_loop3A_218 to %parallel_loop3A_219 step %parallel_loop3A_220  : i32 {
      %parallel_loop3A_343 = arith.constant 16 : i32
      %parallel_loop3A_344 = arith.muli %parallel_loop3A_342, %parallel_loop3A_343 : i32
      %parallel_loop3A_345 = arith.constant 1824 : i32
      %parallel_loop3A_346 = arith.addi %parallel_loop3A_345, %parallel_loop3A_344 : i32
      %parallel_loop3A_347 = arith.index_cast %parallel_loop3A_346 : i32 to index
      %parallel_loop3A_348 = tpu.vector_load %arg11[%parallel_loop3A_347] {strides = array<i32>} : memref<2048xi32, #tpu.memory_space<vmem>>, vector<16xi32>,
      %parallel_loop3A_349 = arith.constant 65535 : i32
      %parallel_loop3A_350 = vector.broadcast %parallel_loop3A_349 : i32 to vector<16xi32>
      %parallel_loop3A_351 = arith.andi %parallel_loop3A_348, %parallel_loop3A_350 : vector<16xi32>
      %parallel_loop3A_352 = arith.constant 16 : i32
      %parallel_loop3A_353 = vector.broadcast %parallel_loop3A_352 : i32 to vector<16xi32>
      %parallel_loop3A_354 = arith.shrsi %parallel_loop3A_348, %parallel_loop3A_353 : vector<16xi32>
      %parallel_loop3A_355 = tpu.vector_load_idx %arg13[%parallel_loop3A_354] : memref<256xf32, #tpu.memory_space<vmem>>[vector<16xi32>], vector<16xf32>,
      %parallel_loop3A_356 = arith.constant 10 : i32
      %parallel_loop3A_357 = vector.broadcast %parallel_loop3A_356 : i32 to vector<16xi32>
      %parallel_loop3A_358 = arith.shrsi %parallel_loop3A_351, %parallel_loop3A_357 : vector<16xi32>
      %parallel_loop3A_359 = arith.constant 1023 : i32
      %parallel_loop3A_360 = vector.broadcast %parallel_loop3A_359 : i32 to vector<16xi32>
      %parallel_loop3A_361 = arith.andi %parallel_loop3A_351, %parallel_loop3A_360 : vector<16xi32>
      tpu.vector_store_idx %arg7[%parallel_loop3A_358, %parallel_loop3A_361], %parallel_loop3A_355 : memref<16x1024xf32, #tpu.memory_space<vmem>>[vector<16xi32>, vector<16xi32>], vector<16xf32>,
    } {sc.loop_unroll_factor = 2 : i64, sc.parallel_access}
    %add3A_221 = arith.constant 480 : i32
    %add3A_222 = arith.addi %mul3A_2, %add3A_221 : i32
    %dma_start3A_223 = arith.constant 2 : i32
    %dma_start3A_224 = arith.constant 0 : i32
    %dma_start3A_225 = arith.constant 0 : i32
    %dma_start3A_226 = tpu.memref_slice %arg7[%dma_start3A_224, %dma_start3A_225] : memref<16x1024xf32, #tpu.memory_space<vmem>> -> memref<16x1024xf32, #tpu.memory_space<vmem>>
    %dma_start3A_227 = arith.constant 0 : i32
    %dma_start3A_228 = tpu.memref_slice %arg4[%add3A_222, %dma_start3A_227] : memref<16384x1024xf32, #tpu.memory_space<hbm>> -> memref<16x1024xf32, #tpu.memory_space<hbm>>
    %dma_start3A_229 = tpu.memref_slice %arg15[%dma_start3A_223] : memref<4x!tpu.dma_semaphore, #tpu.memory_space<semaphore_mem>> -> memref<1x!tpu.dma_semaphore, #tpu.memory_space<semaphore_mem>>
    %dma_start3A_230 = tpu.memref_squeeze %dma_start3A_229 : memref<1x!tpu.dma_semaphore, #tpu.memory_space<semaphore_mem>> -> memref<!tpu.dma_semaphore, #tpu.memory_space<semaphore_mem>>
    %dma_start3A_231 = arith.constant 0 : i32
    %dma_start3A_232 = tpu.memref_slice %arg4[%add3A_222, %dma_start3A_231] : memref<16384x1024xf32, #tpu.memory_space<hbm>> -> memref<16x1024xf32, #tpu.memory_space<hbm>>
    %dma_start3A_233 = arith.constant 0 : i32
    %dma_start3A_234 = arith.constant 0 : i32
    %dma_start3A_235 = tpu.memref_slice %arg7[%dma_start3A_233, %dma_start3A_234] : memref<16x1024xf32, #tpu.memory_space<vmem>> -> memref<16x1024xf32, #tpu.memory_space<vmem>>
    tpu.enqueue_dma source(%dma_start3A_235 : memref<16x1024xf32, #tpu.memory_space<vmem>>) target(%dma_start3A_232 : memref<16x1024xf32, #tpu.memory_space<hbm>>) target_semaphore(%dma_start3A_230 : memref<!tpu.dma_semaphore, #tpu.memory_space<semaphore_mem>>)
    %dma_wait3A_236 = arith.constant 3 : i32
    %dma_wait3A_237 = arith.constant 0 : i32
    %dma_wait3A_238 = arith.constant 0 : i32
    %dma_wait3A_239 = tpu.memref_slice %arg8[%dma_wait3A_237, %dma_wait3A_238] : memref<16x1024xf32, #tpu.memory_space<vmem>> -> memref<16x1024xf32, #tpu.memory_space<vmem>>
    %dma_wait3A_240 = arith.constant 0 : i32
    %dma_wait3A_241 = arith.constant 0 : i32
    %dma_wait3A_242 = tpu.memref_slice %arg2[%dma_wait3A_240, %dma_wait3A_241] : memref<16384x1024xf32, #tpu.memory_space<hbm>> -> memref<16x1024xf32, #tpu.memory_space<hbm>>
    %dma_wait3A_243 = tpu.memref_slice %arg14[%dma_wait3A_236] : memref<4x!tpu.dma_semaphore, #tpu.memory_space<semaphore_mem>> -> memref<1x!tpu.dma_semaphore, #tpu.memory_space<semaphore_mem>>
    %dma_wait3A_244 = tpu.memref_squeeze %dma_wait3A_243 : memref<1x!tpu.dma_semaphore, #tpu.memory_space<semaphore_mem>> -> memref<!tpu.dma_semaphore, #tpu.memory_space<semaphore_mem>>
    %dma_wait3A_245 = arith.constant 0 : i32
    %dma_wait3A_246 = arith.constant 0 : i32
    %dma_wait3A_247 = tpu.memref_slice %arg8[%dma_wait3A_245, %dma_wait3A_246] : memref<16x1024xf32, #tpu.memory_space<vmem>> -> memref<16x1024xf32, #tpu.memory_space<vmem>>
    %dma_wait3A_248 = arith.constant 0 : i32
    %dma_wait3A_249 = arith.constant 0 : i32
    %dma_wait3A_250 = tpu.memref_slice %arg2[%dma_wait3A_248, %dma_wait3A_249] : memref<16384x1024xf32, #tpu.memory_space<hbm>> -> memref<16x1024xf32, #tpu.memory_space<hbm>>
    tpu.wait_dma2 semaphore(%dma_wait3A_244 : memref<!tpu.dma_semaphore, #tpu.memory_space<semaphore_mem>>) src(%dma_wait3A_250 : memref<16x1024xf32, #tpu.memory_space<hbm>>) dst(%dma_wait3A_247 : memref<16x1024xf32, #tpu.memory_space<vmem>>)
    %dma_wait3A_251 = arith.constant 3 : i32
    %dma_wait3A_252 = arith.constant 0 : i32
    %dma_wait3A_253 = tpu.memref_slice %arg3[%dma_wait3A_252] : memref<2097152xi32, #tpu.memory_space<hbm>> -> memref<2048xi32, #tpu.memory_space<hbm>>
    %dma_wait3A_254 = tpu.memref_slice %arg14[%dma_wait3A_251] : memref<4x!tpu.dma_semaphore, #tpu.memory_space<semaphore_mem>> -> memref<1x!tpu.dma_semaphore, #tpu.memory_space<semaphore_mem>>
    %dma_wait3A_255 = tpu.memref_squeeze %dma_wait3A_254 : memref<1x!tpu.dma_semaphore, #tpu.memory_space<semaphore_mem>> -> memref<!tpu.dma_semaphore, #tpu.memory_space<semaphore_mem>>
    %dma_wait3A_256 = arith.constant 0 : i32
    %dma_wait3A_257 = tpu.memref_slice %arg3[%dma_wait3A_256] : memref<2097152xi32, #tpu.memory_space<hbm>> -> memref<2048xi32, #tpu.memory_space<hbm>>
    tpu.wait_dma2 semaphore(%dma_wait3A_255 : memref<!tpu.dma_semaphore, #tpu.memory_space<semaphore_mem>>) src(%dma_wait3A_257 : memref<2048xi32, #tpu.memory_space<hbm>>) dst(%arg12 : memref<2048xi32, #tpu.memory_space<vmem>>)
    %parallel_loop3A_258 = arith.constant 0 : i32
    %parallel_loop3A_259 = arith.constant 14 : i32
    %parallel_loop3A_260 = arith.constant 1 : i32
    scf.for %parallel_loop3A_342 = %parallel_loop3A_258 to %parallel_loop3A_259 step %parallel_loop3A_260  : i32 {
      %parallel_loop3A_343 = arith.constant 16 : i32
      %parallel_loop3A_344 = arith.muli %parallel_loop3A_342, %parallel_loop3A_343 : i32
      %parallel_loop3A_345 = arith.index_cast %parallel_loop3A_344 : i32 to index
      %parallel_loop3A_346 = tpu.vector_load %arg12[%parallel_loop3A_345] {strides = array<i32>} : memref<2048xi32, #tpu.memory_space<vmem>>, vector<16xi32>,
      %parallel_loop3A_347 = arith.constant 10 : i32
      %parallel_loop3A_348 = vector.broadcast %parallel_loop3A_347 : i32 to vector<16xi32>
      %parallel_loop3A_349 = arith.shrsi %parallel_loop3A_346, %parallel_loop3A_348 : vector<16xi32>
      %parallel_loop3A_350 = arith.constant 1023 : i32
      %parallel_loop3A_351 = vector.broadcast %parallel_loop3A_350 : i32 to vector<16xi32>
      %parallel_loop3A_352 = arith.andi %parallel_loop3A_346, %parallel_loop3A_351 : vector<16xi32>
      %parallel_loop3A_353 = tpu.vector_load_idx %arg8[%parallel_loop3A_349, %parallel_loop3A_352] : memref<16x1024xf32, #tpu.memory_space<vmem>>[vector<16xi32>, vector<16xi32>], vector<16xf32>,
      %parallel_loop3A_354 = arith.constant 16 : i32
      %parallel_loop3A_355 = arith.muli %parallel_loop3A_342, %parallel_loop3A_354 : i32
      %parallel_loop3A_356 = arith.index_cast %parallel_loop3A_355 : i32 to index
      %parallel_loop3A_357 = tpu.vector_load %arg13[%parallel_loop3A_356] {strides = array<i32>} : memref<256xf32, #tpu.memory_space<vmem>>, vector<16xf32>,
      tpu.vector_store %arg13[%parallel_loop3A_356], %parallel_loop3A_353 {strides = array<i32>} : memref<256xf32, #tpu.memory_space<vmem>>, vector<16xf32>,
    } {sc.loop_unroll_factor = 2 : i64, sc.parallel_access}
    %parallel_loop3A_261 = arith.constant 0 : i32
    %parallel_loop3A_262 = arith.constant 100 : i32
    %parallel_loop3A_263 = arith.constant 1 : i32
    scf.for %parallel_loop3A_342 = %parallel_loop3A_261 to %parallel_loop3A_262 step %parallel_loop3A_263  : i32 {
      %parallel_loop3A_343 = arith.constant 16 : i32
      %parallel_loop3A_344 = arith.muli %parallel_loop3A_342, %parallel_loop3A_343 : i32
      %parallel_loop3A_345 = arith.constant 224 : i32
      %parallel_loop3A_346 = arith.addi %parallel_loop3A_345, %parallel_loop3A_344 : i32
      %parallel_loop3A_347 = arith.index_cast %parallel_loop3A_346 : i32 to index
      %parallel_loop3A_348 = tpu.vector_load %arg12[%parallel_loop3A_347] {strides = array<i32>} : memref<2048xi32, #tpu.memory_space<vmem>>, vector<16xi32>,
      %parallel_loop3A_349 = arith.constant 16 : i32
      %parallel_loop3A_350 = vector.broadcast %parallel_loop3A_349 : i32 to vector<16xi32>
      %parallel_loop3A_351 = arith.shrsi %parallel_loop3A_348, %parallel_loop3A_350 : vector<16xi32>
      %parallel_loop3A_352 = arith.constant 65535 : i32
      %parallel_loop3A_353 = vector.broadcast %parallel_loop3A_352 : i32 to vector<16xi32>
      %parallel_loop3A_354 = arith.andi %parallel_loop3A_348, %parallel_loop3A_353 : vector<16xi32>
      %parallel_loop3A_355 = arith.constant 10 : i32
      %parallel_loop3A_356 = vector.broadcast %parallel_loop3A_355 : i32 to vector<16xi32>
      %parallel_loop3A_357 = arith.shrsi %parallel_loop3A_351, %parallel_loop3A_356 : vector<16xi32>
      %parallel_loop3A_358 = arith.constant 1023 : i32
      %parallel_loop3A_359 = vector.broadcast %parallel_loop3A_358 : i32 to vector<16xi32>
      %parallel_loop3A_360 = arith.andi %parallel_loop3A_351, %parallel_loop3A_359 : vector<16xi32>
      %parallel_loop3A_361 = tpu.vector_load_idx %arg8[%parallel_loop3A_357, %parallel_loop3A_360] : memref<16x1024xf32, #tpu.memory_space<vmem>>[vector<16xi32>, vector<16xi32>], vector<16xf32>,
      %parallel_loop3A_362 = arith.constant 10 : i32
      %parallel_loop3A_363 = vector.broadcast %parallel_loop3A_362 : i32 to vector<16xi32>
      %parallel_loop3A_364 = arith.shrsi %parallel_loop3A_354, %parallel_loop3A_363 : vector<16xi32>
      %parallel_loop3A_365 = arith.constant 1023 : i32
      %parallel_loop3A_366 = vector.broadcast %parallel_loop3A_365 : i32 to vector<16xi32>
      %parallel_loop3A_367 = arith.andi %parallel_loop3A_354, %parallel_loop3A_366 : vector<16xi32>
      tpu.vector_store_idx %arg8[%parallel_loop3A_364, %parallel_loop3A_367], %parallel_loop3A_361 : memref<16x1024xf32, #tpu.memory_space<vmem>>[vector<16xi32>, vector<16xi32>], vector<16xf32>,
    } {sc.loop_unroll_factor = 4 : i64, sc.parallel_access}
    %parallel_loop3A_264 = arith.constant 0 : i32
    %parallel_loop3A_265 = arith.constant 14 : i32
    %parallel_loop3A_266 = arith.constant 1 : i32
    scf.for %parallel_loop3A_342 = %parallel_loop3A_264 to %parallel_loop3A_265 step %parallel_loop3A_266  : i32 {
      %parallel_loop3A_343 = arith.constant 16 : i32
      %parallel_loop3A_344 = arith.muli %parallel_loop3A_342, %parallel_loop3A_343 : i32
      %parallel_loop3A_345 = arith.constant 1824 : i32
      %parallel_loop3A_346 = arith.addi %parallel_loop3A_345, %parallel_loop3A_344 : i32
      %parallel_loop3A_347 = arith.index_cast %parallel_loop3A_346 : i32 to index
      %parallel_loop3A_348 = tpu.vector_load %arg12[%parallel_loop3A_347] {strides = array<i32>} : memref<2048xi32, #tpu.memory_space<vmem>>, vector<16xi32>,
      %parallel_loop3A_349 = arith.constant 65535 : i32
      %parallel_loop3A_350 = vector.broadcast %parallel_loop3A_349 : i32 to vector<16xi32>
      %parallel_loop3A_351 = arith.andi %parallel_loop3A_348, %parallel_loop3A_350 : vector<16xi32>
      %parallel_loop3A_352 = arith.constant 16 : i32
      %parallel_loop3A_353 = vector.broadcast %parallel_loop3A_352 : i32 to vector<16xi32>
      %parallel_loop3A_354 = arith.shrsi %parallel_loop3A_348, %parallel_loop3A_353 : vector<16xi32>
      %parallel_loop3A_355 = tpu.vector_load_idx %arg13[%parallel_loop3A_354] : memref<256xf32, #tpu.memory_space<vmem>>[vector<16xi32>], vector<16xf32>,
      %parallel_loop3A_356 = arith.constant 10 : i32
      %parallel_loop3A_357 = vector.broadcast %parallel_loop3A_356 : i32 to vector<16xi32>
      %parallel_loop3A_358 = arith.shrsi %parallel_loop3A_351, %parallel_loop3A_357 : vector<16xi32>
      %parallel_loop3A_359 = arith.constant 1023 : i32
      %parallel_loop3A_360 = vector.broadcast %parallel_loop3A_359 : i32 to vector<16xi32>
      %parallel_loop3A_361 = arith.andi %parallel_loop3A_351, %parallel_loop3A_360 : vector<16xi32>
      tpu.vector_store_idx %arg8[%parallel_loop3A_358, %parallel_loop3A_361], %parallel_loop3A_355 : memref<16x1024xf32, #tpu.memory_space<vmem>>[vector<16xi32>, vector<16xi32>], vector<16xf32>,
    } {sc.loop_unroll_factor = 2 : i64, sc.parallel_access}
    %add3A_267 = arith.constant 496 : i32
    %add3A_268 = arith.addi %mul3A_2, %add3A_267 : i32
    %dma_start3A_269 = arith.constant 3 : i32
    %dma_start3A_270 = arith.constant 0 : i32
    %dma_start3A_271 = arith.constant 0 : i32
    %dma_start3A_272 = tpu.memref_slice %arg8[%dma_start3A_270, %dma_start3A_271] : memref<16x1024xf32, #tpu.memory_space<vmem>> -> memref<16x1024xf32, #tpu.memory_space<vmem>>
    %dma_start3A_273 = arith.constant 0 : i32
    %dma_start3A_274 = tpu.memref_slice %arg4[%add3A_268, %dma_start3A_273] : memref<16384x1024xf32, #tpu.memory_space<hbm>> -> memref<16x1024xf32, #tpu.memory_space<hbm>>
    %dma_start3A_275 = tpu.memref_slice %arg15[%dma_start3A_269] : memref<4x!tpu.dma_semaphore, #tpu.memory_space<semaphore_mem>> -> memref<1x!tpu.dma_semaphore, #tpu.memory_space<semaphore_mem>>
    %dma_start3A_276 = tpu.memref_squeeze %dma_start3A_275 : memref<1x!tpu.dma_semaphore, #tpu.memory_space<semaphore_mem>> -> memref<!tpu.dma_semaphore, #tpu.memory_space<semaphore_mem>>
    %dma_start3A_277 = arith.constant 0 : i32
    %dma_start3A_278 = tpu.memref_slice %arg4[%add3A_268, %dma_start3A_277] : memref<16384x1024xf32, #tpu.memory_space<hbm>> -> memref<16x1024xf32, #tpu.memory_space<hbm>>
    %dma_start3A_279 = arith.constant 0 : i32
    %dma_start3A_280 = arith.constant 0 : i32
    %dma_start3A_281 = tpu.memref_slice %arg8[%dma_start3A_279, %dma_start3A_280] : memref<16x1024xf32, #tpu.memory_space<vmem>> -> memref<16x1024xf32, #tpu.memory_space<vmem>>
    tpu.enqueue_dma source(%dma_start3A_281 : memref<16x1024xf32, #tpu.memory_space<vmem>>) target(%dma_start3A_278 : memref<16x1024xf32, #tpu.memory_space<hbm>>) target_semaphore(%dma_start3A_276 : memref<!tpu.dma_semaphore, #tpu.memory_space<semaphore_mem>>)
    %dma_wait3A_282 = arith.constant 0 : i32
    %dma_wait3A_283 = arith.constant 0 : i32
    %dma_wait3A_284 = arith.constant 0 : i32
    %dma_wait3A_285 = tpu.memref_slice %arg5[%dma_wait3A_283, %dma_wait3A_284] : memref<16x1024xf32, #tpu.memory_space<vmem>> -> memref<16x1024xf32, #tpu.memory_space<vmem>>
    %dma_wait3A_286 = arith.constant 0 : i32
    %dma_wait3A_287 = arith.constant 0 : i32
    %dma_wait3A_288 = tpu.memref_slice %arg4[%dma_wait3A_286, %dma_wait3A_287] : memref<16384x1024xf32, #tpu.memory_space<hbm>> -> memref<16x1024xf32, #tpu.memory_space<hbm>>
    %dma_wait3A_289 = tpu.memref_slice %arg15[%dma_wait3A_282] : memref<4x!tpu.dma_semaphore, #tpu.memory_space<semaphore_mem>> -> memref<1x!tpu.dma_semaphore, #tpu.memory_space<semaphore_mem>>
    %dma_wait3A_290 = tpu.memref_squeeze %dma_wait3A_289 : memref<1x!tpu.dma_semaphore, #tpu.memory_space<semaphore_mem>> -> memref<!tpu.dma_semaphore, #tpu.memory_space<semaphore_mem>>
    %dma_wait3A_291 = arith.constant 0 : i32
    %dma_wait3A_292 = arith.constant 0 : i32
    %dma_wait3A_293 = tpu.memref_slice %arg4[%dma_wait3A_291, %dma_wait3A_292] : memref<16384x1024xf32, #tpu.memory_space<hbm>> -> memref<16x1024xf32, #tpu.memory_space<hbm>>
    %dma_wait3A_294 = arith.constant 0 : i32
    %dma_wait3A_295 = arith.constant 0 : i32
    %dma_wait3A_296 = tpu.memref_slice %arg5[%dma_wait3A_294, %dma_wait3A_295] : memref<16x1024xf32, #tpu.memory_space<vmem>> -> memref<16x1024xf32, #tpu.memory_space<vmem>>
    tpu.wait_dma2 semaphore(%dma_wait3A_290 : memref<!tpu.dma_semaphore, #tpu.memory_space<semaphore_mem>>) src(%dma_wait3A_296 : memref<16x1024xf32, #tpu.memory_space<vmem>>) dst(%dma_wait3A_293 : memref<16x1024xf32, #tpu.memory_space<hbm>>)
    %dma_wait3A_297 = arith.constant 1 : i32
    %dma_wait3A_298 = arith.constant 0 : i32
    %dma_wait3A_299 = arith.constant 0 : i32
    %dma_wait3A_300 = tpu.memref_slice %arg6[%dma_wait3A_298, %dma_wait3A_299] : memref<16x1024xf32, #tpu.memory_space<vmem>> -> memref<16x1024xf32, #tpu.memory_space<vmem>>
    %dma_wait3A_301 = arith.constant 0 : i32
    %dma_wait3A_302 = arith.constant 0 : i32
    %dma_wait3A_303 = tpu.memref_slice %arg4[%dma_wait3A_301, %dma_wait3A_302] : memref<16384x1024xf32, #tpu.memory_space<hbm>> -> memref<16x1024xf32, #tpu.memory_space<hbm>>
    %dma_wait3A_304 = tpu.memref_slice %arg15[%dma_wait3A_297] : memref<4x!tpu.dma_semaphore, #tpu.memory_space<semaphore_mem>> -> memref<1x!tpu.dma_semaphore, #tpu.memory_space<semaphore_mem>>
    %dma_wait3A_305 = tpu.memref_squeeze %dma_wait3A_304 : memref<1x!tpu.dma_semaphore, #tpu.memory_space<semaphore_mem>> -> memref<!tpu.dma_semaphore, #tpu.memory_space<semaphore_mem>>
    %dma_wait3A_306 = arith.constant 0 : i32
    %dma_wait3A_307 = arith.constant 0 : i32
    %dma_wait3A_308 = tpu.memref_slice %arg4[%dma_wait3A_306, %dma_wait3A_307] : memref<16384x1024xf32, #tpu.memory_space<hbm>> -> memref<16x1024xf32, #tpu.memory_space<hbm>>
    %dma_wait3A_309 = arith.constant 0 : i32
    %dma_wait3A_310 = arith.constant 0 : i32
    %dma_wait3A_311 = tpu.memref_slice %arg6[%dma_wait3A_309, %dma_wait3A_310] : memref<16x1024xf32, #tpu.memory_space<vmem>> -> memref<16x1024xf32, #tpu.memory_space<vmem>>
    tpu.wait_dma2 semaphore(%dma_wait3A_305 : memref<!tpu.dma_semaphore, #tpu.memory_space<semaphore_mem>>) src(%dma_wait3A_311 : memref<16x1024xf32, #tpu.memory_space<vmem>>) dst(%dma_wait3A_308 : memref<16x1024xf32, #tpu.memory_space<hbm>>)
    %dma_wait3A_312 = arith.constant 2 : i32
    %dma_wait3A_313 = arith.constant 0 : i32
    %dma_wait3A_314 = arith.constant 0 : i32
    %dma_wait3A_315 = tpu.memref_slice %arg7[%dma_wait3A_313, %dma_wait3A_314] : memref<16x1024xf32, #tpu.memory_space<vmem>> -> memref<16x1024xf32, #tpu.memory_space<vmem>>
    %dma_wait3A_316 = arith.constant 0 : i32
    %dma_wait3A_317 = arith.constant 0 : i32
    %dma_wait3A_318 = tpu.memref_slice %arg4[%dma_wait3A_316, %dma_wait3A_317] : memref<16384x1024xf32, #tpu.memory_space<hbm>> -> memref<16x1024xf32, #tpu.memory_space<hbm>>
    %dma_wait3A_319 = tpu.memref_slice %arg15[%dma_wait3A_312] : memref<4x!tpu.dma_semaphore, #tpu.memory_space<semaphore_mem>> -> memref<1x!tpu.dma_semaphore, #tpu.memory_space<semaphore_mem>>
    %dma_wait3A_320 = tpu.memref_squeeze %dma_wait3A_319 : memref<1x!tpu.dma_semaphore, #tpu.memory_space<semaphore_mem>> -> memref<!tpu.dma_semaphore, #tpu.memory_space<semaphore_mem>>
    %dma_wait3A_321 = arith.constant 0 : i32
    %dma_wait3A_322 = arith.constant 0 : i32
    %dma_wait3A_323 = tpu.memref_slice %arg4[%dma_wait3A_321, %dma_wait3A_322] : memref<16384x1024xf32, #tpu.memory_space<hbm>> -> memref<16x1024xf32, #tpu.memory_space<hbm>>
    %dma_wait3A_324 = arith.constant 0 : i32
    %dma_wait3A_325 = arith.constant 0 : i32
    %dma_wait3A_326 = tpu.memref_slice %arg7[%dma_wait3A_324, %dma_wait3A_325] : memref<16x1024xf32, #tpu.memory_space<vmem>> -> memref<16x1024xf32, #tpu.memory_space<vmem>>
    tpu.wait_dma2 semaphore(%dma_wait3A_320 : memref<!tpu.dma_semaphore, #tpu.memory_space<semaphore_mem>>) src(%dma_wait3A_326 : memref<16x1024xf32, #tpu.memory_space<vmem>>) dst(%dma_wait3A_323 : memref<16x1024xf32, #tpu.memory_space<hbm>>)
    %dma_wait3A_327 = arith.constant 3 : i32
    %dma_wait3A_328 = arith.constant 0 : i32
    %dma_wait3A_329 = arith.constant 0 : i32
    %dma_wait3A_330 = tpu.memref_slice %arg8[%dma_wait3A_328, %dma_wait3A_329] : memref<16x1024xf32, #tpu.memory_space<vmem>> -> memref<16x1024xf32, #tpu.memory_space<vmem>>
    %dma_wait3A_331 = arith.constant 0 : i32
    %dma_wait3A_332 = arith.constant 0 : i32
    %dma_wait3A_333 = tpu.memref_slice %arg4[%dma_wait3A_331, %dma_wait3A_332] : memref<16384x1024xf32, #tpu.memory_space<hbm>> -> memref<16x1024xf32, #tpu.memory_space<hbm>>
    %dma_wait3A_334 = tpu.memref_slice %arg15[%dma_wait3A_327] : memref<4x!tpu.dma_semaphore, #tpu.memory_space<semaphore_mem>> -> memref<1x!tpu.dma_semaphore, #tpu.memory_space<semaphore_mem>>
    %dma_wait3A_335 = tpu.memref_squeeze %dma_wait3A_334 : memref<1x!tpu.dma_semaphore, #tpu.memory_space<semaphore_mem>> -> memref<!tpu.dma_semaphore, #tpu.memory_space<semaphore_mem>>
    %dma_wait3A_336 = arith.constant 0 : i32
    %dma_wait3A_337 = arith.constant 0 : i32
    %dma_wait3A_338 = tpu.memref_slice %arg4[%dma_wait3A_336, %dma_wait3A_337] : memref<16384x1024xf32, #tpu.memory_space<hbm>> -> memref<16x1024xf32, #tpu.memory_space<hbm>>
    %dma_wait3A_339 = arith.constant 0 : i32
    %dma_wait3A_340 = arith.constant 0 : i32
    %dma_wait3A_341 = tpu.memref_slice %arg8[%dma_wait3A_339, %dma_wait3A_340] : memref<16x1024xf32, #tpu.memory_space<vmem>> -> memref<16x1024xf32, #tpu.memory_space<vmem>>
    tpu.wait_dma2 semaphore(%dma_wait3A_335 : memref<!tpu.dma_semaphore, #tpu.memory_space<semaphore_mem>>) src(%dma_wait3A_341 : memref<16x1024xf32, #tpu.memory_space<vmem>>) dst(%dma_wait3A_338 : memref<16x1024xf32, #tpu.memory_space<hbm>>)
    return
  }
}

</mosaic_0001>

<sc_bundles>
// kernel: kernel.3.cloned.1.call-start
scs
__scs_entry_jumppad:
0x0: {  	(pc) =	sbr.rel $0x88, $3  }
0x1: {  	(tag) =	ssettag $0x0;
	lr =	simm.s32 $0x1  }
0x2: {  	[smem:$0x3FA0] =	sst lr;
	_ =	strace $0xD0000000  }
0x3: {  	_ = 	snop  }
0x4: {  	_ = 	snop  }
0x5: {  	_ = 	snop  }
0x6: {  	_ = 	snop  }
0x7: {  	_ = 	snop  }
__scs_overlays_trampoline_lowered:
0x8: {  	[smem:$0x3FAF] =	sst s0  }
0x9: {  	[smem:$0x3FB0] =	sst s1  }
0xa: {  	[smem:$0x3FB1] =	sst s2  }
0xb: {  	[smem:$0x3FB2] =	sst s3  }
0xc: {  	[smem:$0x3FB3] =	sst s4  }
0xd: {  	[smem:$0x3FB4] =	sst s5  }
0xe: {  	[smem:$0x3FB5] =	sst s6  }
0xf: {  	[smem:$0x3FB6] =	sst s7  }
0x10: {  	[smem:$0x3FB7] =	sst s8  }
0x11: {  	[smem:$0x3FB8] =	sst s9;
	s0 =	simm.s32 @!p0 $0x0  }
0x12: {  	s1 =	sld [smem:$0x3F9E];
	s0 =	simm.s32 @p0 $0x1  }
0x13: {  	[smem:$0x3FB9] =	sst s0;
	s0 =	simm.s32 @!p1 $0x0  }
0x14: {  	s2 =	sld [smem:$0x3F9D];
	s0 =	simm.s32 @p1 $0x1  }
0x15: {  	[smem:$0x3FBA] =	sst s0;
	s0 =	simm.s32 @!p2 $0x0  }
0x16: {  	s3 =	sld [smem:$0x3FDB];
	s0 =	simm.s32 @p2 $0x1  }
0x17: {  	s4 =	simm.s32 $0x1BF5;
	[smem:$0x3FBC] =	sst s0  }
0x18: {  	s0 =	sld [smem:$0x3F9F];
	_ =	swait.ge [sflag:s4], $0x0  }
0x19: {  	s7 =	sld [smem:$0x3FA0]  }
0x1a: {  	s8 =	sadd.s32 $0xFFFFE003, lr  }
0x1b: {  	s9 =	sadd.s32 $0xFFFFFEF7, lr;
	s5 =	simm.s32 $0xFFFFFFFF;
	p2 =	slt.u32 s8, $0xFFFFF086  }
0x1c: {  	p1 =	slt.u32 s9, $0xF7A;
	s5 =	simm.s32 @!p2 $0x0  }
0x1d: {  	s5 =	simm.s32 @p1 $0x1;
	p0 =	seq.s32 s7, s2  }
0x1e: {  	s7 =	smul.u32 @!p0 $0xF7A, s2;
	p2 =	seq.s32 @!p0 s5, $0x0  }
0x1f: {  	s9 =	smul.u32 $0xF7A, s1;
	s8 =	simm.s32 @!p0 $0x1BF5;
	p2 =	por !p2, p0  }
0x20: {  	[sflag:s8] =	ssyncset.s32 @!p0 $0xFFFFF086;
	s6 =	sadd.s32 @!p0 s3, s7;
	s7 =	simm.s32 @!p0 $0x108  }
0x21: {  	s3 =	sadd.s32 s3, s9;
	s6 =	sadd.s32 @!p0 $0x88, s6;
	s7 =	simm.s32 @p2 $0x1082  }
0x22: {  	[simem:s7], [sflag:s8] =	dma.local @!p0 [hbm:s6], $0xF7A  }
0x23: {  	s9 =	sor.u32 $0xD0000000, s2;
	s6 =	simm.s32 $0x108;
	_ =	swait.ge @!p0 [sflag:s8], $0x0  }
0x24: {  	s3 =	sadd.s32 $0x88, s3;
	s6 =	simm.s32 @!p1 $0x1082;
	[sflag:s4] =	ssyncset.s32 $0xFFFFF086  }
0x25: {  	[simem:s6], [sflag:s4] =	dma.local [hbm:s3], $0xF7A  }
0x26: {  	[smem:$0x3FA0] =	sst s1;
	(tag) =	ssettag s2;
	_ =	strace s9  }
0x27: {  	s1 =	sld [smem:$0x3FB0]  }
0x28: {  	s2 =	sld [smem:$0x3FB1]  }
0x29: {  	s4 =	sld [smem:$0x3FB3]  }
0x2a: {  	p0 =	seq.s32 s5, $0x0;
	s5 =	sld [smem:$0x3FB4]  }
0x2b: {  	s6 =	sld [smem:$0x3FB5]  }
0x2c: {  	s7 =	sld [smem:$0x3FB6]  }
0x2d: {  	s3 =	simm.s32 $0x108;
	s8 =	sld [smem:$0x3FB7]  }
0x2e: {  	s3 =	simm.s32 @!p0 $0x1082;
	s9 =	sld [smem:$0x3FB8]  }
0x2f: {  	lr =	sadd.s32 s0, s3;
	s0 =	sld [smem:$0x3FAF]  }
0x30: {  	s3 =	sld [smem:$0x3FB2]  }
0x31: {  	[smem:$0x3FBB] =	sst s10  }
0x32: {  	s10 =	sld [smem:$0x3FB9];
	_ =	sdelay $0x3  }
0x33: {  	p0 =	seq.s32 s10, $0x1;
	s10 =	sld [smem:$0x3FBB];
	_ =	sdelay $0x3  }
0x34: {  	[smem:$0x3FBB] =	sst s10  }
0x35: {  	s10 =	sld [smem:$0x3FBA];
	_ =	sdelay $0x3  }
0x36: {  	p1 =	seq.s32 s10, $0x1;
	s10 =	sld [smem:$0x3FBB];
	_ =	sdelay $0x3  }
0x37: {  	[smem:$0x3FBB] =	sst s10  }
0x38: {  	s10 =	sld [smem:$0x3FBC]  }
0x39: {  	_ = 	snop;
	(pc) =	sbr.ind lr, $3  }
0x3a: {  	_ = 	snop  }
0x3b: {  	_ = 	snop  }
0x3c: {  	p2 =	seq.s32 s10, $0x1;
	s10 =	sld [smem:$0x3FBB]  }
0x3d: {  	_ =	shalt  }
0x3e: {  	_ =	shalt  }
0x3f: {  	_ =	shalt  }
0x40: {  	_ =	shalt  }
0x41: {  	_ =	shalt  }
0x42: {  	_ =	shalt  }
0x43: {  	_ =	shalt  }
0x44: {  	_ =	shalt  }
0x45: {  	_ =	shalt  }
0x46: {  	_ =	shalt  }
0x47: {  	_ =	shalt  }
0x48: {  	_ =	shalt  }
0x49: {  	_ =	shalt  }
0x4a: {  	_ =	shalt  }
0x4b: {  	_ =	shalt  }
0x4c: {  	_ =	shalt  }
0x4d: {  	_ =	shalt  }
0x4e: {  	_ =	shalt  }
0x4f: {  	_ =	shalt  }
0x50: {  	_ =	shalt  }
0x51: {  	_ =	shalt  }
0x52: {  	_ =	shalt  }
0x53: {  	_ =	shalt  }
0x54: {  	_ =	shalt  }
0x55: {  	_ =	shalt  }
0x56: {  	_ =	shalt  }
0x57: {  	_ =	shalt  }
0x58: {  	_ =	shalt  }
0x59: {  	_ =	shalt  }
0x5a: {  	_ =	shalt  }
0x5b: {  	_ =	shalt  }
0x5c: {  	_ =	shalt  }
0x5d: {  	_ =	shalt  }
0x5e: {  	_ =	shalt  }
0x5f: {  	_ =	shalt  }
0x60: {  	_ =	shalt  }
0x61: {  	_ =	shalt  }
0x62: {  	_ =	shalt  }
0x63: {  	_ =	shalt  }
0x64: {  	_ =	shalt  }
0x65: {  	_ =	shalt  }
0x66: {  	_ =	shalt  }
0x67: {  	_ =	shalt  }
0x68: {  	_ =	shalt  }
0x69: {  	_ =	shalt  }
0x6a: {  	_ =	shalt  }
0x6b: {  	_ =	shalt  }
0x6c: {  	_ =	shalt  }
0x6d: {  	_ =	shalt  }
0x6e: {  	_ =	shalt  }
0x6f: {  	_ =	shalt  }
0x70: {  	_ =	shalt  }
0x71: {  	_ =	shalt  }
0x72: {  	_ =	shalt  }
0x73: {  	_ =	shalt  }
0x74: {  	_ =	shalt  }
0x75: {  	_ =	shalt  }
0x76: {  	_ =	shalt  }
0x77: {  	_ =	shalt  }
0x78: {  	_ =	shalt  }
0x79: {  	_ =	shalt  }
0x7a: {  	_ =	shalt  }
0x7b: {  	_ =	shalt  }
0x7c: {  	_ =	shalt  }
0x7d: {  	_ =	shalt  }
0x7e: {  	_ =	shalt  }
0x7f: {  	_ =	shalt  }
0x80: {  	_ =	shalt  }
0x81: {  	_ =	shalt  }
0x82: {  	_ =	shalt  }
0x83: {  	_ =	shalt  }
0x84: {  	_ =	shalt  }
0x85: {  	_ =	shalt  }
0x86: {  	_ =	shalt  }
0x87: {  	_ =	shalt  }
.Lfunc_end0:
.L_simem_size_0:
called_computation_lowered:
.L_overlay_start_0:
0x88: {  	s2 =	sld [smem:$0x3FD9]  }
0x89: {  	s3 =	sld [smem:$0x3FFE];
	_ =	sdelay $0x1  }
0x8a: {  	s1 =	srdreg.scid  }
0x8b: {  	s0 =	sand.u32 $0x1, s1  }
0x8c: {  	s17 =	sshll.u32 s0, $0xA;
	s2 =	sadd.s32 s3, s2  }
0x8d: {  	s2 =	sadd.s32 s2, s17  }
0x8e: {  	[smem:$0x3FC7] =	sst s2  }
0x8f: {  	_ = 	snop  }
0x90: {  	s2 =	sld [smem:$0x3FC9]  }
0x91: {  	s18 =	sld [smem:$0x3FD0];
	(tm) =	ssettm $0x1  }
0x92: {  	s4 =	sld [smem:$0x3FFB];
	_ =	sdelay $0x3  }
0x93: {  	_ =	strace s4  }
0x94: {  	s4 =	sld [smem:$0x3FFC];
	_ =	sdelay $0x3  }
0x95: {  	_ =	strace s4  }
0x96: {  	s4 =	sld [smem:$0x3FFD];
	_ =	sdelay $0x3  }
0x97: {  	_ =	strace s4  }
0x98: {  	_ =	strace $0x8FFFFFFF  }
0x99: {  	s19 =	sld [smem:$0x3FDB];
	_ =	sdelay $0x1  }
0x9a: {  	s5 =	simm.s32 $_scs_section_size  }
0x9b: {  	s6 =	simm.s32 $_size__tile_overlayer_lowered;
	s7 =	simm.s32 $_tile_overlayer_lowered  }
0x9c: {  	s22 =	simm.s32 $0x1BFF;
	s21 =	sshll.u32 s7, $0x1;
	s4 =	sadd.s32 s5, s19  }
0x9d: {  	s8 =	simm.s32 $0x0;
	s20 =	sshll.u32 s6, $0x1;
	s6 =	sadd.s32 s21, s4  }
0x9e: {  	[timem:s8], [sflag:s22] =	dma.local [hbm:s6], s20  }
0x9f: {  	_ =	swait.ge [sflag:s22], s20  }
0xa0: {  	s5 =	ssub.s32 $0x0, s20;
	[sflag:s22] =	ssyncset.done $0x0  }
0xa1: {  	[sflag:s22] =	ssyncadd.s32 s5;
	_ =	sdelay $0x1  }
0xa2: {  	s23 =	simm.s32 $0x1B8B  }
0xa3: {  	_ =	swait.ge [sflag:s23], $0x1  }
0xa4: {  	[sflag:s23] =	ssyncset.done $0x0  }
0xa5: {  	s25 =	simm.s32 $0x1B8E;
	s24 =	sld [smem:$0x3FFE];
	[sflag:s23] =	ssyncadd.s32 $0xFFFFFFFF  }
0xa6: {  	s26 =	simm.s32 $execute0_lowered;
	[smem:$0x3FD2] =	sst s25  }
0xa7: {  	s6 =	sshll.u32 s26, $0x1;
	_ =	strace $0x80000046;
	[dreg:$0x1] =	wrdreg $0xFFFFFFFF  }
0xa8: {  	s28 =	simm.s32 $_size_execute0_lowered;
	s4 =	sadd.s32 s4, s6;
	[dreg:$0x0] =	wrdreg $0x0  }
0xa9: {  	s6 =	sshll.u32 s28, $0x1;
	[dreg:$0x2] =	wrdreg s4  }
0xaa: {  	[dreg:$0x3] =	wrdreg s6  }
0xab: {  	[dreg:$0x4] =	wrdreg $0xC0  }
0xac: {  	_ =	task [dreg:s8], $0x5FFFF  }
0xad: {  	[dreg:$0x1] =	wrdreg $0xFFFFFFFF  }
0xae: {  	[dreg:$0x0] =	wrdreg $0x60  }
0xaf: {  	[dreg:$0x2] =	wrdreg s2  }
0xb0: {  	[dreg:$0x3] =	wrdreg s24  }
0xb1: {  	[dreg:$0x4] =	wrdreg s18  }
0xb2: {  	[dreg:$0x5] =	wrdreg $0x9  }
0xb3: {  	_ =	task.clear_ibuf [dreg:s8], $0x6FFFF;
	_ =	strace $0x90000046  }
0xb4: {  	s29 =	simm.s32 $0x9;
	_ =	strace $0x80000048  }
0xb5: {  	_ =	swait.ge [sflag:s29], $0x1  }
0xb6: {  	[sflag:s29] =	ssyncadd.s32 $0xFFFFFFFF  }
0xb7: {  	_ =	strace $0x90000048  }
0xb8: {  	_ =	sfence  }
0xb9: {  	s30 =	sld [smem:$0x0];
	_ =	sdelay $0x2  }
0xba: {  	s31 =	sshll.u32 s1, $0xD;
	s1 =	sshrl.u32 s1, $0x2  }
0xbb: {  	s3 =	sand.u32 $0x4000, s31;
	s1 =	sadd.s32 s1, s30  }
0xbc: {  	s0 =	sor.u32 s3, s0;
	s1 =	sshll.u32 s1, $0x11  }
0xbd: {  	s0 =	sor.u32 s1, s0  }
0xbe: {  	s0 =	sadd.s32 $0x8F2B, s0  }
0xbf: {  	[sflag:s0] =	ssyncadd.remote.s32 $0x1  }
0xc0: {  	_ =	sfence.sel $0xFFFF  }
0xc1: {  	[dreg:$0x0] =	wrdreg $0xFFFFFFFF;
	(pc) =	sbr.abs _section_cstart, $3  }
0xc2: {  	[dreg:$0x1] =	wrdreg $0xFFFFFFFF  }
0xc3: {  	_ =	task.clear_ibuf [dreg:s8], $0x2FFFF;
	_ =	strace $0x9FFFFFFF  }
0xc4: {  	(tm) =	ssettm $0x7FFFFFFF  }
0xc5: {  	_ =	shalt  }
tec
execute0_lowered:
.L_overlay_start_1:
0x0: {  	(tag) =	ssettag $0x1  }
0x1: {  	s1 =	rddreg [dreg:$0x0]  }
0x2: {  	s0 =	rddreg [dreg:$0x1]  }
0x3: {  	s2 =	rddreg [dreg:$0x2];
	s4 =	simm.s32 $0x0;
	s3 =	srdreg.scid  }
0x4: {  	s5 =	stileid.u32;
	s28 =	simm.s32 $0x8000;
	s30 =	simm.s32 $0xC000  }
0x5: {  	s31 =	simm.s32 $0x11800;
	s3 =	sand.u32 $0x1, s3;
	s6 =	sshll.u32 s5, $0x1  }
0x6: {  	s10 =	simm.s32 $0x2;
	s16 =	ssub.s32 $0x2, s3;
	s3 =	sor.u32 s3, s6  }
0x7: {  	s11 =	simm.s32 $0x6;
	[smem:$0x7FF] =	sst s4;
	s7 =	sshll.u32 s3, $0x10  }
0x8: {  	s5 =	sadd.s32 $0x400, s0;
	s8 =	sshll.u32 s3, $0xD;
	s18 =	sadd.s32 s1, s7  }
0x9: {  	_ =	strace $0x80000047;
	s9 =	sadd.s32 s5, s8;
	[dreg:$0x4] =	wrdreg s18  }
0xa: {  	s12 =	simm.s32 $0x3;
	s25 =	sadd.s32 s2, s7;
	[dreg:$0x5] =	wrdreg s9  }
0xb: {  	s13 =	simm.s32 $0x7;
	s19 =	sadd.s32 $0x800, s18;
	[dreg:$0xc] =	wrdreg s25  }
0xc: {  	s14 =	simm.s32 $0x4;
	s20 =	sadd.s32 $0x100, s9;
	[dreg:$0x6] =	wrdreg s19  }
0xd: {  	s17 =	sshrl.u32 s16, $0x1;
	s21 =	sadd.s32 $0x1000, s18;
	[dreg:$0x7] =	wrdreg s20  }
0xe: {  	s0 =	ssub.s32 s16, s17;
	s22 =	sadd.s32 $0x200, s9;
	[dreg:$0x8] =	wrdreg s21  }
0xf: {  	s8 =	sshll.u32 s3, $0x9;
	s23 =	sadd.s32 $0x1800, s18;
	[dreg:$0x9] =	wrdreg s22  }
0x10: {  	s16 =	sor.u32 $0x2000, s7;
	s24 =	sadd.s32 $0x300, s9;
	[dreg:$0xa] =	wrdreg s23  }
0x11: {  	s17 =	sor.u32 $0x2800, s7;
	s26 =	sadd.s32 $0xE800, s25;
	[dreg:$0xb] =	wrdreg s24  }
0x12: {  	s18 =	sor.u32 $0x3000, s7;
	s29 =	sadd.s32 $0xF000, s25;
	[dreg:$0xd] =	wrdreg s26  }
0x13: {  	s3 =	sadd.s32 $0xF800, s25;
	s0 =	smax.u32 s0, $0x1;
	[dreg:$0xe] =	wrdreg s29  }
0x14: {  	s25 =	simm.s32 $0x4000;
	s9 =	simm.s32 $0x5;
	[dreg:$0xf] =	wrdreg s3  }
0x15: {  	s19 =	sor.u32 $0x3800, s7;
	[dreg:$0x10] =	wrdreg s0;
	s0 =	simm.s32 $0x1  }
0x16: {  	s3 =	simm.s32 $0x12000;
	s20 =	simm.s32 $0x8;
	s7 =	simm.s32 $0x0  }
.LBB2_1:
0x17: {  	[dreg:$0x11] =	wrdreg s7  }
0x18: {  	s6 =	rddreg [dreg:$0x4]  }
0x19: {  	[tilespmem:s4], [sflag:$0x1] =	stream.linear.gather [hbm4b:s6+s4], $0x4000, $0x38;
	[tilespmem:$0x12100] =	vst v63  }
0x1a: {  	s22 =	rddreg [dreg:$0x5];
	s23 =	simm.s32 $0x10000  }
0x1b: {  	[tilespmem:s23], [sflag:$0x1] =	stream.linear.gather [hbm4b:s22+s4], $0x800, $0x38;
	[tilespmem:$0x12100] =	vst v63  }
0x1c: {  	s24 =	rddreg [dreg:$0x6]  }
0x1d: {  	[tilespmem:s25], [sflag:$0x2] =	stream.linear.gather [hbm4b:s24+s4], $0x4000, $0x38;
	[tilespmem:$0x12100] =	vst v63  }
0x1e: {  	s26 =	rddreg [dreg:$0x7];
	s29 =	simm.s32 $0x10800  }
0x1f: {  	[tilespmem:s29], [sflag:$0x2] =	stream.linear.gather [hbm4b:s26+s4], $0x800, $0x38;
	[tilespmem:$0x12100] =	vst v63  }
0x20: {  	s7 =	rddreg [dreg:$0x8]  }
0x21: {  	[tilespmem:s28], [sflag:$0x3] =	stream.linear.gather [hbm4b:s7+s4], $0x4000, $0x38;
	[tilespmem:$0x12100] =	vst v63  }
0x22: {  	s15 =	rddreg [dreg:$0x9];
	s21 =	simm.s32 $0x11000  }
0x23: {  	[tilespmem:s21], [sflag:$0x3] =	stream.linear.gather [hbm4b:s15+s4], $0x800, $0x38;
	[tilespmem:$0x12100] =	vst v63  }
0x24: {  	s22 =	rddreg [dreg:$0xa]  }
0x25: {  	[tilespmem:s30], [sflag:$0x4] =	stream.linear.gather [hbm4b:s22+s4], $0x4000, $0x38;
	[tilespmem:$0x12100] =	vst v63  }
0x26: {  	s23 =	rddreg [dreg:$0xb]  }
0x27: {  	[tilespmem:s31], [sflag:$0x4] =	stream.linear.gather [hbm4b:s23+s4], $0x800, $0x38;
	[tilespmem:$0x12100] =	vst v63  }
0x28: {  	_ =	swait.ge [sflag:s0], $0x4000  }
0x29: {  	[sflag:s0] =	ssyncset.done $0x0  }
0x2a: {  	[sflag:s0] =	ssyncadd.s32 $0xFFFFC000  }
0x2b: {  	_ =	swait.ge [sflag:s0], $0x800  }
0x2c: {  	[sflag:s0] =	ssyncset.done $0x0  }
0x2d: {  	s24 =	simm.s32 $0x10010;
	[sflag:s0] =	ssyncadd.s32 $0xFFFFF800  }
0x2e: {  	v0 =	vld [tilespmem:s24+$0xFFFFFFF0]  }
0x2f: {  	v1 =	vld [tilespmem:s24+$0x0];
	_ =	sdelay $0x1  }
0x30: {  	s26 =	simm.s32 $0x10030  }
0x31: {  	v4 =	vld [tilespmem:s26+$0xFFFFFFF0]  }
0x32: {  	s29 =	simm.s32 $0x10050;
	v7 =	vld [tilespmem:s26+$0x0];
	v2 =	vshll.u32 v0, $0x3;
	v3 =	vshrl.u32 v0, $0x3  }
0x33: {  	v10 =	vld [tilespmem:s29+$0x0];
	v0 =	vand.u32 $0xFFFFE07F, v0;
	v5 =	vshll.u32 v1, $0x3;
	v6 =	vshrl.u32 v1, $0x3  }
0x34: {  	v1 =	vand.u32 $0xFFFFE07F, v1;
	v2 =	vand.u32 $0x1C00, v2;
	v3 =	vand.u32 $0x380, v3  }
0x35: {  	v0 =	vor.u32 v2, v0;
	v2 =	vand.u32 $0x1C00, v5;
	v5 =	vand.u32 $0x380, v6  }
0x36: {  	v1 =	vor.u32 v2, v1;
	v0 =	vor.u32 v3, v0;
	v2 =	vshrl.u32 v4, $0x3  }
0x37: {  	v3 =	vand.u32 $0xFFFFE07F, v4;
	v5 =	vor.u32 v5, v1;
	v1 =	vshll.u32 v4, $0x3;
	v4 =	vld [tilespmem:s29+$0xFFFFFFF0]  }
0x38: {  	v8 =	vshrl.u32 v7, $0x3;
	v11 =	vshll.u32 v10, $0x3  }
0x39: {  	v6 =	vshll.u32 v7, $0x3;
	v2 =	vand.u32 $0x380, v2;
	v1 =	vand.u32 $0x1C00, v1  }
0x3a: {  	v3 =	vor.u32 v1, v3;
	v1 =	vand.u32 $0x1C00, v6;
	v6 =	vand.u32 $0xFFFFE07F, v7  }
0x3b: {  	v7 =	vand.u32 $0x380, v8;
	v6 =	vor.u32 v1, v6;
	v3 =	vor.u32 v2, v3;
	v1 =	vld.idx.msk [tilespmem:v0+s4+$0x0], $0xffff  }
0x3c: {  	s6 =	simm.s32 $0x10070;
	v8 =	vshrl.u32 v10, $0x3;
	v2 =	vor.u32 v7, v6;
	v0 =	vld.idx.msk [tilespmem:v5+s4+$0x0], $0xffff;
	v7 =	vshll.u32 v4, $0x3  }
0x3d: {  	s7 =	simm.s32 $0x12010;
	v10 =	vand.u32 $0xFFFFE07F, v10;
	v9 =	vand.u32 $0xFFFFE07F, v4;
	v5 =	vld [tilespmem:s6+$0xFFFFFFF0];
	v7 =	vand.u32 $0x1C00, v7  }
0x3e: {  	s21 =	simm.s32 $0x6;
	s15 =	simm.s32 $0x12010;
	s22 =	simm.s32 $0x0;
	v6 =	vshrl.u32 v4, $0x3;
	v4 =	vld [tilespmem:s6+$0x0];
	v7 =	vor.u32 v7, v9;
	v9 =	vand.u32 $0x1C00, v11  }
.LBB2_2:
0x3f: {  	s21 =	sadd.s32 $0x2, s21  }
0x40: {  	v6 =	vand.u32 $0x380, v6;
	v8 =	vand.u32 $0x380, v8;
	v9 =	vor.u32 v9, v10;
	[tilespmem:s7+$0xFFFFFFF0] =	vst v1;
	v1 =	vld.idx.msk [tilespmem:v3+s22+$0x0], $0xffff;
	s15 =	sadd.s32 $0x20, s15;
	p0 =	slt.u32 s21, $0xC  }
.Ltmp0:
0x41: {  	v3 =	vor.u32 v6, v7;
	[tilespmem:s7+$0x0] =	vst v0;
	v0 =	vld.idx.msk [tilespmem:v2+s22+$0x0], $0xffff;
	v2 =	vor.u32 v8, v9;
	s7 =	smov.u32 s15;
	(pc) =	sbr.rel @p0 .LBB2_2-.Ltmp0, $4  }
0x42: {  	_ = 	snop  }
0x43: {  	s6 =	sadd.s32 $0x20, s6;
	v7 =	vshll.u32 v5, $0x3;
	v6 =	vshrl.u32 v5, $0x3;
	v9 =	vand.u32 $0xFFFFE07F, v5  }
0x44: {  	v5 =	vld [tilespmem:s6+$0xFFFFFFF0];
	v7 =	vand.u32 $0x1C00, v7;
	v10 =	vshll.u32 v4, $0x3;
	v8 =	vshrl.u32 v4, $0x3  }
0x45: {  	s22 =	simm.s32 $0x0;
	v7 =	vor.u32 v7, v9;
	v9 =	vand.u32 $0x1C00, v10;
	v10 =	vand.u32 $0xFFFFE07F, v4;
	v4 =	vld [tilespmem:s6+$0x0]  }
0x46: {  	_ =	sdelay $0x1  }
0x47: {  	v6 =	vand.u32 $0x380, v6;
	v8 =	vand.u32 $0x380, v8;
	v9 =	vor.u32 v9, v10  }
0x48: {  	v6 =	vor.u32 v6, v7;
	v7 =	vor.u32 v8, v9;
	v46 =	vshll.u32 v5, $0x3  }
0x49: {  	v47 =	vshrl.u32 v5, $0x3;
	v5 =	vand.u32 $0xFFFFE07F, v5;
	v8 =	vand.u32 $0x1C00, v46  }
0x4a: {  	v48 =	vshll.u32 v4, $0x3;
	v11 =	vshrl.u32 v4, $0x3;
	v4 =	vand.u32 $0xFFFFE07F, v4  }
0x4b: {  	v9 =	vand.u32 $0x380, v47;
	v5 =	vor.u32 v8, v5;
	v49 =	vand.u32 $0x1C00, v48  }
0x4c: {  	v50 =	vand.u32 $0x380, v11;
	v4 =	vor.u32 v49, v4;
	v5 =	vor.u32 v9, v5  }
0x4d: {  	v3 =	vld.idx.msk [tilespmem:v3+s22+$0x0], $0xffff;
	v4 =	vor.u32 v50, v4  }
0x4e: {  	v2 =	vld.idx.msk [tilespmem:v2+s22+$0x0], $0xffff;
	s6 =	simm.s32 $0x0  }
0x4f: {  	v6 =	vld.idx.msk [tilespmem:v6+s6+$0x0], $0xffff  }
0x50: {  	[tilespmem:s7+$0xFFFFFFF0] =	vst v1;
	v1 =	vld.idx.msk [tilespmem:v7+s6+$0x0], $0xffff;
	s6 =	simm.s32 $0x0  }
0x51: {  	s15 =	sadd.s32 $0x20, s15;
	[tilespmem:s7+$0x0] =	vst v0;
	v0 =	vld.idx.msk [tilespmem:v5+s6+$0x0], $0xffff  }
0x52: {  	[tilespmem:s15+$0xFFFFFFF0] =	vst v3;
	v3 =	vld.idx.msk [tilespmem:v4+s6+$0x0], $0xffff  }
0x53: {  	s23 =	sadd.s32 $0x20, s15;
	[tilespmem:s15+$0x0] =	vst v2  }
0x54: {  	[tilespmem:s23+$0xFFFFFFF0] =	vst v6  }
0x55: {  	s24 =	sadd.s32 $0x20, s23;
	[tilespmem:s23+$0x0] =	vst v1  }
0x56: {  	[tilespmem:s24+$0xFFFFFFF0] =	vst v0  }
0x57: {  	s26 =	simm.s32 $0x10110;
	[tilespmem:s24+$0x0] =	vst v3  }
0x58: {  	s29 =	sand.u32 $0x7C0, s6;
	v2 =	vld [tilespmem:s26+$0x0]  }
0x59: {  	v3 =	vld [tilespmem:s29+$0x10100]  }
0x5a: {  	v0 =	vld [tilespmem:s26+$0xFFFFFFD0];
	_ =	sdelay $0x2  }
0x5b: {  	v1 =	vshrl.u32 v2, $0x10;
	v4 =	vshra.s32 v2, $0x1A;
	v5 =	vshrl.u32 v2, $0xD  }
0x5c: {  	v7 =	vshrl.u32 v3, $0x10;
	v51 =	vshra.s32 v3, $0x1A;
	v52 =	vshrl.u32 v3, $0xD  }
0x5d: {  	v54 =	vshrl.u32 v0, $0xD;
	v57 =	vshll.u32 v2, $0x3;
	v12 =	vshrl.u32 v2, $0x3  }
0x5e: {  	v2 =	vand.u32 $0xE07F, v2;
	v13 =	vshll.u32 v3, $0x3;
	v59 =	vshrl.u32 v3, $0x3  }
0x5f: {  	v3 =	vand.u32 $0xE07F, v3;
	v1 =	vand.u32 $0x7F, v1;
	v6 =	vshll.u32 v4, $0xA  }
0x60: {  	v5 =	vand.u32 $0x1C00, v5;
	v4 =	vshll.u32 v4, $0x7;
	v7 =	vand.u32 $0x7F, v7  }
0x61: {  	v53 =	vshll.u32 v51, $0xA;
	v9 =	vand.u32 $0x1C00, v52;
	v8 =	vshll.u32 v51, $0x7  }
0x62: {  	v6 =	vand.u32 $0xFFFFE000, v6;
	v1 =	vor.u32 v5, v1;
	v4 =	vand.u32 $0x380, v4  }
0x63: {  	v10 =	vand.u32 $0xFFFFE000, v53;
	v7 =	vor.u32 v9, v7;
	v6 =	vor.u32 v6, v1  }
0x64: {  	v8 =	vand.u32 $0x380, v8;
	v7 =	vor.u32 v10, v7;
	v4 =	vor.u32 v4, v6  }
0x65: {  	v11 =	vand.u32 $0x1C00, v57;
	v12 =	vand.u32 $0x380, v12;
	v7 =	vor.u32 v8, v7  }
0x66: {  	v58 =	vand.u32 $0x1C00, v13;
	v13 =	vand.u32 $0x380, v59;
	v5 =	vshrl.u32 v0, $0x10;
	v1 =	vld [tilespmem:s26+$0xFFFFFFE0]  }
0x67: {  	v2 =	vor.u32 v11, v2;
	v3 =	vor.u32 v58, v3;
	v6 =	vshra.s32 v0, $0x1A  }
0x68: {  	v9 =	vand.u32 $0x1C00, v54;
	v5 =	vand.u32 $0x7F, v5;
	v61 =	vshll.u32 v6, $0xA  }
0x69: {  	v2 =	vor.u32 v12, v2;
	v5 =	vor.u32 v9, v5;
	v12 =	vand.u32 $0xFFFFE000, v61;
	v4 =	vld.idx.msk [tilespmem:v4+s4+$0x0], $0xffff  }
0x6a: {  	v3 =	vor.u32 v13, v3;
	v6 =	vshll.u32 v6, $0x7;
	v5 =	vor.u32 v12, v5;
	v7 =	vld.idx.msk [tilespmem:v7+s4+$0x0], $0xffff  }
0x6b: {  	v55 =	vshrl.u32 v1, $0x10;
	v56 =	vshra.s32 v1, $0x1A;
	v60 =	vshrl.u32 v1, $0xD  }
0x6c: {  	v8 =	vand.u32 $0x7F, v55;
	v62 =	vshll.u32 v56, $0xA;
	v11 =	vand.u32 $0x1C00, v60  }
0x6d: {  	v10 =	vshll.u32 v56, $0x7;
	v63 =	vand.u32 $0xFFFFE000, v62;
	v8 =	vor.u32 v11, v8  }
0x6e: {  	v8 =	vor.u32 v63, v8;
	[tilespmem:v2+s4+$0x0] =	vst.idx.msk $0xffff, v4;
	v2 =	vand.u32 $0x380, v6;
	v6 =	vand.u32 $0x380, v10  }
0x6f: {  	s7 =	simm.s32 $0x10730;
	s21 =	simm.s32 $0x10150;
	s15 =	simm.s32 $0x0;
	[tilespmem:v3+s4+$0x0] =	vst.idx.msk $0xffff, v7;
	v4 =	vshll.u32 v0, $0x3;
	v3 =	vor.u32 v2, v5;
	v2 =	vor.u32 v6, v8  }
.LBB2_4:
0x70: {  	v5 =	vld [tilespmem:s21+$0x0];
	v4 =	vand.u32 $0x1C00, v4;
	v6 =	vshrl.u32 v0, $0x3;
	v7 =	vshll.u32 v1, $0x3  }
0x71: {  	v9 =	vand.u32 $0xE07F, v0;
	v10 =	vshrl.u32 v1, $0x3;
	v8 =	vld [tilespmem:s21+$0xFFFFFFE0];
	v7 =	vand.u32 $0x1C00, v7  }
0x72: {  	v1 =	vand.u32 $0xE07F, v1;
	s6 =	sadd.s32 $0x40, s6;
	v6 =	vand.u32 $0x380, v6;
	v4 =	vor.u32 v4, v9;
	v0 =	vld [tilespmem:s21+$0xFFFFFFD0]  }
0x73: {  	s15 =	sadd.s32 $0x4, s15;
	s22 =	sand.u32 $0x7C0, s6;
	v4 =	vor.u32 v6, v4;
	v6 =	vand.u32 $0x380, v10;
	v1 =	vor.u32 v7, v1  }
0x74: {  	p0 =	slt.u32 s15, $0x60;
	v6 =	vor.u32 v6, v1;
	v7 =	vld [tilespmem:s22+$0x10100]  }
0x75: {  	v13 =	vshrl.u32 v5, $0x10;
	v9 =	vshra.s32 v5, $0x1A;
	v10 =	vshrl.u32 v5, $0xD;
	v3 =	vld.idx.msk [tilespmem:v3+s4+$0x0], $0xffff  }
0x76: {  	v11 =	vand.u32 $0x7F, v13;
	v12 =	vshll.u32 v9, $0xA;
	v10 =	vand.u32 $0x1C00, v10;
	v2 =	vld.idx.msk [tilespmem:v2+s4+$0x0], $0xffff;
	v1 =	vmovc v8  }
0x77: {  	v9 =	vshll.u32 v9, $0x7;
	v8 =	vand.u32 $0xFFFFE000, v12;
	v10 =	vor.u32 v10, v11  }
0x78: {  	v11 =	vshrl.u32 v0, $0x10;
	v9 =	vand.u32 $0x380, v9;
	v8 =	vor.u32 v8, v10  }
0x79: {  	v10 =	vshrl.u32 v7, $0x10;
	v12 =	vshra.s32 v7, $0x1A;
	v13 =	vshrl.u32 v7, $0xD  }
0x7a: {  	v10 =	vand.u32 $0x7F, v10;
	v14 =	vshll.u32 v12, $0xA;
	v13 =	vand.u32 $0x1C00, v13  }
0x7b: {  	v12 =	vshll.u32 v12, $0x7;
	v14 =	vand.u32 $0xFFFFE000, v14;
	v10 =	vor.u32 v13, v10;
	[tilespmem:v4+s4+$0x0] =	vst.idx.msk $0xffff, v3  }
0x7c: {  	v8 =	vor.u32 v9, v8;
	v3 =	vand.u32 $0x380, v12;
	v4 =	vor.u32 v14, v10;
	[tilespmem:v6+s4+$0x0] =	vst.idx.msk $0xffff, v2  }
0x7d: {  	v2 =	vshra.s32 v0, $0x1A;
	v6 =	vshrl.u32 v0, $0xD;
	v3 =	vor.u32 v3, v4  }
0x7e: {  	v9 =	vshra.s32 v1, $0x1A;
	v10 =	vshll.u32 v5, $0x3;
	v4 =	vshrl.u32 v1, $0x10  }
0x7f: {  	v12 =	vshrl.u32 v5, $0x3;
	v5 =	vand.u32 $0xE07F, v5;
	v10 =	vand.u32 $0x1C00, v10  }
0x80: {  	v13 =	vshll.u32 v7, $0x3;
	v12 =	vand.u32 $0x380, v12;
	v5 =	vor.u32 v10, v5  }
0x81: {  	v10 =	vand.u32 $0x1C00, v13;
	v13 =	vshrl.u32 v7, $0x3;
	v7 =	vand.u32 $0xE07F, v7;
	v8 =	vld.idx.msk [tilespmem:v8+s4+$0x0], $0xffff  }
0x82: {  	v13 =	vand.u32 $0x380, v13;
	v7 =	vor.u32 v10, v7;
	v5 =	vor.u32 v12, v5;
	v3 =	vld.idx.msk [tilespmem:v3+s4+$0x0], $0xffff  }
0x83: {  	v10 =	vand.u32 $0x7F, v11;
	v11 =	vshrl.u32 v1, $0xD;
	v7 =	vor.u32 v13, v7  }
0x84: {  	v6 =	vand.u32 $0x1C00, v6;
	v4 =	vand.u32 $0x7F, v4;
	v12 =	vshll.u32 v2, $0xA  }
.Ltmp1:
0x85: {  	v12 =	vand.u32 $0xFFFFE000, v12;
	v13 =	vshll.u32 v9, $0xA;
	v11 =	vand.u32 $0x1C00, v11;
	(pc) =	sbr.rel @p0 .LBB2_4-.Ltmp1, $4  }
0x86: {  	v6 =	vor.u32 v6, v10;
	v10 =	vand.u32 $0xFFFFE000, v13;
	v4 =	vor.u32 v11, v4  }
0x87: {  	v2 =	vshll.u32 v2, $0x7;
	v9 =	vshll.u32 v9, $0x7;
	v6 =	vor.u32 v12, v6;
	[tilespmem:v5+s4+$0x0] =	vst.idx.msk $0xffff, v8  }
0x88: {  	v2 =	vand.u32 $0x380, v2;
	v5 =	vand.u32 $0x380, v9;
	v8 =	vor.u32 v10, v4;
	[tilespmem:v7+s4+$0x0] =	vst.idx.msk $0xffff, v3  }
0x89: {  	s21 =	sadd.s32 $0x40, s21;
	v4 =	vshll.u32 v0, $0x3;
	v3 =	vor.u32 v2, v6;
	v2 =	vor.u32 v5, v8  }
0x8a: {  	_ = 	snop  }
0x8b: {  	v4 =	vand.u32 $0x1C00, v4;
	v5 =	vshrl.u32 v0, $0x3;
	v6 =	vshll.u32 v1, $0x3  }
0x8c: {  	v0 =	vand.u32 $0xE07F, v0;
	v7 =	vshrl.u32 v1, $0x3;
	v1 =	vand.u32 $0xE07F, v1  }
0x8d: {  	v6 =	vand.u32 $0x1C00, v6;
	v5 =	vand.u32 $0x380, v5;
	v0 =	vor.u32 v4, v0  }
0x8e: {  	v3 =	vld.idx.msk [tilespmem:v3+s4+$0x0], $0xffff;
	v4 =	vand.u32 $0x380, v7;
	v0 =	vor.u32 v5, v0;
	v1 =	vor.u32 v6, v1  }
0x8f: {  	v2 =	vld.idx.msk [tilespmem:v2+s4+$0x0], $0xffff;
	v1 =	vor.u32 v4, v1;
	_ =	sdelay $0x3  }
0x90: {  	[tilespmem:v0+s4+$0x0] =	vst.idx.msk $0xffff, v3  }
0x91: {  	[tilespmem:v1+s4+$0x0] =	vst.idx.msk $0xffff, v2  }
0x92: {  	v0 =	vld [tilespmem:s7+$0x0]  }
0x93: {  	v1 =	vld [tilespmem:s7+$0xFFFFFFF0]  }
0x94: {  	s6 =	simm.s32 $0x10750  }
0x95: {  	v7 =	vld [tilespmem:s6+$0x0]  }
0x96: {  	v9 =	vld [tilespmem:s6+$0xFFFFFFF0];
	_ =	sdelay $0x1  }
0x97: {  	v2 =	vshra.s32 v0, $0x10;
	v3 =	vshll.u32 v1, $0x3  }
0x98: {  	v6 =	vshra.s32 v1, $0x10;
	v4 =	vand.u32 $0xE07F, v1;
	v5 =	vshll.u32 v0, $0x3  }
0x99: {  	v8 =	vshrl.u32 v0, $0x3;
	v0 =	vand.u32 $0xE07F, v0;
	v1 =	vshrl.u32 v1, $0x3  }
0x9a: {  	v10 =	vand.u32 $0xE07F, v9;
	v11 =	vshll.u32 v7, $0x3;
	v3 =	vand.u32 $0x1C00, v3  }
0x9b: {  	v13 =	vand.u32 $0xE07F, v7;
	v3 =	vor.u32 v3, v4;
	v4 =	vand.u32 $0x1C00, v5  }
0x9c: {  	v5 =	vand.u32 $0x380, v8;
	v8 =	vand.u32 $0x380, v1;
	v0 =	vor.u32 v4, v0;
	v2 =	vld.idx.msk [tilespmem:v2+s3+$0x0], $0xffff  }
0x9d: {  	s29 =	simm.s32 $0x10770;
	v4 =	vshra.s32 v7, $0x10;
	v1 =	vor.u32 v5, v0;
	v0 =	vor.u32 v8, v3;
	v3 =	vld.idx.msk [tilespmem:v6+s3+$0x0], $0xffff  }
0x9e: {  	v11 =	vand.u32 $0x1C00, v11;
	v5 =	vshra.s32 v9, $0x10;
	v8 =	vshll.u32 v9, $0x3;
	v6 =	vld [tilespmem:s29+$0x0]  }
0x9f: {  	v12 =	vshrl.u32 v7, $0x3;
	v11 =	vor.u32 v11, v13;
	v7 =	vld [tilespmem:s29+$0xFFFFFFF0];
	v8 =	vand.u32 $0x1C00, v8  }
0xa0: {  	s6 =	simm.s32 $0x4;
	s7 =	simm.s32 $0x10790;
	v8 =	vor.u32 v8, v10;
	v10 =	vshrl.u32 v9, $0x3;
	v9 =	vand.u32 $0x380, v12  }
.LBB2_6:
0xa1: {  	s6 =	sadd.s32 $0x2, s6  }
0xa2: {  	v10 =	vand.u32 $0x380, v10;
	[tilespmem:v1+s4+$0x0] =	vst.idx.msk $0xffff, v2;
	v1 =	vor.u32 v9, v11;
	v2 =	vld.idx.msk [tilespmem:v4+s3+$0x0], $0xffff;
	p0 =	slt.u32 s6, $0xC  }
.Ltmp2:
0xa3: {  	v4 =	vshra.s32 v6, $0x10;
	[tilespmem:v0+s4+$0x0] =	vst.idx.msk $0xffff, v3;
	v0 =	vor.u32 v10, v8;
	v3 =	vld.idx.msk [tilespmem:v5+s3+$0x0], $0xffff;
	v9 =	vmov v6;
	(pc) =	sbr.rel @p0 .LBB2_6-.Ltmp2, $4  }
0xa4: {  	v6 =	vld [tilespmem:s7+$0x0];
	v5 =	vshra.s32 v7, $0x10;
	v8 =	vshll.u32 v7, $0x3;
	v10 =	vand.u32 $0xE07F, v7;
	v11 =	vmovc v7  }
0xa5: {  	v12 =	vshll.u32 v9, $0x3;
	v13 =	vshrl.u32 v9, $0x3;
	v7 =	vld [tilespmem:s7+$0xFFFFFFF0];
	v8 =	vand.u32 $0x1C00, v8  }
0xa6: {  	v14 =	vand.u32 $0xE07F, v9;
	v12 =	vand.u32 $0x1C00, v12;
	v8 =	vor.u32 v8, v10  }
0xa7: {  	s7 =	sadd.s32 $0x20, s7;
	v9 =	vand.u32 $0x380, v13;
	v10 =	vshrl.u32 v11, $0x3;
	v11 =	vor.u32 v12, v14  }
0xa8: {  	_ = 	snop  }
0xa9: {  	v10 =	vand.u32 $0x380, v10;
	v9 =	vor.u32 v9, v11;
	v57 =	vshra.s32 v6, $0x10  }
0xaa: {  	v8 =	vor.u32 v10, v8;
	v12 =	vshll.u32 v6, $0x3;
	v58 =	vshra.s32 v7, $0x10  }
0xab: {  	v14 =	vand.u32 $0xE07F, v6;
	v60 =	vshrl.u32 v6, $0x3;
	v13 =	vshll.u32 v7, $0x3  }
0xac: {  	v4 =	vld.idx.msk [tilespmem:v4+s3+$0x0], $0xffff;
	v12 =	vand.u32 $0x1C00, v12;
	v59 =	vand.u32 $0xE07F, v7;
	v61 =	vshrl.u32 v7, $0x3  }
0xad: {  	v5 =	vld.idx.msk [tilespmem:v5+s3+$0x0], $0xffff;
	v6 =	vand.u32 $0x380, v60;
	v12 =	vor.u32 v12, v14;
	v13 =	vand.u32 $0x1C00, v13  }
0xae: {  	v7 =	vand.u32 $0x380, v61;
	v13 =	vor.u32 v13, v59;
	v6 =	vor.u32 v6, v12;
	v11 =	vld.idx.msk [tilespmem:v57+s3+$0x0], $0xffff  }
0xaf: {  	[tilespmem:v1+s4+$0x0] =	vst.idx.msk $0xffff, v2;
	v63 =	vor.u32 v7, v13;
	v62 =	vld.idx.msk [tilespmem:v58+s3+$0x0], $0xffff  }
0xb0: {  	[tilespmem:v0+s4+$0x0] =	vst.idx.msk $0xffff, v3  }
0xb1: {  	[tilespmem:v9+s4+$0x0] =	vst.idx.msk $0xffff, v4  }
0xb2: {  	[tilespmem:v8+s4+$0x0] =	vst.idx.msk $0xffff, v5  }
0xb3: {  	[tilespmem:v6+s4+$0x0] =	vst.idx.msk $0xffff, v11  }
0xb4: {  	[tilespmem:v63+s4+$0x0] =	vst.idx.msk $0xffff, v62  }
0xb5: {  	s22 =	simm.s32 $0x0;
	s6 =	rddreg [dreg:$0xc]  }
0xb6: {  	[hbm4b:s6+s22] =	stream.linear.scatter [tilespmem:s22], [sflag:$0x5], $0x4000, $0x38;
	[tilespmem:$0x12100] =	vst v63  }
.LBB2_8:
0xb7: {  	_ =	swait.ge [sflag:s9], $0x4000;
	s6 =	sshll.u32 s22, $0xD  }
0xb8: {  	[sflag:s9] =	ssyncset.done $0x0;
	s23 =	sadd.s32 s6, s16  }
0xb9: {  	[sflag:s9] =	ssyncadd.s32 $0xFFFFC000;
	s7 =	sadd.s32 s1, s23;
	s21 =	sshrl.u32 s23, $0x3  }
0xba: {  	[tilespmem:s4], [sflag:$0x1] =	stream.linear.gather [hbm4b:s7+s4], $0x4000, $0x38;
	[tilespmem:$0x12100] =	vst v63  }
0xbb: {  	s15 =	simm.s32 $0x10000;
	s7 =	sadd.s32 s5, s21  }
0xbc: {  	[tilespmem:s15], [sflag:$0x1] =	stream.linear.gather [hbm4b:s7+s4], $0x800, $0x38;
	[tilespmem:$0x12100] =	vst v63  }
0xbd: {  	_ =	swait.ge [sflag:s10], $0x4000  }
0xbe: {  	[sflag:s10] =	ssyncset.done $0x0  }
0xbf: {  	[sflag:s10] =	ssyncadd.s32 $0xFFFFC000  }
0xc0: {  	_ =	swait.ge [sflag:s10], $0x800  }
0xc1: {  	[sflag:s10] =	ssyncset.done $0x0  }
0xc2: {  	s24 =	simm.s32 $0x10810;
	[sflag:s10] =	ssyncadd.s32 $0xFFFFF800  }
0xc3: {  	v0 =	vld [tilespmem:s24+$0xFFFFFFF0]  }
0xc4: {  	v1 =	vld [tilespmem:s24+$0x0];
	_ =	sdelay $0x2  }
0xc5: {  	s26 =	simm.s32 $0x10830  }
0xc6: {  	v4 =	vld [tilespmem:s26+$0xFFFFFFF0];
	v2 =	vshll.u32 v0, $0x3;
	v3 =	vshrl.u32 v0, $0x3;
	v0 =	vand.u32 $0xFFFFE07F, v0  }
0xc7: {  	v7 =	vld [tilespmem:s26+$0x0];
	v5 =	vshll.u32 v1, $0x3;
	v6 =	vshrl.u32 v1, $0x3;
	v2 =	vand.u32 $0x1C00, v2  }
0xc8: {  	v1 =	vand.u32 $0xFFFFE07F, v1;
	v0 =	vor.u32 v2, v0;
	v2 =	vand.u32 $0x1C00, v5  }
0xc9: {  	s29 =	simm.s32 $0x10850;
	v3 =	vand.u32 $0x380, v3;
	v5 =	vand.u32 $0x380, v6;
	v1 =	vor.u32 v2, v1  }
0xca: {  	v10 =	vld [tilespmem:s29+$0x0];
	v6 =	vor.u32 v3, v0;
	v0 =	vor.u32 v5, v1  }
0xcb: {  	v2 =	vshrl.u32 v4, $0x3;
	v3 =	vand.u32 $0xFFFFE07F, v4;
	v1 =	vshll.u32 v4, $0x3;
	v4 =	vld [tilespmem:s29+$0xFFFFFFF0]  }
0xcc: {  	v8 =	vshrl.u32 v7, $0x3;
	v5 =	vshll.u32 v7, $0x3;
	v1 =	vand.u32 $0x1C00, v1  }
0xcd: {  	v1 =	vor.u32 v1, v3;
	v3 =	vand.u32 $0x1C00, v5;
	v5 =	vand.u32 $0xFFFFE07F, v7  }
0xce: {  	v7 =	vand.u32 $0x380, v8;
	v3 =	vor.u32 v3, v5  }
0xcf: {  	v11 =	vshll.u32 v10, $0x3;
	v2 =	vand.u32 $0x380, v2;
	v3 =	vor.u32 v7, v3;
	v0 =	vld.idx.msk [tilespmem:v0+s25+$0x0], $0xffff  }
0xd0: {  	s21 =	simm.s32 $0x10870;
	v8 =	vshrl.u32 v10, $0x3;
	v2 =	vor.u32 v2, v1;
	v1 =	vld.idx.msk [tilespmem:v6+s25+$0x0], $0xffff;
	v5 =	vshll.u32 v4, $0x3  }
0xd1: {  	v6 =	vshrl.u32 v4, $0x3;
	v7 =	vand.u32 $0xFFFFE07F, v4;
	v4 =	vld [tilespmem:s21+$0xFFFFFFF0];
	v9 =	vand.u32 $0x1C00, v5  }
0xd2: {  	s7 =	simm.s32 $0x12010;
	s15 =	simm.s32 $0x12010;
	s24 =	simm.s32 $0x6;
	v10 =	vand.u32 $0xFFFFE07F, v10;
	v5 =	vld [tilespmem:s21+$0x0];
	v7 =	vor.u32 v9, v7;
	v9 =	vand.u32 $0x1C00, v11  }
.LBB2_9:
0xd3: {  	s24 =	sadd.s32 $0x2, s24  }
0xd4: {  	v6 =	vand.u32 $0x380, v6;
	v8 =	vand.u32 $0x380, v8;
	v9 =	vor.u32 v9, v10;
	[tilespmem:s7+$0x0] =	vst v0;
	v0 =	vld.idx.msk [tilespmem:v3+s25+$0x0], $0xffff;
	s15 =	sadd.s32 $0x20, s15;
	p0 =	slt.u32 s24, $0xC  }
.Ltmp3:
0xd5: {  	v3 =	vor.u32 v8, v9;
	[tilespmem:s7+$0xFFFFFFF0] =	vst v1;
	v1 =	vld.idx.msk [tilespmem:v2+s25+$0x0], $0xffff;
	v2 =	vor.u32 v6, v7;
	s7 =	smov.u32 s15;
	(pc) =	sbr.rel @p0 .LBB2_9-.Ltmp3, $4  }
0xd6: {  	_ = 	snop  }
0xd7: {  	s21 =	sadd.s32 $0x20, s21;
	v7 =	vshll.u32 v4, $0x3;
	v6 =	vshrl.u32 v4, $0x3;
	v9 =	vand.u32 $0xFFFFE07F, v4  }
0xd8: {  	v4 =	vld [tilespmem:s21+$0xFFFFFFF0];
	v7 =	vand.u32 $0x1C00, v7;
	v10 =	vshll.u32 v5, $0x3;
	v8 =	vshrl.u32 v5, $0x3  }
0xd9: {  	v7 =	vor.u32 v7, v9;
	v9 =	vand.u32 $0x1C00, v10;
	v10 =	vand.u32 $0xFFFFE07F, v5;
	v5 =	vld [tilespmem:s21+$0x0]  }
0xda: {  	_ =	sdelay $0x1  }
0xdb: {  	v6 =	vand.u32 $0x380, v6;
	v8 =	vand.u32 $0x380, v8;
	v9 =	vor.u32 v9, v10  }
0xdc: {  	v6 =	vor.u32 v6, v7;
	v7 =	vor.u32 v8, v9;
	v47 =	vshll.u32 v4, $0x3  }
0xdd: {  	v48 =	vshrl.u32 v4, $0x3;
	v4 =	vand.u32 $0xFFFFE07F, v4;
	v49 =	vshll.u32 v5, $0x3  }
0xde: {  	v11 =	vshrl.u32 v5, $0x3;
	v5 =	vand.u32 $0xFFFFE07F, v5;
	v8 =	vand.u32 $0x1C00, v47  }
0xdf: {  	v50 =	vand.u32 $0x380, v48;
	v10 =	vand.u32 $0x1C00, v49;
	v4 =	vor.u32 v8, v4  }
0xe0: {  	v3 =	vld.idx.msk [tilespmem:v3+s25+$0x0], $0xffff;
	v11 =	vand.u32 $0x380, v11;
	v5 =	vor.u32 v10, v5;
	v4 =	vor.u32 v50, v4  }
0xe1: {  	v5 =	vor.u32 v11, v5  }
0xe2: {  	v2 =	vld.idx.msk [tilespmem:v2+s25+$0x0], $0xffff  }
0xe3: {  	v7 =	vld.idx.msk [tilespmem:v7+s25+$0x0], $0xffff  }
0xe4: {  	[tilespmem:s7+$0x0] =	vst v0;
	s15 =	sadd.s32 $0x20, s15;
	v0 =	vld.idx.msk [tilespmem:v6+s25+$0x0], $0xffff  }
0xe5: {  	[tilespmem:s15+$0x0] =	vst v3;
	v3 =	vld.idx.msk [tilespmem:v4+s25+$0x0], $0xffff  }
0xe6: {  	[tilespmem:s7+$0xFFFFFFF0] =	vst v1;
	v1 =	vld.idx.msk [tilespmem:v5+s25+$0x0], $0xffff  }
0xe7: {  	s24 =	sadd.s32 $0x20, s15;
	[tilespmem:s15+$0xFFFFFFF0] =	vst v2  }
0xe8: {  	[tilespmem:s24+$0x0] =	vst v7  }
0xe9: {  	s26 =	sadd.s32 $0x20, s24;
	[tilespmem:s24+$0xFFFFFFF0] =	vst v0  }
0xea: {  	[tilespmem:s26+$0xFFFFFFF0] =	vst v3  }
0xeb: {  	s21 =	simm.s32 $0x10910;
	s7 =	simm.s32 $0x0;
	[tilespmem:s26+$0x0] =	vst v1  }
0xec: {  	s29 =	sand.u32 $0x7C0, s7;
	v2 =	vld [tilespmem:s21+$0x0]  }
0xed: {  	v3 =	vld [tilespmem:s29+$0x10900]  }
0xee: {  	v0 =	vld [tilespmem:s21+$0xFFFFFFD0];
	_ =	sdelay $0x2  }
0xef: {  	v1 =	vshrl.u32 v2, $0x10;
	v4 =	vshra.s32 v2, $0x1A;
	v5 =	vshrl.u32 v2, $0xD  }
0xf0: {  	v7 =	vshrl.u32 v3, $0x10;
	v51 =	vshra.s32 v3, $0x1A;
	v52 =	vshrl.u32 v3, $0xD  }
0xf1: {  	v54 =	vshrl.u32 v0, $0xD;
	v57 =	vshll.u32 v2, $0x3;
	v12 =	vshrl.u32 v2, $0x3  }
0xf2: {  	v2 =	vand.u32 $0xE07F, v2;
	v13 =	vshll.u32 v3, $0x3;
	v59 =	vshrl.u32 v3, $0x3  }
0xf3: {  	v3 =	vand.u32 $0xE07F, v3;
	v1 =	vand.u32 $0x7F, v1;
	v6 =	vshll.u32 v4, $0xA  }
0xf4: {  	v5 =	vand.u32 $0x1C00, v5;
	v4 =	vshll.u32 v4, $0x7;
	v7 =	vand.u32 $0x7F, v7  }
0xf5: {  	v53 =	vshll.u32 v51, $0xA;
	v9 =	vand.u32 $0x1C00, v52;
	v8 =	vshll.u32 v51, $0x7  }
0xf6: {  	v6 =	vand.u32 $0xFFFFE000, v6;
	v1 =	vor.u32 v5, v1;
	v4 =	vand.u32 $0x380, v4  }
0xf7: {  	v10 =	vand.u32 $0xFFFFE000, v53;
	v7 =	vor.u32 v9, v7;
	v6 =	vor.u32 v6, v1  }
0xf8: {  	v8 =	vand.u32 $0x380, v8;
	v7 =	vor.u32 v10, v7;
	v4 =	vor.u32 v4, v6  }
0xf9: {  	v11 =	vand.u32 $0x1C00, v57;
	v12 =	vand.u32 $0x380, v12;
	v7 =	vor.u32 v8, v7  }
0xfa: {  	v58 =	vand.u32 $0x1C00, v13;
	v13 =	vand.u32 $0x380, v59;
	v5 =	vshrl.u32 v0, $0x10;
	v1 =	vld [tilespmem:s21+$0xFFFFFFE0]  }
0xfb: {  	v2 =	vor.u32 v11, v2;
	v3 =	vor.u32 v58, v3;
	v6 =	vshra.s32 v0, $0x1A  }
0xfc: {  	v9 =	vand.u32 $0x1C00, v54;
	v5 =	vand.u32 $0x7F, v5;
	v61 =	vshll.u32 v6, $0xA  }
0xfd: {  	v2 =	vor.u32 v12, v2;
	v5 =	vor.u32 v9, v5;
	v12 =	vand.u32 $0xFFFFE000, v61;
	v4 =	vld.idx.msk [tilespmem:v4+s25+$0x0], $0xffff  }
0xfe: {  	v3 =	vor.u32 v13, v3;
	v6 =	vshll.u32 v6, $0x7;
	v5 =	vor.u32 v12, v5;
	v7 =	vld.idx.msk [tilespmem:v7+s25+$0x0], $0xffff  }
0xff: {  	v55 =	vshrl.u32 v1, $0x10;
	v56 =	vshra.s32 v1, $0x1A;
	v60 =	vshrl.u32 v1, $0xD  }
0x100: {  	v8 =	vand.u32 $0x7F, v55;
	v62 =	vshll.u32 v56, $0xA;
	v11 =	vand.u32 $0x1C00, v60  }
0x101: {  	v10 =	vshll.u32 v56, $0x7;
	v63 =	vand.u32 $0xFFFFE000, v62;
	v8 =	vor.u32 v11, v8  }
0x102: {  	v8 =	vor.u32 v63, v8;
	[tilespmem:v2+s25+$0x0] =	vst.idx.msk $0xffff, v4;
	v2 =	vand.u32 $0x380, v6;
	v6 =	vand.u32 $0x380, v10  }
0x103: {  	s15 =	simm.s32 $0x10F30;
	s24 =	simm.s32 $0x10950;
	s21 =	simm.s32 $0x0;
	[tilespmem:v3+s25+$0x0] =	vst.idx.msk $0xffff, v7;
	v4 =	vshll.u32 v0, $0x3;
	v3 =	vor.u32 v2, v5;
	v2 =	vor.u32 v6, v8  }
.LBB2_11:
0x104: {  	v5 =	vld [tilespmem:s24+$0x0];
	v4 =	vand.u32 $0x1C00, v4;
	v6 =	vshrl.u32 v0, $0x3;
	v7 =	vshll.u32 v1, $0x3  }
0x105: {  	v9 =	vand.u32 $0xE07F, v0;
	v10 =	vshrl.u32 v1, $0x3;
	v8 =	vld [tilespmem:s24+$0xFFFFFFE0];
	v7 =	vand.u32 $0x1C00, v7  }
0x106: {  	v1 =	vand.u32 $0xE07F, v1;
	s7 =	sadd.s32 $0x40, s7;
	v6 =	vand.u32 $0x380, v6;
	v4 =	vor.u32 v4, v9;
	v0 =	vld [tilespmem:s24+$0xFFFFFFD0]  }
0x107: {  	s21 =	sadd.s32 $0x4, s21;
	s26 =	sand.u32 $0x7C0, s7;
	v4 =	vor.u32 v6, v4;
	v6 =	vand.u32 $0x380, v10;
	v1 =	vor.u32 v7, v1  }
0x108: {  	p0 =	slt.u32 s21, $0x60;
	v6 =	vor.u32 v6, v1;
	v7 =	vld [tilespmem:s26+$0x10900]  }
0x109: {  	v13 =	vshrl.u32 v5, $0x10;
	v9 =	vshra.s32 v5, $0x1A;
	v10 =	vshrl.u32 v5, $0xD;
	v3 =	vld.idx.msk [tilespmem:v3+s25+$0x0], $0xffff  }
0x10a: {  	v11 =	vand.u32 $0x7F, v13;
	v12 =	vshll.u32 v9, $0xA;
	v10 =	vand.u32 $0x1C00, v10;
	v2 =	vld.idx.msk [tilespmem:v2+s25+$0x0], $0xffff;
	v1 =	vmovc v8  }
0x10b: {  	v9 =	vshll.u32 v9, $0x7;
	v8 =	vand.u32 $0xFFFFE000, v12;
	v10 =	vor.u32 v10, v11  }
0x10c: {  	v11 =	vshrl.u32 v0, $0x10;
	v9 =	vand.u32 $0x380, v9;
	v8 =	vor.u32 v8, v10  }
0x10d: {  	v10 =	vshrl.u32 v7, $0x10;
	v12 =	vshra.s32 v7, $0x1A;
	v13 =	vshrl.u32 v7, $0xD  }
0x10e: {  	v10 =	vand.u32 $0x7F, v10;
	v14 =	vshll.u32 v12, $0xA;
	v13 =	vand.u32 $0x1C00, v13  }
0x10f: {  	v12 =	vshll.u32 v12, $0x7;
	v14 =	vand.u32 $0xFFFFE000, v14;
	v10 =	vor.u32 v13, v10;
	[tilespmem:v4+s25+$0x0] =	vst.idx.msk $0xffff, v3  }
0x110: {  	v8 =	vor.u32 v9, v8;
	v3 =	vand.u32 $0x380, v12;
	v4 =	vor.u32 v14, v10;
	[tilespmem:v6+s25+$0x0] =	vst.idx.msk $0xffff, v2  }
0x111: {  	v2 =	vshra.s32 v0, $0x1A;
	v6 =	vshrl.u32 v0, $0xD;
	v3 =	vor.u32 v3, v4  }
0x112: {  	v9 =	vshra.s32 v1, $0x1A;
	v10 =	vshll.u32 v5, $0x3;
	v4 =	vshrl.u32 v1, $0x10  }
0x113: {  	v12 =	vshrl.u32 v5, $0x3;
	v5 =	vand.u32 $0xE07F, v5;
	v10 =	vand.u32 $0x1C00, v10  }
0x114: {  	v13 =	vshll.u32 v7, $0x3;
	v12 =	vand.u32 $0x380, v12;
	v5 =	vor.u32 v10, v5  }
0x115: {  	v10 =	vand.u32 $0x1C00, v13;
	v13 =	vshrl.u32 v7, $0x3;
	v7 =	vand.u32 $0xE07F, v7;
	v8 =	vld.idx.msk [tilespmem:v8+s25+$0x0], $0xffff  }
0x116: {  	v13 =	vand.u32 $0x380, v13;
	v7 =	vor.u32 v10, v7;
	v5 =	vor.u32 v12, v5;
	v3 =	vld.idx.msk [tilespmem:v3+s25+$0x0], $0xffff  }
0x117: {  	v10 =	vand.u32 $0x7F, v11;
	v11 =	vshrl.u32 v1, $0xD;
	v7 =	vor.u32 v13, v7  }
0x118: {  	v6 =	vand.u32 $0x1C00, v6;
	v4 =	vand.u32 $0x7F, v4;
	v12 =	vshll.u32 v2, $0xA  }
.Ltmp4:
0x119: {  	v12 =	vand.u32 $0xFFFFE000, v12;
	v13 =	vshll.u32 v9, $0xA;
	v11 =	vand.u32 $0x1C00, v11;
	(pc) =	sbr.rel @p0 .LBB2_11-.Ltmp4, $4  }
0x11a: {  	v6 =	vor.u32 v6, v10;
	v10 =	vand.u32 $0xFFFFE000, v13;
	v4 =	vor.u32 v11, v4  }
0x11b: {  	v2 =	vshll.u32 v2, $0x7;
	v9 =	vshll.u32 v9, $0x7;
	v6 =	vor.u32 v12, v6;
	[tilespmem:v5+s25+$0x0] =	vst.idx.msk $0xffff, v8  }
0x11c: {  	v2 =	vand.u32 $0x380, v2;
	v5 =	vand.u32 $0x380, v9;
	v8 =	vor.u32 v10, v4;
	[tilespmem:v7+s25+$0x0] =	vst.idx.msk $0xffff, v3  }
0x11d: {  	s24 =	sadd.s32 $0x40, s24;
	v4 =	vshll.u32 v0, $0x3;
	v3 =	vor.u32 v2, v6;
	v2 =	vor.u32 v5, v8  }
0x11e: {  	_ = 	snop  }
0x11f: {  	v4 =	vand.u32 $0x1C00, v4;
	v5 =	vshrl.u32 v0, $0x3;
	v6 =	vshll.u32 v1, $0x3  }
0x120: {  	v0 =	vand.u32 $0xE07F, v0;
	v7 =	vshrl.u32 v1, $0x3;
	v1 =	vand.u32 $0xE07F, v1  }
0x121: {  	v6 =	vand.u32 $0x1C00, v6;
	v5 =	vand.u32 $0x380, v5;
	v0 =	vor.u32 v4, v0  }
0x122: {  	v3 =	vld.idx.msk [tilespmem:v3+s25+$0x0], $0xffff;
	v4 =	vand.u32 $0x380, v7;
	v0 =	vor.u32 v5, v0;
	v1 =	vor.u32 v6, v1  }
0x123: {  	v2 =	vld.idx.msk [tilespmem:v2+s25+$0x0], $0xffff;
	v1 =	vor.u32 v4, v1;
	_ =	sdelay $0x3  }
0x124: {  	[tilespmem:v0+s25+$0x0] =	vst.idx.msk $0xffff, v3  }
0x125: {  	[tilespmem:v1+s25+$0x0] =	vst.idx.msk $0xffff, v2  }
0x126: {  	v0 =	vld [tilespmem:s15+$0x0]  }
0x127: {  	v1 =	vld [tilespmem:s15+$0xFFFFFFF0]  }
0x128: {  	s7 =	simm.s32 $0x10F50  }
0x129: {  	v7 =	vld [tilespmem:s7+$0x0]  }
0x12a: {  	v9 =	vld [tilespmem:s7+$0xFFFFFFF0];
	_ =	sdelay $0x1  }
0x12b: {  	v2 =	vshra.s32 v0, $0x10;
	v3 =	vshll.u32 v1, $0x3  }
0x12c: {  	v6 =	vshra.s32 v1, $0x10;
	v4 =	vand.u32 $0xE07F, v1;
	v5 =	vshll.u32 v0, $0x3  }
0x12d: {  	v8 =	vshrl.u32 v0, $0x3;
	v0 =	vand.u32 $0xE07F, v0;
	v1 =	vshrl.u32 v1, $0x3  }
0x12e: {  	v10 =	vand.u32 $0xE07F, v9;
	v11 =	vshll.u32 v7, $0x3;
	v3 =	vand.u32 $0x1C00, v3  }
0x12f: {  	v13 =	vand.u32 $0xE07F, v7;
	v3 =	vor.u32 v3, v4;
	v4 =	vand.u32 $0x1C00, v5  }
0x130: {  	v5 =	vand.u32 $0x380, v8;
	v8 =	vand.u32 $0x380, v1;
	v0 =	vor.u32 v4, v0;
	v2 =	vld.idx.msk [tilespmem:v2+s3+$0x0], $0xffff  }
0x131: {  	s29 =	simm.s32 $0x10F70;
	v4 =	vshra.s32 v7, $0x10;
	v1 =	vor.u32 v5, v0;
	v0 =	vor.u32 v8, v3;
	v3 =	vld.idx.msk [tilespmem:v6+s3+$0x0], $0xffff  }
0x132: {  	v11 =	vand.u32 $0x1C00, v11;
	v5 =	vshra.s32 v9, $0x10;
	v8 =	vshll.u32 v9, $0x3;
	v6 =	vld [tilespmem:s29+$0x0]  }
0x133: {  	v12 =	vshrl.u32 v7, $0x3;
	v11 =	vor.u32 v11, v13;
	v7 =	vld [tilespmem:s29+$0xFFFFFFF0];
	v8 =	vand.u32 $0x1C00, v8  }
0x134: {  	s7 =	simm.s32 $0x4;
	s15 =	simm.s32 $0x10F90;
	v8 =	vor.u32 v8, v10;
	v10 =	vshrl.u32 v9, $0x3;
	v9 =	vand.u32 $0x380, v12  }
.LBB2_13:
0x135: {  	s7 =	sadd.s32 $0x2, s7  }
0x136: {  	v10 =	vand.u32 $0x380, v10;
	[tilespmem:v1+s25+$0x0] =	vst.idx.msk $0xffff, v2;
	v1 =	vor.u32 v9, v11;
	v2 =	vld.idx.msk [tilespmem:v4+s3+$0x0], $0xffff;
	p0 =	slt.u32 s7, $0xC  }
.Ltmp5:
0x137: {  	v4 =	vshra.s32 v6, $0x10;
	[tilespmem:v0+s25+$0x0] =	vst.idx.msk $0xffff, v3;
	v0 =	vor.u32 v10, v8;
	v3 =	vld.idx.msk [tilespmem:v5+s3+$0x0], $0xffff;
	v9 =	vmov v6;
	(pc) =	sbr.rel @p0 .LBB2_13-.Ltmp5, $4  }
0x138: {  	v6 =	vld [tilespmem:s15+$0x0];
	v5 =	vshra.s32 v7, $0x10;
	v8 =	vshll.u32 v7, $0x3;
	v10 =	vand.u32 $0xE07F, v7;
	v11 =	vmovc v7  }
0x139: {  	v12 =	vshll.u32 v9, $0x3;
	v13 =	vshrl.u32 v9, $0x3;
	v7 =	vld [tilespmem:s15+$0xFFFFFFF0];
	v8 =	vand.u32 $0x1C00, v8  }
0x13a: {  	v14 =	vand.u32 $0xE07F, v9;
	v12 =	vand.u32 $0x1C00, v12;
	v8 =	vor.u32 v8, v10  }
0x13b: {  	s15 =	sadd.s32 $0x20, s15;
	v9 =	vand.u32 $0x380, v13;
	v10 =	vshrl.u32 v11, $0x3;
	v11 =	vor.u32 v12, v14  }
0x13c: {  	_ = 	snop  }
0x13d: {  	v10 =	vand.u32 $0x380, v10;
	v9 =	vor.u32 v9, v11;
	v11 =	vshra.s32 v6, $0x10  }
0x13e: {  	v8 =	vor.u32 v10, v8;
	v12 =	vshll.u32 v6, $0x3;
	v10 =	vshra.s32 v7, $0x10  }
0x13f: {  	v14 =	vand.u32 $0xE07F, v6;
	v6 =	vshrl.u32 v6, $0x3;
	v13 =	vshll.u32 v7, $0x3  }
0x140: {  	v4 =	vld.idx.msk [tilespmem:v4+s3+$0x0], $0xffff;
	v12 =	vand.u32 $0x1C00, v12;
	v63 =	vand.u32 $0xE07F, v7;
	v7 =	vshrl.u32 v7, $0x3  }
0x141: {  	v5 =	vld.idx.msk [tilespmem:v5+s3+$0x0], $0xffff;
	v6 =	vand.u32 $0x380, v6;
	v12 =	vor.u32 v12, v14;
	v13 =	vand.u32 $0x1C00, v13  }
0x142: {  	v7 =	vand.u32 $0x380, v7;
	v13 =	vor.u32 v13, v63;
	v6 =	vor.u32 v6, v12;
	v11 =	vld.idx.msk [tilespmem:v11+s3+$0x0], $0xffff  }
0x143: {  	[tilespmem:v1+s25+$0x0] =	vst.idx.msk $0xffff, v2;
	v2 =	vor.u32 v7, v13;
	v1 =	vld.idx.msk [tilespmem:v10+s3+$0x0], $0xffff  }
0x144: {  	[tilespmem:v0+s25+$0x0] =	vst.idx.msk $0xffff, v3;
	s7 =	sshll.u32 s22, $0x6  }
0x145: {  	s7 =	sadd.s32 s7, s8;
	[tilespmem:v9+s25+$0x0] =	vst.idx.msk $0xffff, v4  }
0x146: {  	s7 =	sshll.u32 s7, $0x7;
	[tilespmem:v8+s25+$0x0] =	vst.idx.msk $0xffff, v5  }
0x147: {  	s7 =	sadd.s32 s2, s7;
	[tilespmem:v6+s25+$0x0] =	vst.idx.msk $0xffff, v11  }
0x148: {  	s15 =	sadd.s32 $0x800, s7;
	[tilespmem:v2+s25+$0x0] =	vst.idx.msk $0xffff, v1  }
0x149: {  	[hbm4b:s15+s4] =	stream.linear.scatter [tilespmem:s25], [sflag:$0x6], $0x4000, $0x38;
	[tilespmem:$0x12100] =	vst v63  }
0x14a: {  	_ =	swait.ge [sflag:s11], $0x4000  }
0x14b: {  	s26 =	sadd.s32 s6, s17;
	[sflag:s11] =	ssyncset.done $0x0  }
0x14c: {  	s21 =	sadd.s32 s1, s26;
	s15 =	sshrl.u32 s26, $0x3;
	[sflag:s11] =	ssyncadd.s32 $0xFFFFC000  }
0x14d: {  	[tilespmem:s25], [sflag:$0x2] =	stream.linear.gather [hbm4b:s21+s4], $0x4000, $0x38;
	[tilespmem:$0x12100] =	vst v63  }
0x14e: {  	s29 =	simm.s32 $0x10800;
	s15 =	sadd.s32 s5, s15  }
0x14f: {  	[tilespmem:s29], [sflag:$0x2] =	stream.linear.gather [hbm4b:s15+s4], $0x800, $0x38;
	[tilespmem:$0x12100] =	vst v63  }
0x150: {  	_ =	swait.ge [sflag:s12], $0x4000  }
0x151: {  	[sflag:s12] =	ssyncset.done $0x0  }
0x152: {  	[sflag:s12] =	ssyncadd.s32 $0xFFFFC000  }
0x153: {  	_ =	swait.ge [sflag:s12], $0x800  }
0x154: {  	[sflag:s12] =	ssyncset.done $0x0  }
0x155: {  	s24 =	simm.s32 $0x11010;
	[sflag:s12] =	ssyncadd.s32 $0xFFFFF800  }
0x156: {  	v0 =	vld [tilespmem:s24+$0xFFFFFFF0]  }
0x157: {  	v1 =	vld [tilespmem:s24+$0x0];
	_ =	sdelay $0x2  }
0x158: {  	s26 =	simm.s32 $0x11030  }
0x159: {  	v4 =	vld [tilespmem:s26+$0xFFFFFFF0];
	v2 =	vshll.u32 v0, $0x3;
	v3 =	vshrl.u32 v0, $0x3;
	v0 =	vand.u32 $0xFFFFE07F, v0  }
0x15a: {  	v7 =	vld [tilespmem:s26+$0x0];
	v5 =	vshll.u32 v1, $0x3;
	v6 =	vshrl.u32 v1, $0x3;
	v2 =	vand.u32 $0x1C00, v2  }
0x15b: {  	v1 =	vand.u32 $0xFFFFE07F, v1;
	v0 =	vor.u32 v2, v0;
	v2 =	vand.u32 $0x1C00, v5  }
0x15c: {  	s29 =	simm.s32 $0x11050;
	v3 =	vand.u32 $0x380, v3;
	v5 =	vand.u32 $0x380, v6;
	v1 =	vor.u32 v2, v1  }
0x15d: {  	v10 =	vld [tilespmem:s29+$0x0];
	v6 =	vor.u32 v3, v0;
	v0 =	vor.u32 v5, v1  }
0x15e: {  	v2 =	vshrl.u32 v4, $0x3;
	v3 =	vand.u32 $0xFFFFE07F, v4;
	v1 =	vshll.u32 v4, $0x3;
	v4 =	vld [tilespmem:s29+$0xFFFFFFF0]  }
0x15f: {  	v8 =	vshrl.u32 v7, $0x3;
	v5 =	vshll.u32 v7, $0x3;
	v1 =	vand.u32 $0x1C00, v1  }
0x160: {  	v1 =	vor.u32 v1, v3;
	v3 =	vand.u32 $0x1C00, v5;
	v5 =	vand.u32 $0xFFFFE07F, v7  }
0x161: {  	v7 =	vand.u32 $0x380, v8;
	v3 =	vor.u32 v3, v5  }
0x162: {  	v11 =	vshll.u32 v10, $0x3;
	v2 =	vand.u32 $0x380, v2;
	v3 =	vor.u32 v7, v3;
	v0 =	vld.idx.msk [tilespmem:v0+s28+$0x0], $0xffff  }
0x163: {  	s24 =	simm.s32 $0x11070;
	v8 =	vshrl.u32 v10, $0x3;
	v2 =	vor.u32 v2, v1;
	v1 =	vld.idx.msk [tilespmem:v6+s28+$0x0], $0xffff;
	v5 =	vshll.u32 v4, $0x3  }
0x164: {  	v6 =	vshrl.u32 v4, $0x3;
	v7 =	vand.u32 $0xFFFFE07F, v4;
	v4 =	vld [tilespmem:s24+$0xFFFFFFF0];
	v9 =	vand.u32 $0x1C00, v5  }
0x165: {  	s21 =	simm.s32 $0x12010;
	s15 =	simm.s32 $0x12010;
	s26 =	simm.s32 $0x6;
	v10 =	vand.u32 $0xFFFFE07F, v10;
	v5 =	vld [tilespmem:s24+$0x0];
	v7 =	vor.u32 v9, v7;
	v9 =	vand.u32 $0x1C00, v11  }
.LBB2_15:
0x166: {  	s26 =	sadd.s32 $0x2, s26  }
0x167: {  	v6 =	vand.u32 $0x380, v6;
	v8 =	vand.u32 $0x380, v8;
	v9 =	vor.u32 v9, v10;
	[tilespmem:s15+$0x0] =	vst v0;
	v0 =	vld.idx.msk [tilespmem:v3+s28+$0x0], $0xffff;
	s21 =	sadd.s32 $0x20, s21;
	p0 =	slt.u32 s26, $0xC  }
.Ltmp6:
0x168: {  	v3 =	vor.u32 v8, v9;
	[tilespmem:s15+$0xFFFFFFF0] =	vst v1;
	v1 =	vld.idx.msk [tilespmem:v2+s28+$0x0], $0xffff;
	v2 =	vor.u32 v6, v7;
	s15 =	smov.u32 s21;
	(pc) =	sbr.rel @p0 .LBB2_15-.Ltmp6, $4  }
0x169: {  	_ = 	snop  }
0x16a: {  	s24 =	sadd.s32 $0x20, s24;
	v7 =	vshll.u32 v4, $0x3;
	v6 =	vshrl.u32 v4, $0x3;
	v9 =	vand.u32 $0xFFFFE07F, v4  }
0x16b: {  	v4 =	vld [tilespmem:s24+$0xFFFFFFF0];
	v7 =	vand.u32 $0x1C00, v7;
	v10 =	vshll.u32 v5, $0x3;
	v8 =	vshrl.u32 v5, $0x3  }
0x16c: {  	v7 =	vor.u32 v7, v9;
	v9 =	vand.u32 $0x1C00, v10;
	v10 =	vand.u32 $0xFFFFE07F, v5;
	v5 =	vld [tilespmem:s24+$0x0]  }
0x16d: {  	_ =	sdelay $0x1  }
0x16e: {  	v6 =	vand.u32 $0x380, v6;
	v8 =	vand.u32 $0x380, v8;
	v9 =	vor.u32 v9, v10  }
0x16f: {  	v6 =	vor.u32 v6, v7;
	v7 =	vor.u32 v8, v9;
	v47 =	vshll.u32 v4, $0x3  }
0x170: {  	v48 =	vshrl.u32 v4, $0x3;
	v4 =	vand.u32 $0xFFFFE07F, v4;
	v49 =	vshll.u32 v5, $0x3  }
0x171: {  	v11 =	vshrl.u32 v5, $0x3;
	v5 =	vand.u32 $0xFFFFE07F, v5;
	v8 =	vand.u32 $0x1C00, v47  }
0x172: {  	v50 =	vand.u32 $0x380, v48;
	v10 =	vand.u32 $0x1C00, v49;
	v4 =	vor.u32 v8, v4  }
0x173: {  	v3 =	vld.idx.msk [tilespmem:v3+s28+$0x0], $0xffff;
	v11 =	vand.u32 $0x380, v11;
	v5 =	vor.u32 v10, v5;
	v4 =	vor.u32 v50, v4  }
0x174: {  	v5 =	vor.u32 v11, v5  }
0x175: {  	v2 =	vld.idx.msk [tilespmem:v2+s28+$0x0], $0xffff  }
0x176: {  	v7 =	vld.idx.msk [tilespmem:v7+s28+$0x0], $0xffff  }
0x177: {  	[tilespmem:s15+$0x0] =	vst v0;
	s21 =	sadd.s32 $0x20, s21;
	v0 =	vld.idx.msk [tilespmem:v6+s28+$0x0], $0xffff  }
0x178: {  	[tilespmem:s21+$0x0] =	vst v3;
	v3 =	vld.idx.msk [tilespmem:v4+s28+$0x0], $0xffff  }
0x179: {  	[tilespmem:s15+$0xFFFFFFF0] =	vst v1;
	v1 =	vld.idx.msk [tilespmem:v5+s28+$0x0], $0xffff  }
0x17a: {  	s24 =	sadd.s32 $0x20, s21;
	[tilespmem:s21+$0xFFFFFFF0] =	vst v2  }
0x17b: {  	[tilespmem:s24+$0x0] =	vst v7  }
0x17c: {  	s26 =	sadd.s32 $0x20, s24;
	[tilespmem:s24+$0xFFFFFFF0] =	vst v0  }
0x17d: {  	[tilespmem:s26+$0xFFFFFFF0] =	vst v3  }
0x17e: {  	s15 =	simm.s32 $0x0;
	s24 =	simm.s32 $0x11110;
	[tilespmem:s26+$0x0] =	vst v1  }
0x17f: {  	s29 =	sand.u32 $0x7C0, s15;
	v2 =	vld [tilespmem:s24+$0x0]  }
0x180: {  	v3 =	vld [tilespmem:s29+$0x11100]  }
0x181: {  	v0 =	vld [tilespmem:s24+$0xFFFFFFD0];
	_ =	sdelay $0x2  }
0x182: {  	v1 =	vshrl.u32 v2, $0x10;
	v4 =	vshra.s32 v2, $0x1A;
	v5 =	vshrl.u32 v2, $0xD  }
0x183: {  	v7 =	vshrl.u32 v3, $0x10;
	v51 =	vshra.s32 v3, $0x1A;
	v52 =	vshrl.u32 v3, $0xD  }
0x184: {  	v54 =	vshrl.u32 v0, $0xD;
	v57 =	vshll.u32 v2, $0x3;
	v12 =	vshrl.u32 v2, $0x3  }
0x185: {  	v2 =	vand.u32 $0xE07F, v2;
	v13 =	vshll.u32 v3, $0x3;
	v59 =	vshrl.u32 v3, $0x3  }
0x186: {  	v3 =	vand.u32 $0xE07F, v3;
	v1 =	vand.u32 $0x7F, v1;
	v6 =	vshll.u32 v4, $0xA  }
0x187: {  	v5 =	vand.u32 $0x1C00, v5;
	v4 =	vshll.u32 v4, $0x7;
	v7 =	vand.u32 $0x7F, v7  }
0x188: {  	v53 =	vshll.u32 v51, $0xA;
	v9 =	vand.u32 $0x1C00, v52;
	v8 =	vshll.u32 v51, $0x7  }
0x189: {  	v6 =	vand.u32 $0xFFFFE000, v6;
	v1 =	vor.u32 v5, v1;
	v4 =	vand.u32 $0x380, v4  }
0x18a: {  	v10 =	vand.u32 $0xFFFFE000, v53;
	v7 =	vor.u32 v9, v7;
	v6 =	vor.u32 v6, v1  }
0x18b: {  	v8 =	vand.u32 $0x380, v8;
	v7 =	vor.u32 v10, v7;
	v4 =	vor.u32 v4, v6  }
0x18c: {  	v11 =	vand.u32 $0x1C00, v57;
	v12 =	vand.u32 $0x380, v12;
	v7 =	vor.u32 v8, v7  }
0x18d: {  	v58 =	vand.u32 $0x1C00, v13;
	v13 =	vand.u32 $0x380, v59;
	v5 =	vshrl.u32 v0, $0x10;
	v1 =	vld [tilespmem:s24+$0xFFFFFFE0]  }
0x18e: {  	v2 =	vor.u32 v11, v2;
	v3 =	vor.u32 v58, v3;
	v6 =	vshra.s32 v0, $0x1A  }
0x18f: {  	v9 =	vand.u32 $0x1C00, v54;
	v5 =	vand.u32 $0x7F, v5;
	v61 =	vshll.u32 v6, $0xA  }
0x190: {  	v2 =	vor.u32 v12, v2;
	v5 =	vor.u32 v9, v5;
	v12 =	vand.u32 $0xFFFFE000, v61;
	v4 =	vld.idx.msk [tilespmem:v4+s28+$0x0], $0xffff  }
0x191: {  	v3 =	vor.u32 v13, v3;
	v6 =	vshll.u32 v6, $0x7;
	v5 =	vor.u32 v12, v5;
	v7 =	vld.idx.msk [tilespmem:v7+s28+$0x0], $0xffff  }
0x192: {  	v55 =	vshrl.u32 v1, $0x10;
	v56 =	vshra.s32 v1, $0x1A;
	v60 =	vshrl.u32 v1, $0xD  }
0x193: {  	v8 =	vand.u32 $0x7F, v55;
	v62 =	vshll.u32 v56, $0xA;
	v11 =	vand.u32 $0x1C00, v60  }
0x194: {  	v10 =	vshll.u32 v56, $0x7;
	v63 =	vand.u32 $0xFFFFE000, v62;
	v8 =	vor.u32 v11, v8  }
0x195: {  	v8 =	vor.u32 v63, v8;
	[tilespmem:v2+s28+$0x0] =	vst.idx.msk $0xffff, v4;
	v2 =	vand.u32 $0x380, v6;
	v6 =	vand.u32 $0x380, v10  }
0x196: {  	s21 =	simm.s32 $0x11730;
	s26 =	simm.s32 $0x11150;
	s24 =	simm.s32 $0x0;
	[tilespmem:v3+s28+$0x0] =	vst.idx.msk $0xffff, v7;
	v4 =	vshll.u32 v0, $0x3;
	v3 =	vor.u32 v2, v5;
	v2 =	vor.u32 v6, v8  }
.LBB2_17:
0x197: {  	v5 =	vld [tilespmem:s26+$0x0];
	v4 =	vand.u32 $0x1C00, v4;
	v6 =	vshrl.u32 v0, $0x3;
	v7 =	vshll.u32 v1, $0x3  }
0x198: {  	v9 =	vand.u32 $0xE07F, v0;
	v10 =	vshrl.u32 v1, $0x3;
	v8 =	vld [tilespmem:s26+$0xFFFFFFE0];
	v7 =	vand.u32 $0x1C00, v7  }
0x199: {  	v1 =	vand.u32 $0xE07F, v1;
	s15 =	sadd.s32 $0x40, s15;
	v6 =	vand.u32 $0x380, v6;
	v4 =	vor.u32 v4, v9;
	v0 =	vld [tilespmem:s26+$0xFFFFFFD0]  }
0x19a: {  	s24 =	sadd.s32 $0x4, s24;
	s29 =	sand.u32 $0x7C0, s15;
	v4 =	vor.u32 v6, v4;
	v6 =	vand.u32 $0x380, v10;
	v1 =	vor.u32 v7, v1  }
0x19b: {  	p0 =	slt.u32 s24, $0x60;
	v6 =	vor.u32 v6, v1;
	v7 =	vld [tilespmem:s29+$0x11100]  }
0x19c: {  	v13 =	vshrl.u32 v5, $0x10;
	v9 =	vshra.s32 v5, $0x1A;
	v10 =	vshrl.u32 v5, $0xD;
	v3 =	vld.idx.msk [tilespmem:v3+s28+$0x0], $0xffff  }
0x19d: {  	v11 =	vand.u32 $0x7F, v13;
	v12 =	vshll.u32 v9, $0xA;
	v10 =	vand.u32 $0x1C00, v10;
	v2 =	vld.idx.msk [tilespmem:v2+s28+$0x0], $0xffff;
	v1 =	vmovc v8  }
0x19e: {  	v9 =	vshll.u32 v9, $0x7;
	v8 =	vand.u32 $0xFFFFE000, v12;
	v10 =	vor.u32 v10, v11  }
0x19f: {  	v11 =	vshrl.u32 v0, $0x10;
	v9 =	vand.u32 $0x380, v9;
	v8 =	vor.u32 v8, v10  }
0x1a0: {  	v10 =	vshrl.u32 v7, $0x10;
	v12 =	vshra.s32 v7, $0x1A;
	v13 =	vshrl.u32 v7, $0xD  }
0x1a1: {  	v10 =	vand.u32 $0x7F, v10;
	v14 =	vshll.u32 v12, $0xA;
	v13 =	vand.u32 $0x1C00, v13  }
0x1a2: {  	v12 =	vshll.u32 v12, $0x7;
	v14 =	vand.u32 $0xFFFFE000, v14;
	v10 =	vor.u32 v13, v10;
	[tilespmem:v4+s28+$0x0] =	vst.idx.msk $0xffff, v3  }
0x1a3: {  	v8 =	vor.u32 v9, v8;
	v3 =	vand.u32 $0x380, v12;
	v4 =	vor.u32 v14, v10;
	[tilespmem:v6+s28+$0x0] =	vst.idx.msk $0xffff, v2  }
0x1a4: {  	v2 =	vshra.s32 v0, $0x1A;
	v6 =	vshrl.u32 v0, $0xD;
	v3 =	vor.u32 v3, v4  }
0x1a5: {  	v9 =	vshra.s32 v1, $0x1A;
	v10 =	vshll.u32 v5, $0x3;
	v4 =	vshrl.u32 v1, $0x10  }
0x1a6: {  	v12 =	vshrl.u32 v5, $0x3;
	v5 =	vand.u32 $0xE07F, v5;
	v10 =	vand.u32 $0x1C00, v10  }
0x1a7: {  	v13 =	vshll.u32 v7, $0x3;
	v12 =	vand.u32 $0x380, v12;
	v5 =	vor.u32 v10, v5  }
0x1a8: {  	v10 =	vand.u32 $0x1C00, v13;
	v13 =	vshrl.u32 v7, $0x3;
	v7 =	vand.u32 $0xE07F, v7;
	v8 =	vld.idx.msk [tilespmem:v8+s28+$0x0], $0xffff  }
0x1a9: {  	v13 =	vand.u32 $0x380, v13;
	v7 =	vor.u32 v10, v7;
	v5 =	vor.u32 v12, v5;
	v3 =	vld.idx.msk [tilespmem:v3+s28+$0x0], $0xffff  }
0x1aa: {  	v10 =	vand.u32 $0x7F, v11;
	v11 =	vshrl.u32 v1, $0xD;
	v7 =	vor.u32 v13, v7  }
0x1ab: {  	v6 =	vand.u32 $0x1C00, v6;
	v4 =	vand.u32 $0x7F, v4;
	v12 =	vshll.u32 v2, $0xA  }
.Ltmp7:
0x1ac: {  	v12 =	vand.u32 $0xFFFFE000, v12;
	v13 =	vshll.u32 v9, $0xA;
	v11 =	vand.u32 $0x1C00, v11;
	(pc) =	sbr.rel @p0 .LBB2_17-.Ltmp7, $4  }
0x1ad: {  	v6 =	vor.u32 v6, v10;
	v10 =	vand.u32 $0xFFFFE000, v13;
	v4 =	vor.u32 v11, v4  }
0x1ae: {  	v2 =	vshll.u32 v2, $0x7;
	v9 =	vshll.u32 v9, $0x7;
	v6 =	vor.u32 v12, v6;
	[tilespmem:v5+s28+$0x0] =	vst.idx.msk $0xffff, v8  }
0x1af: {  	v2 =	vand.u32 $0x380, v2;
	v5 =	vand.u32 $0x380, v9;
	v8 =	vor.u32 v10, v4;
	[tilespmem:v7+s28+$0x0] =	vst.idx.msk $0xffff, v3  }
0x1b0: {  	s26 =	sadd.s32 $0x40, s26;
	v4 =	vshll.u32 v0, $0x3;
	v3 =	vor.u32 v2, v6;
	v2 =	vor.u32 v5, v8  }
0x1b1: {  	_ = 	snop  }
0x1b2: {  	v4 =	vand.u32 $0x1C00, v4;
	v5 =	vshrl.u32 v0, $0x3;
	v6 =	vshll.u32 v1, $0x3  }
0x1b3: {  	v0 =	vand.u32 $0xE07F, v0;
	v7 =	vshrl.u32 v1, $0x3;
	v1 =	vand.u32 $0xE07F, v1  }
0x1b4: {  	v6 =	vand.u32 $0x1C00, v6;
	v5 =	vand.u32 $0x380, v5;
	v0 =	vor.u32 v4, v0  }
0x1b5: {  	v3 =	vld.idx.msk [tilespmem:v3+s28+$0x0], $0xffff;
	v4 =	vand.u32 $0x380, v7;
	v0 =	vor.u32 v5, v0;
	v1 =	vor.u32 v6, v1  }
0x1b6: {  	v2 =	vld.idx.msk [tilespmem:v2+s28+$0x0], $0xffff;
	v1 =	vor.u32 v4, v1;
	_ =	sdelay $0x3  }
0x1b7: {  	[tilespmem:v0+s28+$0x0] =	vst.idx.msk $0xffff, v3  }
0x1b8: {  	[tilespmem:v1+s28+$0x0] =	vst.idx.msk $0xffff, v2  }
0x1b9: {  	v0 =	vld [tilespmem:s21+$0x0]  }
0x1ba: {  	v1 =	vld [tilespmem:s21+$0xFFFFFFF0]  }
0x1bb: {  	s15 =	simm.s32 $0x11750  }
0x1bc: {  	v7 =	vld [tilespmem:s15+$0x0]  }
0x1bd: {  	v9 =	vld [tilespmem:s15+$0xFFFFFFF0];
	_ =	sdelay $0x1  }
0x1be: {  	v2 =	vshra.s32 v0, $0x10;
	v3 =	vshll.u32 v1, $0x3  }
0x1bf: {  	v6 =	vshra.s32 v1, $0x10;
	v4 =	vand.u32 $0xE07F, v1;
	v5 =	vshll.u32 v0, $0x3  }
0x1c0: {  	v8 =	vshrl.u32 v0, $0x3;
	v0 =	vand.u32 $0xE07F, v0;
	v1 =	vshrl.u32 v1, $0x3  }
0x1c1: {  	v10 =	vand.u32 $0xE07F, v9;
	v11 =	vshll.u32 v7, $0x3;
	v3 =	vand.u32 $0x1C00, v3  }
0x1c2: {  	v13 =	vand.u32 $0xE07F, v7;
	v3 =	vor.u32 v3, v4;
	v4 =	vand.u32 $0x1C00, v5  }
0x1c3: {  	v5 =	vand.u32 $0x380, v8;
	v8 =	vand.u32 $0x380, v1;
	v0 =	vor.u32 v4, v0;
	v2 =	vld.idx.msk [tilespmem:v2+s3+$0x0], $0xffff  }
0x1c4: {  	s29 =	simm.s32 $0x11770;
	v4 =	vshra.s32 v7, $0x10;
	v1 =	vor.u32 v5, v0;
	v0 =	vor.u32 v8, v3;
	v3 =	vld.idx.msk [tilespmem:v6+s3+$0x0], $0xffff  }
0x1c5: {  	v11 =	vand.u32 $0x1C00, v11;
	v5 =	vshra.s32 v9, $0x10;
	v8 =	vshll.u32 v9, $0x3;
	v6 =	vld [tilespmem:s29+$0x0]  }
0x1c6: {  	v12 =	vshrl.u32 v7, $0x3;
	v11 =	vor.u32 v11, v13;
	v7 =	vld [tilespmem:s29+$0xFFFFFFF0];
	v8 =	vand.u32 $0x1C00, v8  }
0x1c7: {  	s15 =	simm.s32 $0x4;
	s21 =	simm.s32 $0x11790;
	v8 =	vor.u32 v8, v10;
	v10 =	vshrl.u32 v9, $0x3;
	v9 =	vand.u32 $0x380, v12  }
.LBB2_19:
0x1c8: {  	s15 =	sadd.s32 $0x2, s15  }
0x1c9: {  	v10 =	vand.u32 $0x380, v10;
	[tilespmem:v1+s28+$0x0] =	vst.idx.msk $0xffff, v2;
	v1 =	vor.u32 v9, v11;
	v2 =	vld.idx.msk [tilespmem:v4+s3+$0x0], $0xffff;
	p0 =	slt.u32 s15, $0xC  }
.Ltmp8:
0x1ca: {  	v4 =	vshra.s32 v6, $0x10;
	[tilespmem:v0+s28+$0x0] =	vst.idx.msk $0xffff, v3;
	v0 =	vor.u32 v10, v8;
	v3 =	vld.idx.msk [tilespmem:v5+s3+$0x0], $0xffff;
	v9 =	vmov v6;
	(pc) =	sbr.rel @p0 .LBB2_19-.Ltmp8, $4  }
0x1cb: {  	v6 =	vld [tilespmem:s21+$0x0];
	v5 =	vshra.s32 v7, $0x10;
	v8 =	vshll.u32 v7, $0x3;
	v10 =	vand.u32 $0xE07F, v7;
	v11 =	vmovc v7  }
0x1cc: {  	v12 =	vshll.u32 v9, $0x3;
	v13 =	vshrl.u32 v9, $0x3;
	v7 =	vld [tilespmem:s21+$0xFFFFFFF0];
	v8 =	vand.u32 $0x1C00, v8  }
0x1cd: {  	v14 =	vand.u32 $0xE07F, v9;
	v12 =	vand.u32 $0x1C00, v12;
	v8 =	vor.u32 v8, v10  }
0x1ce: {  	s21 =	sadd.s32 $0x20, s21;
	v9 =	vand.u32 $0x380, v13;
	v10 =	vshrl.u32 v11, $0x3;
	v11 =	vor.u32 v12, v14  }
0x1cf: {  	_ = 	snop  }
0x1d0: {  	v10 =	vand.u32 $0x380, v10;
	v9 =	vor.u32 v9, v11;
	v11 =	vshra.s32 v6, $0x10  }
0x1d1: {  	v8 =	vor.u32 v10, v8;
	v12 =	vshll.u32 v6, $0x3;
	v10 =	vshra.s32 v7, $0x10  }
0x1d2: {  	v14 =	vand.u32 $0xE07F, v6;
	v6 =	vshrl.u32 v6, $0x3;
	v13 =	vshll.u32 v7, $0x3  }
0x1d3: {  	v4 =	vld.idx.msk [tilespmem:v4+s3+$0x0], $0xffff;
	v12 =	vand.u32 $0x1C00, v12;
	v63 =	vand.u32 $0xE07F, v7;
	v7 =	vshrl.u32 v7, $0x3  }
0x1d4: {  	v5 =	vld.idx.msk [tilespmem:v5+s3+$0x0], $0xffff;
	v6 =	vand.u32 $0x380, v6;
	v12 =	vor.u32 v12, v14;
	v13 =	vand.u32 $0x1C00, v13  }
0x1d5: {  	v7 =	vand.u32 $0x380, v7;
	v13 =	vor.u32 v13, v63;
	v6 =	vor.u32 v6, v12;
	v11 =	vld.idx.msk [tilespmem:v11+s3+$0x0], $0xffff  }
0x1d6: {  	[tilespmem:v1+s28+$0x0] =	vst.idx.msk $0xffff, v2;
	v2 =	vor.u32 v7, v13;
	v1 =	vld.idx.msk [tilespmem:v10+s3+$0x0], $0xffff  }
0x1d7: {  	[tilespmem:v0+s28+$0x0] =	vst.idx.msk $0xffff, v3  }
0x1d8: {  	[tilespmem:v9+s28+$0x0] =	vst.idx.msk $0xffff, v4  }
0x1d9: {  	[tilespmem:v8+s28+$0x0] =	vst.idx.msk $0xffff, v5  }
0x1da: {  	[tilespmem:v6+s28+$0x0] =	vst.idx.msk $0xffff, v11  }
0x1db: {  	s15 =	sadd.s32 $0x1000, s7;
	[tilespmem:v2+s28+$0x0] =	vst.idx.msk $0xffff, v1  }
0x1dc: {  	[hbm4b:s15+s4] =	stream.linear.scatter [tilespmem:s28], [sflag:$0x7], $0x4000, $0x38;
	[tilespmem:$0x12100] =	vst v63  }
0x1dd: {  	_ =	swait.ge [sflag:s13], $0x4000  }
0x1de: {  	s26 =	sadd.s32 s6, s18;
	[sflag:s13] =	ssyncset.done $0x0  }
0x1df: {  	s21 =	sadd.s32 s1, s26;
	s15 =	sshrl.u32 s26, $0x3;
	[sflag:s13] =	ssyncadd.s32 $0xFFFFC000  }
0x1e0: {  	[tilespmem:s28], [sflag:$0x3] =	stream.linear.gather [hbm4b:s21+s4], $0x4000, $0x38;
	[tilespmem:$0x12100] =	vst v63  }
0x1e1: {  	s29 =	simm.s32 $0x11000;
	s15 =	sadd.s32 s5, s15  }
0x1e2: {  	[tilespmem:s29], [sflag:$0x3] =	stream.linear.gather [hbm4b:s15+s4], $0x800, $0x38;
	[tilespmem:$0x12100] =	vst v63  }
0x1e3: {  	_ =	swait.ge [sflag:s14], $0x4000  }
0x1e4: {  	[sflag:s14] =	ssyncset.done $0x0  }
0x1e5: {  	[sflag:s14] =	ssyncadd.s32 $0xFFFFC000  }
0x1e6: {  	_ =	swait.ge [sflag:s14], $0x800  }
0x1e7: {  	[sflag:s14] =	ssyncset.done $0x0  }
0x1e8: {  	s24 =	simm.s32 $0x11810;
	[sflag:s14] =	ssyncadd.s32 $0xFFFFF800  }
0x1e9: {  	v0 =	vld [tilespmem:s24+$0xFFFFFFF0]  }
0x1ea: {  	v1 =	vld [tilespmem:s24+$0x0];
	_ =	sdelay $0x2  }
0x1eb: {  	s26 =	simm.s32 $0x11830  }
0x1ec: {  	v4 =	vld [tilespmem:s26+$0xFFFFFFF0];
	v2 =	vshll.u32 v0, $0x3;
	v3 =	vshrl.u32 v0, $0x3;
	v0 =	vand.u32 $0xFFFFE07F, v0  }
0x1ed: {  	v7 =	vld [tilespmem:s26+$0x0];
	v5 =	vshll.u32 v1, $0x3;
	v6 =	vshrl.u32 v1, $0x3;
	v2 =	vand.u32 $0x1C00, v2  }
0x1ee: {  	v1 =	vand.u32 $0xFFFFE07F, v1;
	v0 =	vor.u32 v2, v0;
	v2 =	vand.u32 $0x1C00, v5  }
0x1ef: {  	s29 =	simm.s32 $0x11850;
	v3 =	vand.u32 $0x380, v3;
	v5 =	vand.u32 $0x380, v6;
	v1 =	vor.u32 v2, v1  }
0x1f0: {  	v10 =	vld [tilespmem:s29+$0x0];
	v6 =	vor.u32 v3, v0;
	v0 =	vor.u32 v5, v1  }
0x1f1: {  	v2 =	vshrl.u32 v4, $0x3;
	v3 =	vand.u32 $0xFFFFE07F, v4;
	v1 =	vshll.u32 v4, $0x3;
	v4 =	vld [tilespmem:s29+$0xFFFFFFF0]  }
0x1f2: {  	v8 =	vshrl.u32 v7, $0x3;
	v5 =	vshll.u32 v7, $0x3;
	v1 =	vand.u32 $0x1C00, v1  }
0x1f3: {  	v1 =	vor.u32 v1, v3;
	v3 =	vand.u32 $0x1C00, v5;
	v5 =	vand.u32 $0xFFFFE07F, v7  }
0x1f4: {  	v7 =	vand.u32 $0x380, v8;
	v3 =	vor.u32 v3, v5  }
0x1f5: {  	v11 =	vshll.u32 v10, $0x3;
	v2 =	vand.u32 $0x380, v2;
	v3 =	vor.u32 v7, v3;
	v0 =	vld.idx.msk [tilespmem:v0+s30+$0x0], $0xffff  }
0x1f6: {  	s24 =	simm.s32 $0x11870;
	v8 =	vshrl.u32 v10, $0x3;
	v2 =	vor.u32 v2, v1;
	v1 =	vld.idx.msk [tilespmem:v6+s30+$0x0], $0xffff;
	v5 =	vshll.u32 v4, $0x3  }
0x1f7: {  	v6 =	vshrl.u32 v4, $0x3;
	v7 =	vand.u32 $0xFFFFE07F, v4;
	v4 =	vld [tilespmem:s24+$0xFFFFFFF0];
	v9 =	vand.u32 $0x1C00, v5  }
0x1f8: {  	s21 =	simm.s32 $0x12010;
	s15 =	simm.s32 $0x12010;
	s26 =	simm.s32 $0x6;
	v10 =	vand.u32 $0xFFFFE07F, v10;
	v5 =	vld [tilespmem:s24+$0x0];
	v7 =	vor.u32 v9, v7;
	v9 =	vand.u32 $0x1C00, v11  }
.LBB2_21:
0x1f9: {  	s26 =	sadd.s32 $0x2, s26  }
0x1fa: {  	v6 =	vand.u32 $0x380, v6;
	v8 =	vand.u32 $0x380, v8;
	v9 =	vor.u32 v9, v10;
	[tilespmem:s15+$0x0] =	vst v0;
	v0 =	vld.idx.msk [tilespmem:v3+s30+$0x0], $0xffff;
	s21 =	sadd.s32 $0x20, s21;
	p0 =	slt.u32 s26, $0xC  }
.Ltmp9:
0x1fb: {  	v3 =	vor.u32 v8, v9;
	[tilespmem:s15+$0xFFFFFFF0] =	vst v1;
	v1 =	vld.idx.msk [tilespmem:v2+s30+$0x0], $0xffff;
	v2 =	vor.u32 v6, v7;
	s15 =	smov.u32 s21;
	(pc) =	sbr.rel @p0 .LBB2_21-.Ltmp9, $4  }
0x1fc: {  	_ = 	snop  }
0x1fd: {  	s24 =	sadd.s32 $0x20, s24;
	v7 =	vshll.u32 v4, $0x3;
	v6 =	vshrl.u32 v4, $0x3;
	v9 =	vand.u32 $0xFFFFE07F, v4  }
0x1fe: {  	v4 =	vld [tilespmem:s24+$0xFFFFFFF0];
	v7 =	vand.u32 $0x1C00, v7;
	v10 =	vshll.u32 v5, $0x3;
	v8 =	vshrl.u32 v5, $0x3  }
0x1ff: {  	v7 =	vor.u32 v7, v9;
	v9 =	vand.u32 $0x1C00, v10;
	v10 =	vand.u32 $0xFFFFE07F, v5;
	v5 =	vld [tilespmem:s24+$0x0]  }
0x200: {  	_ =	sdelay $0x1  }
0x201: {  	v6 =	vand.u32 $0x380, v6;
	v8 =	vand.u32 $0x380, v8;
	v9 =	vor.u32 v9, v10  }
0x202: {  	v6 =	vor.u32 v6, v7;
	v7 =	vor.u32 v8, v9;
	v47 =	vshll.u32 v4, $0x3  }
0x203: {  	v48 =	vshrl.u32 v4, $0x3;
	v4 =	vand.u32 $0xFFFFE07F, v4;
	v49 =	vshll.u32 v5, $0x3  }
0x204: {  	v11 =	vshrl.u32 v5, $0x3;
	v5 =	vand.u32 $0xFFFFE07F, v5;
	v8 =	vand.u32 $0x1C00, v47  }
0x205: {  	v50 =	vand.u32 $0x380, v48;
	v10 =	vand.u32 $0x1C00, v49;
	v4 =	vor.u32 v8, v4  }
0x206: {  	v3 =	vld.idx.msk [tilespmem:v3+s30+$0x0], $0xffff;
	v11 =	vand.u32 $0x380, v11;
	v5 =	vor.u32 v10, v5;
	v4 =	vor.u32 v50, v4  }
0x207: {  	v5 =	vor.u32 v11, v5  }
0x208: {  	v2 =	vld.idx.msk [tilespmem:v2+s30+$0x0], $0xffff  }
0x209: {  	v7 =	vld.idx.msk [tilespmem:v7+s30+$0x0], $0xffff  }
0x20a: {  	[tilespmem:s15+$0x0] =	vst v0;
	s21 =	sadd.s32 $0x20, s21;
	v0 =	vld.idx.msk [tilespmem:v6+s30+$0x0], $0xffff  }
0x20b: {  	[tilespmem:s21+$0x0] =	vst v3;
	v3 =	vld.idx.msk [tilespmem:v4+s30+$0x0], $0xffff  }
0x20c: {  	[tilespmem:s15+$0xFFFFFFF0] =	vst v1;
	v1 =	vld.idx.msk [tilespmem:v5+s30+$0x0], $0xffff  }
0x20d: {  	s24 =	sadd.s32 $0x20, s21;
	[tilespmem:s21+$0xFFFFFFF0] =	vst v2  }
0x20e: {  	[tilespmem:s24+$0x0] =	vst v7  }
0x20f: {  	s26 =	sadd.s32 $0x20, s24;
	[tilespmem:s24+$0xFFFFFFF0] =	vst v0  }
0x210: {  	[tilespmem:s26+$0xFFFFFFF0] =	vst v3  }
0x211: {  	s15 =	simm.s32 $0x0;
	s24 =	simm.s32 $0x11910;
	[tilespmem:s26+$0x0] =	vst v1  }
0x212: {  	s29 =	sand.u32 $0x7C0, s15;
	v2 =	vld [tilespmem:s24+$0x0]  }
0x213: {  	v3 =	vld [tilespmem:s29+$0x11900]  }
0x214: {  	v0 =	vld [tilespmem:s24+$0xFFFFFFD0];
	_ =	sdelay $0x2  }
0x215: {  	v1 =	vshrl.u32 v2, $0x10;
	v4 =	vshra.s32 v2, $0x1A;
	v5 =	vshrl.u32 v2, $0xD  }
0x216: {  	v7 =	vshrl.u32 v3, $0x10;
	v51 =	vshra.s32 v3, $0x1A;
	v52 =	vshrl.u32 v3, $0xD  }
0x217: {  	v54 =	vshrl.u32 v0, $0xD;
	v57 =	vshll.u32 v2, $0x3;
	v12 =	vshrl.u32 v2, $0x3  }
0x218: {  	v2 =	vand.u32 $0xE07F, v2;
	v13 =	vshll.u32 v3, $0x3;
	v59 =	vshrl.u32 v3, $0x3  }
0x219: {  	v3 =	vand.u32 $0xE07F, v3;
	v1 =	vand.u32 $0x7F, v1;
	v6 =	vshll.u32 v4, $0xA  }
0x21a: {  	v5 =	vand.u32 $0x1C00, v5;
	v4 =	vshll.u32 v4, $0x7;
	v7 =	vand.u32 $0x7F, v7  }
0x21b: {  	v53 =	vshll.u32 v51, $0xA;
	v9 =	vand.u32 $0x1C00, v52;
	v8 =	vshll.u32 v51, $0x7  }
0x21c: {  	v6 =	vand.u32 $0xFFFFE000, v6;
	v1 =	vor.u32 v5, v1;
	v4 =	vand.u32 $0x380, v4  }
0x21d: {  	v10 =	vand.u32 $0xFFFFE000, v53;
	v7 =	vor.u32 v9, v7;
	v6 =	vor.u32 v6, v1  }
0x21e: {  	v8 =	vand.u32 $0x380, v8;
	v7 =	vor.u32 v10, v7;
	v4 =	vor.u32 v4, v6  }
0x21f: {  	v11 =	vand.u32 $0x1C00, v57;
	v12 =	vand.u32 $0x380, v12;
	v7 =	vor.u32 v8, v7  }
0x220: {  	v58 =	vand.u32 $0x1C00, v13;
	v13 =	vand.u32 $0x380, v59;
	v5 =	vshrl.u32 v0, $0x10;
	v1 =	vld [tilespmem:s24+$0xFFFFFFE0]  }
0x221: {  	v2 =	vor.u32 v11, v2;
	v3 =	vor.u32 v58, v3;
	v6 =	vshra.s32 v0, $0x1A  }
0x222: {  	v9 =	vand.u32 $0x1C00, v54;
	v5 =	vand.u32 $0x7F, v5;
	v61 =	vshll.u32 v6, $0xA  }
0x223: {  	v2 =	vor.u32 v12, v2;
	v5 =	vor.u32 v9, v5;
	v12 =	vand.u32 $0xFFFFE000, v61;
	v4 =	vld.idx.msk [tilespmem:v4+s30+$0x0], $0xffff  }
0x224: {  	v3 =	vor.u32 v13, v3;
	v6 =	vshll.u32 v6, $0x7;
	v5 =	vor.u32 v12, v5;
	v7 =	vld.idx.msk [tilespmem:v7+s30+$0x0], $0xffff  }
0x225: {  	v55 =	vshrl.u32 v1, $0x10;
	v56 =	vshra.s32 v1, $0x1A;
	v60 =	vshrl.u32 v1, $0xD  }
0x226: {  	v8 =	vand.u32 $0x7F, v55;
	v62 =	vshll.u32 v56, $0xA;
	v11 =	vand.u32 $0x1C00, v60  }
0x227: {  	v10 =	vshll.u32 v56, $0x7;
	v63 =	vand.u32 $0xFFFFE000, v62;
	v8 =	vor.u32 v11, v8  }
0x228: {  	v8 =	vor.u32 v63, v8;
	[tilespmem:v2+s30+$0x0] =	vst.idx.msk $0xffff, v4;
	v2 =	vand.u32 $0x380, v6;
	v6 =	vand.u32 $0x380, v10  }
0x229: {  	s21 =	simm.s32 $0x11F30;
	s26 =	simm.s32 $0x11950;
	s24 =	simm.s32 $0x0;
	[tilespmem:v3+s30+$0x0] =	vst.idx.msk $0xffff, v7;
	v4 =	vshll.u32 v0, $0x3;
	v3 =	vor.u32 v2, v5;
	v2 =	vor.u32 v6, v8  }
.LBB2_23:
0x22a: {  	v5 =	vld [tilespmem:s26+$0x0];
	v4 =	vand.u32 $0x1C00, v4;
	v6 =	vshrl.u32 v0, $0x3;
	v7 =	vshll.u32 v1, $0x3  }
0x22b: {  	v9 =	vand.u32 $0xE07F, v0;
	v10 =	vshrl.u32 v1, $0x3;
	v8 =	vld [tilespmem:s26+$0xFFFFFFE0];
	v7 =	vand.u32 $0x1C00, v7  }
0x22c: {  	v1 =	vand.u32 $0xE07F, v1;
	s15 =	sadd.s32 $0x40, s15;
	v6 =	vand.u32 $0x380, v6;
	v4 =	vor.u32 v4, v9;
	v0 =	vld [tilespmem:s26+$0xFFFFFFD0]  }
0x22d: {  	s24 =	sadd.s32 $0x4, s24;
	s29 =	sand.u32 $0x7C0, s15;
	v4 =	vor.u32 v6, v4;
	v6 =	vand.u32 $0x380, v10;
	v1 =	vor.u32 v7, v1  }
0x22e: {  	p0 =	slt.u32 s24, $0x60;
	v6 =	vor.u32 v6, v1;
	v7 =	vld [tilespmem:s29+$0x11900]  }
0x22f: {  	v13 =	vshrl.u32 v5, $0x10;
	v9 =	vshra.s32 v5, $0x1A;
	v10 =	vshrl.u32 v5, $0xD;
	v3 =	vld.idx.msk [tilespmem:v3+s30+$0x0], $0xffff  }
0x230: {  	v11 =	vand.u32 $0x7F, v13;
	v12 =	vshll.u32 v9, $0xA;
	v10 =	vand.u32 $0x1C00, v10;
	v2 =	vld.idx.msk [tilespmem:v2+s30+$0x0], $0xffff;
	v1 =	vmovc v8  }
0x231: {  	v9 =	vshll.u32 v9, $0x7;
	v8 =	vand.u32 $0xFFFFE000, v12;
	v10 =	vor.u32 v10, v11  }
0x232: {  	v11 =	vshrl.u32 v0, $0x10;
	v9 =	vand.u32 $0x380, v9;
	v8 =	vor.u32 v8, v10  }
0x233: {  	v10 =	vshrl.u32 v7, $0x10;
	v12 =	vshra.s32 v7, $0x1A;
	v13 =	vshrl.u32 v7, $0xD  }
0x234: {  	v10 =	vand.u32 $0x7F, v10;
	v14 =	vshll.u32 v12, $0xA;
	v13 =	vand.u32 $0x1C00, v13  }
0x235: {  	v12 =	vshll.u32 v12, $0x7;
	v14 =	vand.u32 $0xFFFFE000, v14;
	v10 =	vor.u32 v13, v10;
	[tilespmem:v4+s30+$0x0] =	vst.idx.msk $0xffff, v3  }
0x236: {  	v8 =	vor.u32 v9, v8;
	v3 =	vand.u32 $0x380, v12;
	v4 =	vor.u32 v14, v10;
	[tilespmem:v6+s30+$0x0] =	vst.idx.msk $0xffff, v2  }
0x237: {  	v2 =	vshra.s32 v0, $0x1A;
	v6 =	vshrl.u32 v0, $0xD;
	v3 =	vor.u32 v3, v4  }
0x238: {  	v9 =	vshra.s32 v1, $0x1A;
	v10 =	vshll.u32 v5, $0x3;
	v4 =	vshrl.u32 v1, $0x10  }
0x239: {  	v12 =	vshrl.u32 v5, $0x3;
	v5 =	vand.u32 $0xE07F, v5;
	v10 =	vand.u32 $0x1C00, v10  }
0x23a: {  	v13 =	vshll.u32 v7, $0x3;
	v12 =	vand.u32 $0x380, v12;
	v5 =	vor.u32 v10, v5  }
0x23b: {  	v10 =	vand.u32 $0x1C00, v13;
	v13 =	vshrl.u32 v7, $0x3;
	v7 =	vand.u32 $0xE07F, v7;
	v8 =	vld.idx.msk [tilespmem:v8+s30+$0x0], $0xffff  }
0x23c: {  	v13 =	vand.u32 $0x380, v13;
	v7 =	vor.u32 v10, v7;
	v5 =	vor.u32 v12, v5;
	v3 =	vld.idx.msk [tilespmem:v3+s30+$0x0], $0xffff  }
0x23d: {  	v10 =	vand.u32 $0x7F, v11;
	v11 =	vshrl.u32 v1, $0xD;
	v7 =	vor.u32 v13, v7  }
0x23e: {  	v6 =	vand.u32 $0x1C00, v6;
	v4 =	vand.u32 $0x7F, v4;
	v12 =	vshll.u32 v2, $0xA  }
.Ltmp10:
0x23f: {  	v12 =	vand.u32 $0xFFFFE000, v12;
	v13 =	vshll.u32 v9, $0xA;
	v11 =	vand.u32 $0x1C00, v11;
	(pc) =	sbr.rel @p0 .LBB2_23-.Ltmp10, $4  }
0x240: {  	v6 =	vor.u32 v6, v10;
	v10 =	vand.u32 $0xFFFFE000, v13;
	v4 =	vor.u32 v11, v4  }
0x241: {  	v2 =	vshll.u32 v2, $0x7;
	v9 =	vshll.u32 v9, $0x7;
	v6 =	vor.u32 v12, v6;
	[tilespmem:v5+s30+$0x0] =	vst.idx.msk $0xffff, v8  }
0x242: {  	v2 =	vand.u32 $0x380, v2;
	v5 =	vand.u32 $0x380, v9;
	v8 =	vor.u32 v10, v4;
	[tilespmem:v7+s30+$0x0] =	vst.idx.msk $0xffff, v3  }
0x243: {  	s26 =	sadd.s32 $0x40, s26;
	v4 =	vshll.u32 v0, $0x3;
	v3 =	vor.u32 v2, v6;
	v2 =	vor.u32 v5, v8  }
0x244: {  	_ = 	snop  }
0x245: {  	v4 =	vand.u32 $0x1C00, v4;
	v5 =	vshrl.u32 v0, $0x3;
	v6 =	vshll.u32 v1, $0x3  }
0x246: {  	v0 =	vand.u32 $0xE07F, v0;
	v7 =	vshrl.u32 v1, $0x3;
	v1 =	vand.u32 $0xE07F, v1  }
0x247: {  	v6 =	vand.u32 $0x1C00, v6;
	v5 =	vand.u32 $0x380, v5;
	v0 =	vor.u32 v4, v0  }
0x248: {  	v3 =	vld.idx.msk [tilespmem:v3+s30+$0x0], $0xffff;
	v4 =	vand.u32 $0x380, v7;
	v0 =	vor.u32 v5, v0;
	v1 =	vor.u32 v6, v1  }
0x249: {  	v2 =	vld.idx.msk [tilespmem:v2+s30+$0x0], $0xffff;
	v1 =	vor.u32 v4, v1;
	_ =	sdelay $0x3  }
0x24a: {  	[tilespmem:v0+s30+$0x0] =	vst.idx.msk $0xffff, v3  }
0x24b: {  	[tilespmem:v1+s30+$0x0] =	vst.idx.msk $0xffff, v2  }
0x24c: {  	v0 =	vld [tilespmem:s21+$0x0]  }
0x24d: {  	v1 =	vld [tilespmem:s21+$0xFFFFFFF0]  }
0x24e: {  	s15 =	simm.s32 $0x11F50  }
0x24f: {  	v7 =	vld [tilespmem:s15+$0x0]  }
0x250: {  	v9 =	vld [tilespmem:s15+$0xFFFFFFF0];
	_ =	sdelay $0x1  }
0x251: {  	v2 =	vshra.s32 v0, $0x10;
	v3 =	vshll.u32 v1, $0x3  }
0x252: {  	v6 =	vshra.s32 v1, $0x10;
	v4 =	vand.u32 $0xE07F, v1;
	v5 =	vshll.u32 v0, $0x3  }
0x253: {  	v8 =	vshrl.u32 v0, $0x3;
	v0 =	vand.u32 $0xE07F, v0;
	v1 =	vshrl.u32 v1, $0x3  }
0x254: {  	v10 =	vand.u32 $0xE07F, v9;
	v11 =	vshll.u32 v7, $0x3;
	v3 =	vand.u32 $0x1C00, v3  }
0x255: {  	v13 =	vand.u32 $0xE07F, v7;
	v3 =	vor.u32 v3, v4;
	v4 =	vand.u32 $0x1C00, v5  }
0x256: {  	v5 =	vand.u32 $0x380, v8;
	v8 =	vand.u32 $0x380, v1;
	v0 =	vor.u32 v4, v0;
	v2 =	vld.idx.msk [tilespmem:v2+s3+$0x0], $0xffff  }
0x257: {  	s29 =	simm.s32 $0x11F70;
	v4 =	vshra.s32 v7, $0x10;
	v1 =	vor.u32 v5, v0;
	v0 =	vor.u32 v8, v3;
	v3 =	vld.idx.msk [tilespmem:v6+s3+$0x0], $0xffff  }
0x258: {  	v11 =	vand.u32 $0x1C00, v11;
	v5 =	vshra.s32 v9, $0x10;
	v8 =	vshll.u32 v9, $0x3;
	v6 =	vld [tilespmem:s29+$0x0]  }
0x259: {  	v12 =	vshrl.u32 v7, $0x3;
	v11 =	vor.u32 v11, v13;
	v7 =	vld [tilespmem:s29+$0xFFFFFFF0];
	v8 =	vand.u32 $0x1C00, v8  }
0x25a: {  	s15 =	simm.s32 $0x4;
	s21 =	simm.s32 $0x11F90;
	v8 =	vor.u32 v8, v10;
	v10 =	vshrl.u32 v9, $0x3;
	v9 =	vand.u32 $0x380, v12  }
.LBB2_25:
0x25b: {  	s15 =	sadd.s32 $0x2, s15  }
0x25c: {  	v10 =	vand.u32 $0x380, v10;
	[tilespmem:v1+s30+$0x0] =	vst.idx.msk $0xffff, v2;
	v1 =	vor.u32 v9, v11;
	v2 =	vld.idx.msk [tilespmem:v4+s3+$0x0], $0xffff;
	p0 =	slt.u32 s15, $0xC  }
.Ltmp11:
0x25d: {  	v4 =	vshra.s32 v6, $0x10;
	[tilespmem:v0+s30+$0x0] =	vst.idx.msk $0xffff, v3;
	v0 =	vor.u32 v10, v8;
	v3 =	vld.idx.msk [tilespmem:v5+s3+$0x0], $0xffff;
	v9 =	vmov v6;
	(pc) =	sbr.rel @p0 .LBB2_25-.Ltmp11, $4  }
0x25e: {  	v6 =	vld [tilespmem:s21+$0x0];
	v5 =	vshra.s32 v7, $0x10;
	v8 =	vshll.u32 v7, $0x3;
	v10 =	vand.u32 $0xE07F, v7;
	v11 =	vmovc v7  }
0x25f: {  	v12 =	vshll.u32 v9, $0x3;
	v13 =	vshrl.u32 v9, $0x3;
	v7 =	vld [tilespmem:s21+$0xFFFFFFF0];
	v8 =	vand.u32 $0x1C00, v8  }
0x260: {  	v14 =	vand.u32 $0xE07F, v9;
	v12 =	vand.u32 $0x1C00, v12;
	v8 =	vor.u32 v8, v10  }
0x261: {  	s21 =	sadd.s32 $0x20, s21;
	v9 =	vand.u32 $0x380, v13;
	v10 =	vshrl.u32 v11, $0x3;
	v11 =	vor.u32 v12, v14  }
0x262: {  	_ = 	snop  }
0x263: {  	v10 =	vand.u32 $0x380, v10;
	v9 =	vor.u32 v9, v11;
	v11 =	vshra.s32 v6, $0x10  }
0x264: {  	v8 =	vor.u32 v10, v8;
	v12 =	vshll.u32 v6, $0x3;
	v10 =	vshra.s32 v7, $0x10  }
0x265: {  	v14 =	vand.u32 $0xE07F, v6;
	v6 =	vshrl.u32 v6, $0x3;
	v13 =	vshll.u32 v7, $0x3  }
0x266: {  	v4 =	vld.idx.msk [tilespmem:v4+s3+$0x0], $0xffff;
	v12 =	vand.u32 $0x1C00, v12;
	v63 =	vand.u32 $0xE07F, v7;
	v7 =	vshrl.u32 v7, $0x3  }
0x267: {  	v5 =	vld.idx.msk [tilespmem:v5+s3+$0x0], $0xffff;
	v6 =	vand.u32 $0x380, v6;
	v12 =	vor.u32 v12, v14;
	v13 =	vand.u32 $0x1C00, v13  }
0x268: {  	v7 =	vand.u32 $0x380, v7;
	v13 =	vor.u32 v13, v63;
	v6 =	vor.u32 v6, v12;
	v11 =	vld.idx.msk [tilespmem:v11+s3+$0x0], $0xffff  }
0x269: {  	[tilespmem:v1+s30+$0x0] =	vst.idx.msk $0xffff, v2;
	v2 =	vor.u32 v7, v13;
	v1 =	vld.idx.msk [tilespmem:v10+s3+$0x0], $0xffff  }
0x26a: {  	[tilespmem:v0+s30+$0x0] =	vst.idx.msk $0xffff, v3  }
0x26b: {  	[tilespmem:v9+s30+$0x0] =	vst.idx.msk $0xffff, v4  }
0x26c: {  	[tilespmem:v8+s30+$0x0] =	vst.idx.msk $0xffff, v5  }
0x26d: {  	[tilespmem:v6+s30+$0x0] =	vst.idx.msk $0xffff, v11  }
0x26e: {  	s7 =	sadd.s32 $0x1800, s7;
	[tilespmem:v2+s30+$0x0] =	vst.idx.msk $0xffff, v1  }
0x26f: {  	[hbm4b:s7+s4] =	stream.linear.scatter [tilespmem:s30], [sflag:$0x8], $0x4000, $0x38;
	[tilespmem:$0x12100] =	vst v63  }
0x270: {  	_ =	swait.ge [sflag:s20], $0x4000  }
0x271: {  	s6 =	sadd.s32 s6, s19;
	[sflag:s20] =	ssyncset.done $0x0  }
0x272: {  	s21 =	sadd.s32 s1, s6;
	s6 =	sshrl.u32 s6, $0x3;
	[sflag:s20] =	ssyncadd.s32 $0xFFFFC000  }
0x273: {  	[tilespmem:s30], [sflag:$0x4] =	stream.linear.gather [hbm4b:s21+s4], $0x4000, $0x38;
	[tilespmem:$0x12100] =	vst v63  }
0x274: {  	s6 =	sadd.s32 s5, s6  }
0x275: {  	[tilespmem:s31], [sflag:$0x4] =	stream.linear.gather [hbm4b:s6+s4], $0x800, $0x38;
	[tilespmem:$0x12100] =	vst v63  }
0x276: {  	_ =	swait.ge [sflag:s0], $0x4000  }
0x277: {  	[sflag:s0] =	ssyncset.done $0x0  }
0x278: {  	[sflag:s0] =	ssyncadd.s32 $0xFFFFC000  }
0x279: {  	_ =	swait.ge [sflag:s0], $0x800  }
0x27a: {  	[sflag:s0] =	ssyncset.done $0x0  }
0x27b: {  	s24 =	simm.s32 $0x10010;
	[sflag:s0] =	ssyncadd.s32 $0xFFFFF800  }
0x27c: {  	v0 =	vld [tilespmem:s24+$0xFFFFFFF0]  }
0x27d: {  	v1 =	vld [tilespmem:s24+$0x0];
	_ =	sdelay $0x1  }
0x27e: {  	s26 =	simm.s32 $0x10030  }
0x27f: {  	v4 =	vld [tilespmem:s26+$0xFFFFFFF0]  }
0x280: {  	s29 =	simm.s32 $0x10050;
	v7 =	vld [tilespmem:s26+$0x0];
	v2 =	vshll.u32 v0, $0x3;
	v3 =	vshrl.u32 v0, $0x3  }
0x281: {  	v10 =	vld [tilespmem:s29+$0x0];
	v0 =	vand.u32 $0xFFFFE07F, v0;
	v5 =	vshll.u32 v1, $0x3;
	v6 =	vshrl.u32 v1, $0x3  }
0x282: {  	v1 =	vand.u32 $0xFFFFE07F, v1;
	v2 =	vand.u32 $0x1C00, v2;
	v3 =	vand.u32 $0x380, v3  }
0x283: {  	v0 =	vor.u32 v2, v0;
	v2 =	vand.u32 $0x1C00, v5;
	v5 =	vand.u32 $0x380, v6  }
0x284: {  	v1 =	vor.u32 v2, v1;
	v0 =	vor.u32 v3, v0;
	v2 =	vshrl.u32 v4, $0x3  }
0x285: {  	v3 =	vand.u32 $0xFFFFE07F, v4;
	v5 =	vor.u32 v5, v1;
	v1 =	vshll.u32 v4, $0x3;
	v4 =	vld [tilespmem:s29+$0xFFFFFFF0]  }
0x286: {  	v8 =	vshrl.u32 v7, $0x3;
	v11 =	vshll.u32 v10, $0x3  }
0x287: {  	v6 =	vshll.u32 v7, $0x3;
	v2 =	vand.u32 $0x380, v2;
	v1 =	vand.u32 $0x1C00, v1  }
0x288: {  	s6 =	simm.s32 $0x0;
	v3 =	vor.u32 v1, v3;
	v1 =	vand.u32 $0x1C00, v6;
	v6 =	vand.u32 $0xFFFFE07F, v7  }
0x289: {  	v7 =	vand.u32 $0x380, v8;
	v6 =	vor.u32 v1, v6;
	v3 =	vor.u32 v2, v3;
	v1 =	vld.idx.msk [tilespmem:v0+s6+$0x0], $0xffff  }
0x28a: {  	s21 =	simm.s32 $0x10070;
	v8 =	vshrl.u32 v10, $0x3;
	v2 =	vor.u32 v7, v6;
	v0 =	vld.idx.msk [tilespmem:v5+s6+$0x0], $0xffff;
	v7 =	vshll.u32 v4, $0x3  }
0x28b: {  	v10 =	vand.u32 $0xFFFFE07F, v10;
	v9 =	vand.u32 $0xFFFFE07F, v4;
	v5 =	vld [tilespmem:s21+$0xFFFFFFF0];
	v7 =	vand.u32 $0x1C00, v7  }
0x28c: {  	s15 =	simm.s32 $0x12010;
	s7 =	simm.s32 $0x12010;
	s24 =	simm.s32 $0x6;
	v6 =	vshrl.u32 v4, $0x3;
	v4 =	vld [tilespmem:s21+$0x0];
	v7 =	vor.u32 v7, v9;
	v9 =	vand.u32 $0x1C00, v11  }
.LBB2_27:
0x28d: {  	s24 =	sadd.s32 $0x2, s24  }
0x28e: {  	v6 =	vand.u32 $0x380, v6;
	v8 =	vand.u32 $0x380, v8;
	v9 =	vor.u32 v9, v10;
	[tilespmem:s7+$0xFFFFFFF0] =	vst v1;
	v1 =	vld.idx.msk [tilespmem:v3+s6+$0x0], $0xffff;
	s15 =	sadd.s32 $0x20, s15;
	p0 =	slt.u32 s24, $0xC  }
.Ltmp12:
0x28f: {  	v3 =	vor.u32 v6, v7;
	[tilespmem:s7+$0x0] =	vst v0;
	v0 =	vld.idx.msk [tilespmem:v2+s6+$0x0], $0xffff;
	v2 =	vor.u32 v8, v9;
	s7 =	smov.u32 s15;
	(pc) =	sbr.rel @p0 .LBB2_27-.Ltmp12, $4  }
0x290: {  	_ = 	snop  }
0x291: {  	s21 =	sadd.s32 $0x20, s21;
	v7 =	vshll.u32 v5, $0x3;
	v6 =	vshrl.u32 v5, $0x3;
	v9 =	vand.u32 $0xFFFFE07F, v5  }
0x292: {  	v5 =	vld [tilespmem:s21+$0xFFFFFFF0];
	v7 =	vand.u32 $0x1C00, v7;
	v10 =	vshll.u32 v4, $0x3;
	v8 =	vshrl.u32 v4, $0x3  }
0x293: {  	v7 =	vor.u32 v7, v9;
	v9 =	vand.u32 $0x1C00, v10;
	v10 =	vand.u32 $0xFFFFE07F, v4;
	v4 =	vld [tilespmem:s21+$0x0]  }
0x294: {  	_ =	sdelay $0x1  }
0x295: {  	v6 =	vand.u32 $0x380, v6;
	v8 =	vand.u32 $0x380, v8;
	v9 =	vor.u32 v9, v10  }
0x296: {  	v6 =	vor.u32 v6, v7;
	v7 =	vor.u32 v8, v9;
	v46 =	vshll.u32 v5, $0x3  }
0x297: {  	v47 =	vshrl.u32 v5, $0x3;
	v5 =	vand.u32 $0xFFFFE07F, v5;
	v8 =	vand.u32 $0x1C00, v46  }
0x298: {  	v48 =	vshll.u32 v4, $0x3;
	v11 =	vshrl.u32 v4, $0x3;
	v4 =	vand.u32 $0xFFFFE07F, v4  }
0x299: {  	v9 =	vand.u32 $0x380, v47;
	v5 =	vor.u32 v8, v5;
	v49 =	vand.u32 $0x1C00, v48  }
0x29a: {  	v50 =	vand.u32 $0x380, v11;
	v4 =	vor.u32 v49, v4;
	v5 =	vor.u32 v9, v5  }
0x29b: {  	v3 =	vld.idx.msk [tilespmem:v3+s6+$0x0], $0xffff;
	v4 =	vor.u32 v50, v4  }
0x29c: {  	v2 =	vld.idx.msk [tilespmem:v2+s6+$0x0], $0xffff;
	s29 =	simm.s32 $0x0  }
0x29d: {  	v6 =	vld.idx.msk [tilespmem:v6+s29+$0x0], $0xffff  }
0x29e: {  	[tilespmem:s7+$0xFFFFFFF0] =	vst v1;
	s6 =	simm.s32 $0x0;
	v1 =	vld.idx.msk [tilespmem:v7+s29+$0x0], $0xffff  }
0x29f: {  	s15 =	sadd.s32 $0x20, s15;
	[tilespmem:s7+$0x0] =	vst v0;
	v0 =	vld.idx.msk [tilespmem:v5+s6+$0x0], $0xffff  }
0x2a0: {  	[tilespmem:s15+$0xFFFFFFF0] =	vst v3;
	v3 =	vld.idx.msk [tilespmem:v4+s6+$0x0], $0xffff  }
0x2a1: {  	s21 =	sadd.s32 $0x20, s15;
	[tilespmem:s15+$0x0] =	vst v2  }
0x2a2: {  	[tilespmem:s21+$0xFFFFFFF0] =	vst v6  }
0x2a3: {  	s24 =	sadd.s32 $0x20, s21;
	[tilespmem:s21+$0x0] =	vst v1  }
0x2a4: {  	[tilespmem:s24+$0xFFFFFFF0] =	vst v0  }
0x2a5: {  	s26 =	simm.s32 $0x10110;
	[tilespmem:s24+$0x0] =	vst v3  }
0x2a6: {  	s29 =	sand.u32 $0x7C0, s6;
	v2 =	vld [tilespmem:s26+$0x0]  }
0x2a7: {  	v3 =	vld [tilespmem:s29+$0x10100]  }
0x2a8: {  	v0 =	vld [tilespmem:s26+$0xFFFFFFD0];
	_ =	sdelay $0x2  }
0x2a9: {  	v1 =	vshrl.u32 v2, $0x10;
	v4 =	vshra.s32 v2, $0x1A;
	v5 =	vshrl.u32 v2, $0xD  }
0x2aa: {  	v7 =	vshrl.u32 v3, $0x10;
	v51 =	vshra.s32 v3, $0x1A;
	v52 =	vshrl.u32 v3, $0xD  }
0x2ab: {  	v54 =	vshrl.u32 v0, $0xD;
	v57 =	vshll.u32 v2, $0x3;
	v12 =	vshrl.u32 v2, $0x3  }
0x2ac: {  	v2 =	vand.u32 $0xE07F, v2;
	v13 =	vshll.u32 v3, $0x3;
	v59 =	vshrl.u32 v3, $0x3  }
0x2ad: {  	v3 =	vand.u32 $0xE07F, v3;
	v1 =	vand.u32 $0x7F, v1;
	v6 =	vshll.u32 v4, $0xA  }
0x2ae: {  	v5 =	vand.u32 $0x1C00, v5;
	v4 =	vshll.u32 v4, $0x7;
	v7 =	vand.u32 $0x7F, v7  }
0x2af: {  	v53 =	vshll.u32 v51, $0xA;
	v9 =	vand.u32 $0x1C00, v52;
	v8 =	vshll.u32 v51, $0x7  }
0x2b0: {  	v6 =	vand.u32 $0xFFFFE000, v6;
	v1 =	vor.u32 v5, v1;
	v4 =	vand.u32 $0x380, v4  }
0x2b1: {  	v10 =	vand.u32 $0xFFFFE000, v53;
	v7 =	vor.u32 v9, v7;
	v6 =	vor.u32 v6, v1  }
0x2b2: {  	v8 =	vand.u32 $0x380, v8;
	v7 =	vor.u32 v10, v7;
	v4 =	vor.u32 v4, v6  }
0x2b3: {  	v11 =	vand.u32 $0x1C00, v57;
	v12 =	vand.u32 $0x380, v12;
	v7 =	vor.u32 v8, v7  }
0x2b4: {  	v58 =	vand.u32 $0x1C00, v13;
	v13 =	vand.u32 $0x380, v59;
	v5 =	vshrl.u32 v0, $0x10;
	v1 =	vld [tilespmem:s26+$0xFFFFFFE0]  }
0x2b5: {  	v2 =	vor.u32 v11, v2;
	v3 =	vor.u32 v58, v3;
	v6 =	vshra.s32 v0, $0x1A  }
0x2b6: {  	v9 =	vand.u32 $0x1C00, v54;
	v5 =	vand.u32 $0x7F, v5;
	v61 =	vshll.u32 v6, $0xA  }
0x2b7: {  	v2 =	vor.u32 v12, v2;
	v5 =	vor.u32 v9, v5;
	v12 =	vand.u32 $0xFFFFE000, v61;
	v4 =	vld.idx.msk [tilespmem:v4+s4+$0x0], $0xffff  }
0x2b8: {  	v3 =	vor.u32 v13, v3;
	v6 =	vshll.u32 v6, $0x7;
	v5 =	vor.u32 v12, v5;
	v7 =	vld.idx.msk [tilespmem:v7+s4+$0x0], $0xffff  }
0x2b9: {  	v55 =	vshrl.u32 v1, $0x10;
	v56 =	vshra.s32 v1, $0x1A;
	v60 =	vshrl.u32 v1, $0xD  }
0x2ba: {  	v8 =	vand.u32 $0x7F, v55;
	v62 =	vshll.u32 v56, $0xA;
	v11 =	vand.u32 $0x1C00, v60  }
0x2bb: {  	v10 =	vshll.u32 v56, $0x7;
	v63 =	vand.u32 $0xFFFFE000, v62;
	v8 =	vor.u32 v11, v8  }
0x2bc: {  	v8 =	vor.u32 v63, v8;
	[tilespmem:v2+s4+$0x0] =	vst.idx.msk $0xffff, v4;
	v2 =	vand.u32 $0x380, v6;
	v6 =	vand.u32 $0x380, v10  }
0x2bd: {  	s7 =	simm.s32 $0x0;
	s15 =	simm.s32 $0x10150;
	[tilespmem:v3+s4+$0x0] =	vst.idx.msk $0xffff, v7;
	v4 =	vshll.u32 v0, $0x3;
	v3 =	vor.u32 v2, v5;
	v2 =	vor.u32 v6, v8  }
.LBB2_29:
0x2be: {  	v5 =	vld [tilespmem:s15+$0x0];
	v4 =	vand.u32 $0x1C00, v4;
	v6 =	vshrl.u32 v0, $0x3;
	v7 =	vshll.u32 v1, $0x3  }
0x2bf: {  	v9 =	vand.u32 $0xE07F, v0;
	v10 =	vshrl.u32 v1, $0x3;
	v8 =	vld [tilespmem:s15+$0xFFFFFFE0];
	v7 =	vand.u32 $0x1C00, v7  }
0x2c0: {  	v1 =	vand.u32 $0xE07F, v1;
	s6 =	sadd.s32 $0x40, s6;
	v6 =	vand.u32 $0x380, v6;
	v4 =	vor.u32 v4, v9;
	v0 =	vld [tilespmem:s15+$0xFFFFFFD0]  }
0x2c1: {  	s7 =	sadd.s32 $0x4, s7;
	s21 =	sand.u32 $0x7C0, s6;
	v4 =	vor.u32 v6, v4;
	v6 =	vand.u32 $0x380, v10;
	v1 =	vor.u32 v7, v1  }
0x2c2: {  	p0 =	slt.u32 s7, $0x60;
	v6 =	vor.u32 v6, v1;
	v7 =	vld [tilespmem:s21+$0x10100]  }
0x2c3: {  	v13 =	vshrl.u32 v5, $0x10;
	v9 =	vshra.s32 v5, $0x1A;
	v10 =	vshrl.u32 v5, $0xD;
	v3 =	vld.idx.msk [tilespmem:v3+s4+$0x0], $0xffff  }
0x2c4: {  	v11 =	vand.u32 $0x7F, v13;
	v12 =	vshll.u32 v9, $0xA;
	v10 =	vand.u32 $0x1C00, v10;
	v2 =	vld.idx.msk [tilespmem:v2+s4+$0x0], $0xffff;
	v1 =	vmovc v8  }
0x2c5: {  	v9 =	vshll.u32 v9, $0x7;
	v8 =	vand.u32 $0xFFFFE000, v12;
	v10 =	vor.u32 v10, v11  }
0x2c6: {  	v11 =	vshrl.u32 v0, $0x10;
	v9 =	vand.u32 $0x380, v9;
	v8 =	vor.u32 v8, v10  }
0x2c7: {  	v10 =	vshrl.u32 v7, $0x10;
	v12 =	vshra.s32 v7, $0x1A;
	v13 =	vshrl.u32 v7, $0xD  }
0x2c8: {  	v10 =	vand.u32 $0x7F, v10;
	v14 =	vshll.u32 v12, $0xA;
	v13 =	vand.u32 $0x1C00, v13  }
0x2c9: {  	v12 =	vshll.u32 v12, $0x7;
	v14 =	vand.u32 $0xFFFFE000, v14;
	v10 =	vor.u32 v13, v10;
	[tilespmem:v4+s4+$0x0] =	vst.idx.msk $0xffff, v3  }
0x2ca: {  	v8 =	vor.u32 v9, v8;
	v3 =	vand.u32 $0x380, v12;
	v4 =	vor.u32 v14, v10;
	[tilespmem:v6+s4+$0x0] =	vst.idx.msk $0xffff, v2  }
0x2cb: {  	v2 =	vshra.s32 v0, $0x1A;
	v6 =	vshrl.u32 v0, $0xD;
	v3 =	vor.u32 v3, v4  }
0x2cc: {  	v9 =	vshra.s32 v1, $0x1A;
	v10 =	vshll.u32 v5, $0x3;
	v4 =	vshrl.u32 v1, $0x10  }
0x2cd: {  	v12 =	vshrl.u32 v5, $0x3;
	v5 =	vand.u32 $0xE07F, v5;
	v10 =	vand.u32 $0x1C00, v10  }
0x2ce: {  	v13 =	vshll.u32 v7, $0x3;
	v12 =	vand.u32 $0x380, v12;
	v5 =	vor.u32 v10, v5  }
0x2cf: {  	v10 =	vand.u32 $0x1C00, v13;
	v13 =	vshrl.u32 v7, $0x3;
	v7 =	vand.u32 $0xE07F, v7;
	v8 =	vld.idx.msk [tilespmem:v8+s4+$0x0], $0xffff  }
0x2d0: {  	v13 =	vand.u32 $0x380, v13;
	v7 =	vor.u32 v10, v7;
	v5 =	vor.u32 v12, v5;
	v3 =	vld.idx.msk [tilespmem:v3+s4+$0x0], $0xffff  }
0x2d1: {  	v10 =	vand.u32 $0x7F, v11;
	v11 =	vshrl.u32 v1, $0xD;
	v7 =	vor.u32 v13, v7  }
0x2d2: {  	v6 =	vand.u32 $0x1C00, v6;
	v4 =	vand.u32 $0x7F, v4;
	v12 =	vshll.u32 v2, $0xA  }
.Ltmp13:
0x2d3: {  	v12 =	vand.u32 $0xFFFFE000, v12;
	v13 =	vshll.u32 v9, $0xA;
	v11 =	vand.u32 $0x1C00, v11;
	(pc) =	sbr.rel @p0 .LBB2_29-.Ltmp13, $4  }
0x2d4: {  	v6 =	vor.u32 v6, v10;
	v10 =	vand.u32 $0xFFFFE000, v13;
	v4 =	vor.u32 v11, v4  }
0x2d5: {  	v2 =	vshll.u32 v2, $0x7;
	v9 =	vshll.u32 v9, $0x7;
	v6 =	vor.u32 v12, v6;
	[tilespmem:v5+s4+$0x0] =	vst.idx.msk $0xffff, v8  }
0x2d6: {  	s21 =	simm.s32 $0x10730;
	v2 =	vand.u32 $0x380, v2;
	v5 =	vand.u32 $0x380, v9;
	v8 =	vor.u32 v10, v4;
	[tilespmem:v7+s4+$0x0] =	vst.idx.msk $0xffff, v3  }
0x2d7: {  	s15 =	sadd.s32 $0x40, s15;
	v4 =	vshll.u32 v0, $0x3;
	v3 =	vor.u32 v2, v6;
	v2 =	vor.u32 v5, v8  }
0x2d8: {  	_ = 	snop  }
0x2d9: {  	v4 =	vand.u32 $0x1C00, v4;
	v5 =	vshrl.u32 v0, $0x3;
	v6 =	vshll.u32 v1, $0x3  }
0x2da: {  	v0 =	vand.u32 $0xE07F, v0;
	v7 =	vshrl.u32 v1, $0x3;
	v1 =	vand.u32 $0xE07F, v1  }
0x2db: {  	v6 =	vand.u32 $0x1C00, v6;
	v5 =	vand.u32 $0x380, v5;
	v0 =	vor.u32 v4, v0  }
0x2dc: {  	v3 =	vld.idx.msk [tilespmem:v3+s4+$0x0], $0xffff;
	v4 =	vand.u32 $0x380, v7;
	v0 =	vor.u32 v5, v0;
	v1 =	vor.u32 v6, v1  }
0x2dd: {  	v2 =	vld.idx.msk [tilespmem:v2+s4+$0x0], $0xffff;
	v1 =	vor.u32 v4, v1;
	_ =	sdelay $0x3  }
0x2de: {  	[tilespmem:v0+s4+$0x0] =	vst.idx.msk $0xffff, v3  }
0x2df: {  	[tilespmem:v1+s4+$0x0] =	vst.idx.msk $0xffff, v2  }
0x2e0: {  	v0 =	vld [tilespmem:s21+$0x0]  }
0x2e1: {  	v1 =	vld [tilespmem:s21+$0xFFFFFFF0]  }
0x2e2: {  	s6 =	simm.s32 $0x10750  }
0x2e3: {  	v7 =	vld [tilespmem:s6+$0x0]  }
0x2e4: {  	v9 =	vld [tilespmem:s6+$0xFFFFFFF0];
	_ =	sdelay $0x1  }
0x2e5: {  	v2 =	vshra.s32 v0, $0x10;
	v3 =	vshll.u32 v1, $0x3  }
0x2e6: {  	v6 =	vshra.s32 v1, $0x10;
	v4 =	vand.u32 $0xE07F, v1;
	v5 =	vshll.u32 v0, $0x3  }
0x2e7: {  	v8 =	vshrl.u32 v0, $0x3;
	v0 =	vand.u32 $0xE07F, v0;
	v1 =	vshrl.u32 v1, $0x3  }
0x2e8: {  	v10 =	vand.u32 $0xE07F, v9;
	v11 =	vshll.u32 v7, $0x3;
	v3 =	vand.u32 $0x1C00, v3  }
0x2e9: {  	v13 =	vand.u32 $0xE07F, v7;
	v3 =	vor.u32 v3, v4;
	v4 =	vand.u32 $0x1C00, v5  }
0x2ea: {  	v5 =	vand.u32 $0x380, v8;
	v8 =	vand.u32 $0x380, v1;
	v0 =	vor.u32 v4, v0;
	v2 =	vld.idx.msk [tilespmem:v2+s3+$0x0], $0xffff  }
0x2eb: {  	s7 =	simm.s32 $0x10770;
	v4 =	vshra.s32 v7, $0x10;
	v1 =	vor.u32 v5, v0;
	v0 =	vor.u32 v8, v3;
	v3 =	vld.idx.msk [tilespmem:v6+s3+$0x0], $0xffff  }
0x2ec: {  	v11 =	vand.u32 $0x1C00, v11;
	v5 =	vshra.s32 v9, $0x10;
	v8 =	vshll.u32 v9, $0x3;
	v6 =	vld [tilespmem:s7+$0x0]  }
0x2ed: {  	v12 =	vshrl.u32 v7, $0x3;
	v11 =	vor.u32 v11, v13;
	v7 =	vld [tilespmem:s7+$0xFFFFFFF0];
	v8 =	vand.u32 $0x1C00, v8  }
0x2ee: {  	s6 =	simm.s32 $0x4;
	s7 =	simm.s32 $0x10790;
	v8 =	vor.u32 v8, v10;
	v10 =	vshrl.u32 v9, $0x3;
	v9 =	vand.u32 $0x380, v12  }
.LBB2_31:
0x2ef: {  	s6 =	sadd.s32 $0x2, s6  }
0x2f0: {  	v10 =	vand.u32 $0x380, v10;
	[tilespmem:v1+s4+$0x0] =	vst.idx.msk $0xffff, v2;
	v1 =	vor.u32 v9, v11;
	v2 =	vld.idx.msk [tilespmem:v4+s3+$0x0], $0xffff;
	p0 =	slt.u32 s6, $0xC  }
.Ltmp14:
0x2f1: {  	v4 =	vshra.s32 v6, $0x10;
	[tilespmem:v0+s4+$0x0] =	vst.idx.msk $0xffff, v3;
	v0 =	vor.u32 v10, v8;
	v3 =	vld.idx.msk [tilespmem:v5+s3+$0x0], $0xffff;
	v9 =	vmov v6;
	(pc) =	sbr.rel @p0 .LBB2_31-.Ltmp14, $4  }
0x2f2: {  	v6 =	vld [tilespmem:s7+$0x0];
	v5 =	vshra.s32 v7, $0x10;
	v8 =	vshll.u32 v7, $0x3;
	v10 =	vand.u32 $0xE07F, v7;
	v11 =	vmovc v7  }
0x2f3: {  	v12 =	vshll.u32 v9, $0x3;
	v13 =	vshrl.u32 v9, $0x3;
	v7 =	vld [tilespmem:s7+$0xFFFFFFF0];
	v8 =	vand.u32 $0x1C00, v8  }
0x2f4: {  	v14 =	vand.u32 $0xE07F, v9;
	v12 =	vand.u32 $0x1C00, v12;
	v8 =	vor.u32 v8, v10  }
0x2f5: {  	s7 =	sadd.s32 $0x20, s7;
	v9 =	vand.u32 $0x380, v13;
	v10 =	vshrl.u32 v11, $0x3;
	v11 =	vor.u32 v12, v14  }
0x2f6: {  	_ = 	snop  }
0x2f7: {  	v10 =	vand.u32 $0x380, v10;
	v9 =	vor.u32 v9, v11;
	v57 =	vshra.s32 v6, $0x10  }
0x2f8: {  	v8 =	vor.u32 v10, v8;
	v12 =	vshll.u32 v6, $0x3;
	v58 =	vshra.s32 v7, $0x10  }
0x2f9: {  	v14 =	vand.u32 $0xE07F, v6;
	v60 =	vshrl.u32 v6, $0x3;
	v13 =	vshll.u32 v7, $0x3  }
0x2fa: {  	v4 =	vld.idx.msk [tilespmem:v4+s3+$0x0], $0xffff;
	v12 =	vand.u32 $0x1C00, v12;
	v59 =	vand.u32 $0xE07F, v7;
	v61 =	vshrl.u32 v7, $0x3  }
0x2fb: {  	v5 =	vld.idx.msk [tilespmem:v5+s3+$0x0], $0xffff;
	v6 =	vand.u32 $0x380, v60;
	v12 =	vor.u32 v12, v14;
	v13 =	vand.u32 $0x1C00, v13  }
0x2fc: {  	v7 =	vand.u32 $0x380, v61;
	v13 =	vor.u32 v13, v59;
	v6 =	vor.u32 v6, v12;
	v11 =	vld.idx.msk [tilespmem:v57+s3+$0x0], $0xffff  }
0x2fd: {  	[tilespmem:v1+s4+$0x0] =	vst.idx.msk $0xffff, v2;
	s22 =	sadd.s32 $0x1, s22;
	v63 =	vor.u32 v7, v13;
	v62 =	vld.idx.msk [tilespmem:v58+s3+$0x0], $0xffff  }
0x2fe: {  	[tilespmem:v0+s4+$0x0] =	vst.idx.msk $0xffff, v3;
	p0 =	sne.s32 s22, $0x7  }
.Ltmp15:
0x2ff: {  	[tilespmem:v9+s4+$0x0] =	vst.idx.msk $0xffff, v4;
	(pc) =	sbr.rel @p0 .LBB2_8-.Ltmp15, $4  }
0x300: {  	[tilespmem:v8+s4+$0x0] =	vst.idx.msk $0xffff, v5  }
0x301: {  	[tilespmem:v6+s4+$0x0] =	vst.idx.msk $0xffff, v11  }
0x302: {  	s6 =	sadd.s32 s2, s23;
	[tilespmem:v63+s4+$0x0] =	vst.idx.msk $0xffff, v62  }
0x303: {  	[hbm4b:s6+s4] =	stream.linear.scatter [tilespmem:s4], [sflag:$0x5], $0x4000, $0x38;
	[tilespmem:$0x12100] =	vst v63  }
0x304: {  	_ =	swait.ge [sflag:s10], $0x4000  }
0x305: {  	[sflag:s10] =	ssyncset.done $0x0  }
0x306: {  	[sflag:s10] =	ssyncadd.s32 $0xFFFFC000  }
0x307: {  	_ =	swait.ge [sflag:s10], $0x800  }
0x308: {  	[sflag:s10] =	ssyncset.done $0x0  }
0x309: {  	s6 =	simm.s32 $0x10810;
	[sflag:s10] =	ssyncadd.s32 $0xFFFFF800  }
0x30a: {  	v0 =	vld [tilespmem:s6+$0xFFFFFFF0]  }
0x30b: {  	v1 =	vld [tilespmem:s6+$0x0];
	_ =	sdelay $0x2  }
0x30c: {  	s26 =	simm.s32 $0x10830  }
0x30d: {  	v4 =	vld [tilespmem:s26+$0xFFFFFFF0];
	v2 =	vshll.u32 v0, $0x3;
	v3 =	vshrl.u32 v0, $0x3;
	v0 =	vand.u32 $0xFFFFE07F, v0  }
0x30e: {  	v7 =	vld [tilespmem:s26+$0x0];
	v5 =	vshll.u32 v1, $0x3;
	v6 =	vshrl.u32 v1, $0x3;
	v2 =	vand.u32 $0x1C00, v2  }
0x30f: {  	v1 =	vand.u32 $0xFFFFE07F, v1;
	v0 =	vor.u32 v2, v0;
	v2 =	vand.u32 $0x1C00, v5  }
0x310: {  	s29 =	simm.s32 $0x10850;
	v3 =	vand.u32 $0x380, v3;
	v5 =	vand.u32 $0x380, v6;
	v1 =	vor.u32 v2, v1  }
0x311: {  	v10 =	vld [tilespmem:s29+$0x0];
	v6 =	vor.u32 v3, v0;
	v0 =	vor.u32 v5, v1  }
0x312: {  	v2 =	vshrl.u32 v4, $0x3;
	v3 =	vand.u32 $0xFFFFE07F, v4;
	v1 =	vshll.u32 v4, $0x3;
	v4 =	vld [tilespmem:s29+$0xFFFFFFF0]  }
0x313: {  	v8 =	vshrl.u32 v7, $0x3;
	v5 =	vshll.u32 v7, $0x3;
	v1 =	vand.u32 $0x1C00, v1  }
0x314: {  	v1 =	vor.u32 v1, v3;
	v3 =	vand.u32 $0x1C00, v5;
	v5 =	vand.u32 $0xFFFFE07F, v7  }
0x315: {  	v7 =	vand.u32 $0x380, v8;
	v3 =	vor.u32 v3, v5  }
0x316: {  	v11 =	vshll.u32 v10, $0x3;
	v2 =	vand.u32 $0x380, v2;
	v3 =	vor.u32 v7, v3;
	v0 =	vld.idx.msk [tilespmem:v0+s25+$0x0], $0xffff  }
0x317: {  	s15 =	simm.s32 $0x10870;
	v8 =	vshrl.u32 v10, $0x3;
	v2 =	vor.u32 v2, v1;
	v1 =	vld.idx.msk [tilespmem:v6+s25+$0x0], $0xffff;
	v5 =	vshll.u32 v4, $0x3  }
0x318: {  	v6 =	vshrl.u32 v4, $0x3;
	v7 =	vand.u32 $0xFFFFE07F, v4;
	v4 =	vld [tilespmem:s15+$0xFFFFFFF0];
	v9 =	vand.u32 $0x1C00, v5  }
0x319: {  	s21 =	simm.s32 $0x6;
	s7 =	simm.s32 $0x12010;
	s6 =	simm.s32 $0x12010;
	v10 =	vand.u32 $0xFFFFE07F, v10;
	v5 =	vld [tilespmem:s15+$0x0];
	v7 =	vor.u32 v9, v7;
	v9 =	vand.u32 $0x1C00, v11  }
.LBB2_34:
0x31a: {  	s21 =	sadd.s32 $0x2, s21  }
0x31b: {  	v6 =	vand.u32 $0x380, v6;
	v8 =	vand.u32 $0x380, v8;
	v9 =	vor.u32 v9, v10;
	[tilespmem:s6+$0x0] =	vst v0;
	v0 =	vld.idx.msk [tilespmem:v3+s25+$0x0], $0xffff;
	s7 =	sadd.s32 $0x20, s7;
	p0 =	slt.u32 s21, $0xC  }
.Ltmp16:
0x31c: {  	v3 =	vor.u32 v8, v9;
	[tilespmem:s6+$0xFFFFFFF0] =	vst v1;
	v1 =	vld.idx.msk [tilespmem:v2+s25+$0x0], $0xffff;
	v2 =	vor.u32 v6, v7;
	s6 =	smov.u32 s7;
	(pc) =	sbr.rel @p0 .LBB2_34-.Ltmp16, $4  }
0x31d: {  	_ = 	snop  }
0x31e: {  	s15 =	sadd.s32 $0x20, s15;
	v7 =	vshll.u32 v4, $0x3;
	v6 =	vshrl.u32 v4, $0x3;
	v9 =	vand.u32 $0xFFFFE07F, v4  }
0x31f: {  	v4 =	vld [tilespmem:s15+$0xFFFFFFF0];
	v7 =	vand.u32 $0x1C00, v7;
	v10 =	vshll.u32 v5, $0x3;
	v8 =	vshrl.u32 v5, $0x3  }
0x320: {  	v7 =	vor.u32 v7, v9;
	v9 =	vand.u32 $0x1C00, v10;
	v10 =	vand.u32 $0xFFFFE07F, v5;
	v5 =	vld [tilespmem:s15+$0x0]  }
0x321: {  	_ =	sdelay $0x1  }
0x322: {  	v6 =	vand.u32 $0x380, v6;
	v8 =	vand.u32 $0x380, v8;
	v9 =	vor.u32 v9, v10  }
0x323: {  	v6 =	vor.u32 v6, v7;
	v7 =	vor.u32 v8, v9;
	v47 =	vshll.u32 v4, $0x3  }
0x324: {  	v48 =	vshrl.u32 v4, $0x3;
	v4 =	vand.u32 $0xFFFFE07F, v4;
	v49 =	vshll.u32 v5, $0x3  }
0x325: {  	v11 =	vshrl.u32 v5, $0x3;
	v5 =	vand.u32 $0xFFFFE07F, v5;
	v8 =	vand.u32 $0x1C00, v47  }
0x326: {  	v50 =	vand.u32 $0x380, v48;
	v10 =	vand.u32 $0x1C00, v49;
	v4 =	vor.u32 v8, v4  }
0x327: {  	v3 =	vld.idx.msk [tilespmem:v3+s25+$0x0], $0xffff;
	v11 =	vand.u32 $0x380, v11;
	v5 =	vor.u32 v10, v5;
	v4 =	vor.u32 v50, v4  }
0x328: {  	v5 =	vor.u32 v11, v5  }
0x329: {  	v2 =	vld.idx.msk [tilespmem:v2+s25+$0x0], $0xffff  }
0x32a: {  	v7 =	vld.idx.msk [tilespmem:v7+s25+$0x0], $0xffff  }
0x32b: {  	[tilespmem:s6+$0x0] =	vst v0;
	s7 =	sadd.s32 $0x20, s7;
	v0 =	vld.idx.msk [tilespmem:v6+s25+$0x0], $0xffff  }
0x32c: {  	[tilespmem:s7+$0x0] =	vst v3;
	v3 =	vld.idx.msk [tilespmem:v4+s25+$0x0], $0xffff  }
0x32d: {  	[tilespmem:s6+$0xFFFFFFF0] =	vst v1;
	v1 =	vld.idx.msk [tilespmem:v5+s25+$0x0], $0xffff  }
0x32e: {  	s24 =	sadd.s32 $0x20, s7;
	[tilespmem:s7+$0xFFFFFFF0] =	vst v2  }
0x32f: {  	[tilespmem:s24+$0x0] =	vst v7  }
0x330: {  	s26 =	sadd.s32 $0x20, s24;
	[tilespmem:s24+$0xFFFFFFF0] =	vst v0  }
0x331: {  	[tilespmem:s26+$0xFFFFFFF0] =	vst v3  }
0x332: {  	s15 =	simm.s32 $0x10910;
	s6 =	simm.s32 $0x0;
	[tilespmem:s26+$0x0] =	vst v1  }
0x333: {  	s29 =	sand.u32 $0x7C0, s6;
	v2 =	vld [tilespmem:s15+$0x0]  }
0x334: {  	v3 =	vld [tilespmem:s29+$0x10900]  }
0x335: {  	v0 =	vld [tilespmem:s15+$0xFFFFFFD0];
	_ =	sdelay $0x2  }
0x336: {  	v1 =	vshrl.u32 v2, $0x10;
	v4 =	vshra.s32 v2, $0x1A;
	v5 =	vshrl.u32 v2, $0xD  }
0x337: {  	v7 =	vshrl.u32 v3, $0x10;
	v51 =	vshra.s32 v3, $0x1A;
	v52 =	vshrl.u32 v3, $0xD  }
0x338: {  	v54 =	vshrl.u32 v0, $0xD;
	v57 =	vshll.u32 v2, $0x3;
	v12 =	vshrl.u32 v2, $0x3  }
0x339: {  	v2 =	vand.u32 $0xE07F, v2;
	v13 =	vshll.u32 v3, $0x3;
	v59 =	vshrl.u32 v3, $0x3  }
0x33a: {  	v3 =	vand.u32 $0xE07F, v3;
	v1 =	vand.u32 $0x7F, v1;
	v6 =	vshll.u32 v4, $0xA  }
0x33b: {  	v5 =	vand.u32 $0x1C00, v5;
	v4 =	vshll.u32 v4, $0x7;
	v7 =	vand.u32 $0x7F, v7  }
0x33c: {  	v53 =	vshll.u32 v51, $0xA;
	v9 =	vand.u32 $0x1C00, v52;
	v8 =	vshll.u32 v51, $0x7  }
0x33d: {  	v6 =	vand.u32 $0xFFFFE000, v6;
	v1 =	vor.u32 v5, v1;
	v4 =	vand.u32 $0x380, v4  }
0x33e: {  	v10 =	vand.u32 $0xFFFFE000, v53;
	v7 =	vor.u32 v9, v7;
	v6 =	vor.u32 v6, v1  }
0x33f: {  	v8 =	vand.u32 $0x380, v8;
	v7 =	vor.u32 v10, v7;
	v4 =	vor.u32 v4, v6  }
0x340: {  	v11 =	vand.u32 $0x1C00, v57;
	v12 =	vand.u32 $0x380, v12;
	v7 =	vor.u32 v8, v7  }
0x341: {  	v58 =	vand.u32 $0x1C00, v13;
	v13 =	vand.u32 $0x380, v59;
	v5 =	vshrl.u32 v0, $0x10;
	v1 =	vld [tilespmem:s15+$0xFFFFFFE0]  }
0x342: {  	v2 =	vor.u32 v11, v2;
	v3 =	vor.u32 v58, v3;
	v6 =	vshra.s32 v0, $0x1A  }
0x343: {  	v9 =	vand.u32 $0x1C00, v54;
	v5 =	vand.u32 $0x7F, v5;
	v61 =	vshll.u32 v6, $0xA  }
0x344: {  	v2 =	vor.u32 v12, v2;
	v5 =	vor.u32 v9, v5;
	v12 =	vand.u32 $0xFFFFE000, v61;
	v4 =	vld.idx.msk [tilespmem:v4+s25+$0x0], $0xffff  }
0x345: {  	v3 =	vor.u32 v13, v3;
	v6 =	vshll.u32 v6, $0x7;
	v5 =	vor.u32 v12, v5;
	v7 =	vld.idx.msk [tilespmem:v7+s25+$0x0], $0xffff  }
0x346: {  	v55 =	vshrl.u32 v1, $0x10;
	v56 =	vshra.s32 v1, $0x1A;
	v60 =	vshrl.u32 v1, $0xD  }
0x347: {  	v8 =	vand.u32 $0x7F, v55;
	v62 =	vshll.u32 v56, $0xA;
	v11 =	vand.u32 $0x1C00, v60  }
0x348: {  	v10 =	vshll.u32 v56, $0x7;
	v63 =	vand.u32 $0xFFFFE000, v62;
	v8 =	vor.u32 v11, v8  }
0x349: {  	v8 =	vor.u32 v63, v8;
	[tilespmem:v2+s25+$0x0] =	vst.idx.msk $0xffff, v4;
	v2 =	vand.u32 $0x380, v6;
	v6 =	vand.u32 $0x380, v10  }
0x34a: {  	s7 =	simm.s32 $0x0;
	s15 =	simm.s32 $0x10950;
	[tilespmem:v3+s25+$0x0] =	vst.idx.msk $0xffff, v7;
	v4 =	vshll.u32 v0, $0x3;
	v3 =	vor.u32 v2, v5;
	v2 =	vor.u32 v6, v8  }
.LBB2_36:
0x34b: {  	v5 =	vld [tilespmem:s15+$0x0];
	v4 =	vand.u32 $0x1C00, v4;
	v6 =	vshrl.u32 v0, $0x3;
	v7 =	vshll.u32 v1, $0x3  }
0x34c: {  	v9 =	vand.u32 $0xE07F, v0;
	v10 =	vshrl.u32 v1, $0x3;
	v8 =	vld [tilespmem:s15+$0xFFFFFFE0];
	v7 =	vand.u32 $0x1C00, v7  }
0x34d: {  	v1 =	vand.u32 $0xE07F, v1;
	s6 =	sadd.s32 $0x40, s6;
	v6 =	vand.u32 $0x380, v6;
	v4 =	vor.u32 v4, v9;
	v0 =	vld [tilespmem:s15+$0xFFFFFFD0]  }
0x34e: {  	s7 =	sadd.s32 $0x4, s7;
	s21 =	sand.u32 $0x7C0, s6;
	v4 =	vor.u32 v6, v4;
	v6 =	vand.u32 $0x380, v10;
	v1 =	vor.u32 v7, v1  }
0x34f: {  	p0 =	slt.u32 s7, $0x60;
	v6 =	vor.u32 v6, v1;
	v7 =	vld [tilespmem:s21+$0x10900]  }
0x350: {  	v13 =	vshrl.u32 v5, $0x10;
	v9 =	vshra.s32 v5, $0x1A;
	v10 =	vshrl.u32 v5, $0xD;
	v3 =	vld.idx.msk [tilespmem:v3+s25+$0x0], $0xffff  }
0x351: {  	v11 =	vand.u32 $0x7F, v13;
	v12 =	vshll.u32 v9, $0xA;
	v10 =	vand.u32 $0x1C00, v10;
	v2 =	vld.idx.msk [tilespmem:v2+s25+$0x0], $0xffff;
	v1 =	vmovc v8  }
0x352: {  	v9 =	vshll.u32 v9, $0x7;
	v8 =	vand.u32 $0xFFFFE000, v12;
	v10 =	vor.u32 v10, v11  }
0x353: {  	v11 =	vshrl.u32 v0, $0x10;
	v9 =	vand.u32 $0x380, v9;
	v8 =	vor.u32 v8, v10  }
0x354: {  	v10 =	vshrl.u32 v7, $0x10;
	v12 =	vshra.s32 v7, $0x1A;
	v13 =	vshrl.u32 v7, $0xD  }
0x355: {  	v10 =	vand.u32 $0x7F, v10;
	v14 =	vshll.u32 v12, $0xA;
	v13 =	vand.u32 $0x1C00, v13  }
0x356: {  	v12 =	vshll.u32 v12, $0x7;
	v14 =	vand.u32 $0xFFFFE000, v14;
	v10 =	vor.u32 v13, v10;
	[tilespmem:v4+s25+$0x0] =	vst.idx.msk $0xffff, v3  }
0x357: {  	v8 =	vor.u32 v9, v8;
	v3 =	vand.u32 $0x380, v12;
	v4 =	vor.u32 v14, v10;
	[tilespmem:v6+s25+$0x0] =	vst.idx.msk $0xffff, v2  }
0x358: {  	v2 =	vshra.s32 v0, $0x1A;
	v6 =	vshrl.u32 v0, $0xD;
	v3 =	vor.u32 v3, v4  }
0x359: {  	v9 =	vshra.s32 v1, $0x1A;
	v10 =	vshll.u32 v5, $0x3;
	v4 =	vshrl.u32 v1, $0x10  }
0x35a: {  	v12 =	vshrl.u32 v5, $0x3;
	v5 =	vand.u32 $0xE07F, v5;
	v10 =	vand.u32 $0x1C00, v10  }
0x35b: {  	v13 =	vshll.u32 v7, $0x3;
	v12 =	vand.u32 $0x380, v12;
	v5 =	vor.u32 v10, v5  }
0x35c: {  	v10 =	vand.u32 $0x1C00, v13;
	v13 =	vshrl.u32 v7, $0x3;
	v7 =	vand.u32 $0xE07F, v7;
	v8 =	vld.idx.msk [tilespmem:v8+s25+$0x0], $0xffff  }
0x35d: {  	v13 =	vand.u32 $0x380, v13;
	v7 =	vor.u32 v10, v7;
	v5 =	vor.u32 v12, v5;
	v3 =	vld.idx.msk [tilespmem:v3+s25+$0x0], $0xffff  }
0x35e: {  	v10 =	vand.u32 $0x7F, v11;
	v11 =	vshrl.u32 v1, $0xD;
	v7 =	vor.u32 v13, v7  }
0x35f: {  	v6 =	vand.u32 $0x1C00, v6;
	v4 =	vand.u32 $0x7F, v4;
	v12 =	vshll.u32 v2, $0xA  }
.Ltmp17:
0x360: {  	v12 =	vand.u32 $0xFFFFE000, v12;
	v13 =	vshll.u32 v9, $0xA;
	v11 =	vand.u32 $0x1C00, v11;
	(pc) =	sbr.rel @p0 .LBB2_36-.Ltmp17, $4  }
0x361: {  	v6 =	vor.u32 v6, v10;
	v10 =	vand.u32 $0xFFFFE000, v13;
	v4 =	vor.u32 v11, v4  }
0x362: {  	v2 =	vshll.u32 v2, $0x7;
	v9 =	vshll.u32 v9, $0x7;
	v6 =	vor.u32 v12, v6;
	[tilespmem:v5+s25+$0x0] =	vst.idx.msk $0xffff, v8  }
0x363: {  	s21 =	simm.s32 $0x10F30;
	v2 =	vand.u32 $0x380, v2;
	v5 =	vand.u32 $0x380, v9;
	v8 =	vor.u32 v10, v4;
	[tilespmem:v7+s25+$0x0] =	vst.idx.msk $0xffff, v3  }
0x364: {  	s15 =	sadd.s32 $0x40, s15;
	v4 =	vshll.u32 v0, $0x3;
	v3 =	vor.u32 v2, v6;
	v2 =	vor.u32 v5, v8  }
0x365: {  	_ = 	snop  }
0x366: {  	v4 =	vand.u32 $0x1C00, v4;
	v5 =	vshrl.u32 v0, $0x3;
	v6 =	vshll.u32 v1, $0x3  }
0x367: {  	v0 =	vand.u32 $0xE07F, v0;
	v7 =	vshrl.u32 v1, $0x3;
	v1 =	vand.u32 $0xE07F, v1  }
0x368: {  	v6 =	vand.u32 $0x1C00, v6;
	v5 =	vand.u32 $0x380, v5;
	v0 =	vor.u32 v4, v0  }
0x369: {  	v3 =	vld.idx.msk [tilespmem:v3+s25+$0x0], $0xffff;
	v4 =	vand.u32 $0x380, v7;
	v0 =	vor.u32 v5, v0;
	v1 =	vor.u32 v6, v1  }
0x36a: {  	v2 =	vld.idx.msk [tilespmem:v2+s25+$0x0], $0xffff;
	v1 =	vor.u32 v4, v1;
	_ =	sdelay $0x3  }
0x36b: {  	[tilespmem:v0+s25+$0x0] =	vst.idx.msk $0xffff, v3  }
0x36c: {  	[tilespmem:v1+s25+$0x0] =	vst.idx.msk $0xffff, v2  }
0x36d: {  	v0 =	vld [tilespmem:s21+$0x0]  }
0x36e: {  	v1 =	vld [tilespmem:s21+$0xFFFFFFF0]  }
0x36f: {  	s6 =	simm.s32 $0x10F50  }
0x370: {  	v7 =	vld [tilespmem:s6+$0x0]  }
0x371: {  	v9 =	vld [tilespmem:s6+$0xFFFFFFF0];
	_ =	sdelay $0x1  }
0x372: {  	v2 =	vshra.s32 v0, $0x10;
	v3 =	vshll.u32 v1, $0x3  }
0x373: {  	v6 =	vshra.s32 v1, $0x10;
	v4 =	vand.u32 $0xE07F, v1;
	v5 =	vshll.u32 v0, $0x3  }
0x374: {  	v8 =	vshrl.u32 v0, $0x3;
	v0 =	vand.u32 $0xE07F, v0;
	v1 =	vshrl.u32 v1, $0x3  }
0x375: {  	v10 =	vand.u32 $0xE07F, v9;
	v11 =	vshll.u32 v7, $0x3;
	v3 =	vand.u32 $0x1C00, v3  }
0x376: {  	v13 =	vand.u32 $0xE07F, v7;
	v3 =	vor.u32 v3, v4;
	v4 =	vand.u32 $0x1C00, v5  }
0x377: {  	v5 =	vand.u32 $0x380, v8;
	v8 =	vand.u32 $0x380, v1;
	v0 =	vor.u32 v4, v0;
	v2 =	vld.idx.msk [tilespmem:v2+s3+$0x0], $0xffff  }
0x378: {  	s7 =	simm.s32 $0x10F70;
	v4 =	vshra.s32 v7, $0x10;
	v1 =	vor.u32 v5, v0;
	v0 =	vor.u32 v8, v3;
	v3 =	vld.idx.msk [tilespmem:v6+s3+$0x0], $0xffff  }
0x379: {  	v11 =	vand.u32 $0x1C00, v11;
	v5 =	vshra.s32 v9, $0x10;
	v8 =	vshll.u32 v9, $0x3;
	v6 =	vld [tilespmem:s7+$0x0]  }
0x37a: {  	v12 =	vshrl.u32 v7, $0x3;
	v11 =	vor.u32 v11, v13;
	v7 =	vld [tilespmem:s7+$0xFFFFFFF0];
	v8 =	vand.u32 $0x1C00, v8  }
0x37b: {  	s6 =	simm.s32 $0x4;
	s7 =	simm.s32 $0x10F90;
	v8 =	vor.u32 v8, v10;
	v10 =	vshrl.u32 v9, $0x3;
	v9 =	vand.u32 $0x380, v12  }
.LBB2_38:
0x37c: {  	s6 =	sadd.s32 $0x2, s6  }
0x37d: {  	v10 =	vand.u32 $0x380, v10;
	[tilespmem:v1+s25+$0x0] =	vst.idx.msk $0xffff, v2;
	v1 =	vor.u32 v9, v11;
	v2 =	vld.idx.msk [tilespmem:v4+s3+$0x0], $0xffff;
	p0 =	slt.u32 s6, $0xC  }
.Ltmp18:
0x37e: {  	v4 =	vshra.s32 v6, $0x10;
	[tilespmem:v0+s25+$0x0] =	vst.idx.msk $0xffff, v3;
	v0 =	vor.u32 v10, v8;
	v3 =	vld.idx.msk [tilespmem:v5+s3+$0x0], $0xffff;
	v9 =	vmov v6;
	(pc) =	sbr.rel @p0 .LBB2_38-.Ltmp18, $4  }
0x37f: {  	v6 =	vld [tilespmem:s7+$0x0];
	v5 =	vshra.s32 v7, $0x10;
	v8 =	vshll.u32 v7, $0x3;
	v10 =	vand.u32 $0xE07F, v7;
	v11 =	vmovc v7  }
0x380: {  	v12 =	vshll.u32 v9, $0x3;
	v13 =	vshrl.u32 v9, $0x3;
	v7 =	vld [tilespmem:s7+$0xFFFFFFF0];
	v8 =	vand.u32 $0x1C00, v8  }
0x381: {  	v14 =	vand.u32 $0xE07F, v9;
	v12 =	vand.u32 $0x1C00, v12;
	v8 =	vor.u32 v8, v10  }
0x382: {  	s7 =	sadd.s32 $0x20, s7;
	v9 =	vand.u32 $0x380, v13;
	v10 =	vshrl.u32 v11, $0x3;
	v11 =	vor.u32 v12, v14  }
0x383: {  	_ = 	snop  }
0x384: {  	v10 =	vand.u32 $0x380, v10;
	v9 =	vor.u32 v9, v11;
	v11 =	vshra.s32 v6, $0x10  }
0x385: {  	v8 =	vor.u32 v10, v8;
	v12 =	vshll.u32 v6, $0x3;
	v10 =	vshra.s32 v7, $0x10  }
0x386: {  	v14 =	vand.u32 $0xE07F, v6;
	v6 =	vshrl.u32 v6, $0x3;
	v13 =	vshll.u32 v7, $0x3  }
0x387: {  	v4 =	vld.idx.msk [tilespmem:v4+s3+$0x0], $0xffff;
	v12 =	vand.u32 $0x1C00, v12;
	v63 =	vand.u32 $0xE07F, v7;
	v7 =	vshrl.u32 v7, $0x3  }
0x388: {  	v5 =	vld.idx.msk [tilespmem:v5+s3+$0x0], $0xffff;
	v6 =	vand.u32 $0x380, v6;
	v12 =	vor.u32 v12, v14;
	v13 =	vand.u32 $0x1C00, v13  }
0x389: {  	v7 =	vand.u32 $0x380, v7;
	v13 =	vor.u32 v13, v63;
	v6 =	vor.u32 v6, v12;
	v11 =	vld.idx.msk [tilespmem:v11+s3+$0x0], $0xffff  }
0x38a: {  	[tilespmem:v1+s25+$0x0] =	vst.idx.msk $0xffff, v2;
	v2 =	vor.u32 v7, v13;
	v1 =	vld.idx.msk [tilespmem:v10+s3+$0x0], $0xffff  }
0x38b: {  	[tilespmem:v0+s25+$0x0] =	vst.idx.msk $0xffff, v3  }
0x38c: {  	[tilespmem:v9+s25+$0x0] =	vst.idx.msk $0xffff, v4  }
0x38d: {  	[tilespmem:v8+s25+$0x0] =	vst.idx.msk $0xffff, v5  }
0x38e: {  	[tilespmem:v6+s25+$0x0] =	vst.idx.msk $0xffff, v11  }
0x38f: {  	[tilespmem:v2+s25+$0x0] =	vst.idx.msk $0xffff, v1  }
0x390: {  	s6 =	rddreg [dreg:$0xd]  }
0x391: {  	[hbm4b:s6+s4] =	stream.linear.scatter [tilespmem:s25], [sflag:$0x6], $0x4000, $0x38;
	[tilespmem:$0x12100] =	vst v63  }
0x392: {  	_ =	swait.ge [sflag:s12], $0x4000  }
0x393: {  	[sflag:s12] =	ssyncset.done $0x0  }
0x394: {  	[sflag:s12] =	ssyncadd.s32 $0xFFFFC000  }
0x395: {  	_ =	swait.ge [sflag:s12], $0x800  }
0x396: {  	[sflag:s12] =	ssyncset.done $0x0  }
0x397: {  	s24 =	simm.s32 $0x11010;
	[sflag:s12] =	ssyncadd.s32 $0xFFFFF800  }
0x398: {  	v0 =	vld [tilespmem:s24+$0xFFFFFFF0]  }
0x399: {  	v1 =	vld [tilespmem:s24+$0x0];
	_ =	sdelay $0x2  }
0x39a: {  	s26 =	simm.s32 $0x11030  }
0x39b: {  	v4 =	vld [tilespmem:s26+$0xFFFFFFF0];
	v2 =	vshll.u32 v0, $0x3;
	v3 =	vshrl.u32 v0, $0x3;
	v0 =	vand.u32 $0xFFFFE07F, v0  }
0x39c: {  	v7 =	vld [tilespmem:s26+$0x0];
	v5 =	vshll.u32 v1, $0x3;
	v6 =	vshrl.u32 v1, $0x3;
	v2 =	vand.u32 $0x1C00, v2  }
0x39d: {  	v1 =	vand.u32 $0xFFFFE07F, v1;
	v0 =	vor.u32 v2, v0;
	v2 =	vand.u32 $0x1C00, v5  }
0x39e: {  	s29 =	simm.s32 $0x11050;
	v3 =	vand.u32 $0x380, v3;
	v5 =	vand.u32 $0x380, v6;
	v1 =	vor.u32 v2, v1  }
0x39f: {  	v10 =	vld [tilespmem:s29+$0x0];
	v6 =	vor.u32 v3, v0;
	v0 =	vor.u32 v5, v1  }
0x3a0: {  	v2 =	vshrl.u32 v4, $0x3;
	v3 =	vand.u32 $0xFFFFE07F, v4;
	v1 =	vshll.u32 v4, $0x3;
	v4 =	vld [tilespmem:s29+$0xFFFFFFF0]  }
0x3a1: {  	v8 =	vshrl.u32 v7, $0x3;
	v5 =	vshll.u32 v7, $0x3;
	v1 =	vand.u32 $0x1C00, v1  }
0x3a2: {  	v1 =	vor.u32 v1, v3;
	v3 =	vand.u32 $0x1C00, v5;
	v5 =	vand.u32 $0xFFFFE07F, v7  }
0x3a3: {  	v7 =	vand.u32 $0x380, v8;
	v3 =	vor.u32 v3, v5  }
0x3a4: {  	v11 =	vshll.u32 v10, $0x3;
	v2 =	vand.u32 $0x380, v2;
	v3 =	vor.u32 v7, v3;
	v0 =	vld.idx.msk [tilespmem:v0+s28+$0x0], $0xffff  }
0x3a5: {  	s15 =	simm.s32 $0x11070;
	v8 =	vshrl.u32 v10, $0x3;
	v2 =	vor.u32 v2, v1;
	v1 =	vld.idx.msk [tilespmem:v6+s28+$0x0], $0xffff;
	v5 =	vshll.u32 v4, $0x3  }
0x3a6: {  	v6 =	vshrl.u32 v4, $0x3;
	v7 =	vand.u32 $0xFFFFE07F, v4;
	v4 =	vld [tilespmem:s15+$0xFFFFFFF0];
	v9 =	vand.u32 $0x1C00, v5  }
0x3a7: {  	s21 =	simm.s32 $0x6;
	s7 =	simm.s32 $0x12010;
	s6 =	simm.s32 $0x12010;
	v10 =	vand.u32 $0xFFFFE07F, v10;
	v5 =	vld [tilespmem:s15+$0x0];
	v7 =	vor.u32 v9, v7;
	v9 =	vand.u32 $0x1C00, v11  }
.LBB2_40:
0x3a8: {  	s21 =	sadd.s32 $0x2, s21  }
0x3a9: {  	v6 =	vand.u32 $0x380, v6;
	v8 =	vand.u32 $0x380, v8;
	v9 =	vor.u32 v9, v10;
	[tilespmem:s6+$0x0] =	vst v0;
	v0 =	vld.idx.msk [tilespmem:v3+s28+$0x0], $0xffff;
	s7 =	sadd.s32 $0x20, s7;
	p0 =	slt.u32 s21, $0xC  }
.Ltmp19:
0x3aa: {  	v3 =	vor.u32 v8, v9;
	[tilespmem:s6+$0xFFFFFFF0] =	vst v1;
	v1 =	vld.idx.msk [tilespmem:v2+s28+$0x0], $0xffff;
	v2 =	vor.u32 v6, v7;
	s6 =	smov.u32 s7;
	(pc) =	sbr.rel @p0 .LBB2_40-.Ltmp19, $4  }
0x3ab: {  	_ = 	snop  }
0x3ac: {  	s15 =	sadd.s32 $0x20, s15;
	v7 =	vshll.u32 v4, $0x3;
	v6 =	vshrl.u32 v4, $0x3;
	v9 =	vand.u32 $0xFFFFE07F, v4  }
0x3ad: {  	v4 =	vld [tilespmem:s15+$0xFFFFFFF0];
	v7 =	vand.u32 $0x1C00, v7;
	v10 =	vshll.u32 v5, $0x3;
	v8 =	vshrl.u32 v5, $0x3  }
0x3ae: {  	v7 =	vor.u32 v7, v9;
	v9 =	vand.u32 $0x1C00, v10;
	v10 =	vand.u32 $0xFFFFE07F, v5;
	v5 =	vld [tilespmem:s15+$0x0]  }
0x3af: {  	_ =	sdelay $0x1  }
0x3b0: {  	v6 =	vand.u32 $0x380, v6;
	v8 =	vand.u32 $0x380, v8;
	v9 =	vor.u32 v9, v10  }
0x3b1: {  	v6 =	vor.u32 v6, v7;
	v7 =	vor.u32 v8, v9;
	v47 =	vshll.u32 v4, $0x3  }
0x3b2: {  	v48 =	vshrl.u32 v4, $0x3;
	v4 =	vand.u32 $0xFFFFE07F, v4;
	v49 =	vshll.u32 v5, $0x3  }
0x3b3: {  	v11 =	vshrl.u32 v5, $0x3;
	v5 =	vand.u32 $0xFFFFE07F, v5;
	v8 =	vand.u32 $0x1C00, v47  }
0x3b4: {  	v50 =	vand.u32 $0x380, v48;
	v10 =	vand.u32 $0x1C00, v49;
	v4 =	vor.u32 v8, v4  }
0x3b5: {  	v3 =	vld.idx.msk [tilespmem:v3+s28+$0x0], $0xffff;
	v11 =	vand.u32 $0x380, v11;
	v5 =	vor.u32 v10, v5;
	v4 =	vor.u32 v50, v4  }
0x3b6: {  	v5 =	vor.u32 v11, v5  }
0x3b7: {  	v2 =	vld.idx.msk [tilespmem:v2+s28+$0x0], $0xffff  }
0x3b8: {  	v7 =	vld.idx.msk [tilespmem:v7+s28+$0x0], $0xffff  }
0x3b9: {  	[tilespmem:s6+$0x0] =	vst v0;
	s7 =	sadd.s32 $0x20, s7;
	v0 =	vld.idx.msk [tilespmem:v6+s28+$0x0], $0xffff  }
0x3ba: {  	[tilespmem:s7+$0x0] =	vst v3;
	v3 =	vld.idx.msk [tilespmem:v4+s28+$0x0], $0xffff  }
0x3bb: {  	[tilespmem:s6+$0xFFFFFFF0] =	vst v1;
	v1 =	vld.idx.msk [tilespmem:v5+s28+$0x0], $0xffff  }
0x3bc: {  	s24 =	sadd.s32 $0x20, s7;
	[tilespmem:s7+$0xFFFFFFF0] =	vst v2  }
0x3bd: {  	[tilespmem:s24+$0x0] =	vst v7  }
0x3be: {  	s26 =	sadd.s32 $0x20, s24;
	[tilespmem:s24+$0xFFFFFFF0] =	vst v0  }
0x3bf: {  	[tilespmem:s26+$0xFFFFFFF0] =	vst v3  }
0x3c0: {  	s15 =	simm.s32 $0x11110;
	s6 =	simm.s32 $0x0;
	[tilespmem:s26+$0x0] =	vst v1  }
0x3c1: {  	s29 =	sand.u32 $0x7C0, s6;
	v2 =	vld [tilespmem:s15+$0x0]  }
0x3c2: {  	v3 =	vld [tilespmem:s29+$0x11100]  }
0x3c3: {  	v0 =	vld [tilespmem:s15+$0xFFFFFFD0];
	_ =	sdelay $0x2  }
0x3c4: {  	v1 =	vshrl.u32 v2, $0x10;
	v4 =	vshra.s32 v2, $0x1A;
	v5 =	vshrl.u32 v2, $0xD  }
0x3c5: {  	v7 =	vshrl.u32 v3, $0x10;
	v51 =	vshra.s32 v3, $0x1A;
	v52 =	vshrl.u32 v3, $0xD  }
0x3c6: {  	v54 =	vshrl.u32 v0, $0xD;
	v57 =	vshll.u32 v2, $0x3;
	v12 =	vshrl.u32 v2, $0x3  }
0x3c7: {  	v2 =	vand.u32 $0xE07F, v2;
	v13 =	vshll.u32 v3, $0x3;
	v59 =	vshrl.u32 v3, $0x3  }
0x3c8: {  	v3 =	vand.u32 $0xE07F, v3;
	v1 =	vand.u32 $0x7F, v1;
	v6 =	vshll.u32 v4, $0xA  }
0x3c9: {  	v5 =	vand.u32 $0x1C00, v5;
	v4 =	vshll.u32 v4, $0x7;
	v7 =	vand.u32 $0x7F, v7  }
0x3ca: {  	v53 =	vshll.u32 v51, $0xA;
	v9 =	vand.u32 $0x1C00, v52;
	v8 =	vshll.u32 v51, $0x7  }
0x3cb: {  	v6 =	vand.u32 $0xFFFFE000, v6;
	v1 =	vor.u32 v5, v1;
	v4 =	vand.u32 $0x380, v4  }
0x3cc: {  	v10 =	vand.u32 $0xFFFFE000, v53;
	v7 =	vor.u32 v9, v7;
	v6 =	vor.u32 v6, v1  }
0x3cd: {  	v8 =	vand.u32 $0x380, v8;
	v7 =	vor.u32 v10, v7;
	v4 =	vor.u32 v4, v6  }
0x3ce: {  	v11 =	vand.u32 $0x1C00, v57;
	v12 =	vand.u32 $0x380, v12;
	v7 =	vor.u32 v8, v7  }
0x3cf: {  	v58 =	vand.u32 $0x1C00, v13;
	v13 =	vand.u32 $0x380, v59;
	v5 =	vshrl.u32 v0, $0x10;
	v1 =	vld [tilespmem:s15+$0xFFFFFFE0]  }
0x3d0: {  	v2 =	vor.u32 v11, v2;
	v3 =	vor.u32 v58, v3;
	v6 =	vshra.s32 v0, $0x1A  }
0x3d1: {  	v9 =	vand.u32 $0x1C00, v54;
	v5 =	vand.u32 $0x7F, v5;
	v61 =	vshll.u32 v6, $0xA  }
0x3d2: {  	v2 =	vor.u32 v12, v2;
	v5 =	vor.u32 v9, v5;
	v12 =	vand.u32 $0xFFFFE000, v61;
	v4 =	vld.idx.msk [tilespmem:v4+s28+$0x0], $0xffff  }
0x3d3: {  	v3 =	vor.u32 v13, v3;
	v6 =	vshll.u32 v6, $0x7;
	v5 =	vor.u32 v12, v5;
	v7 =	vld.idx.msk [tilespmem:v7+s28+$0x0], $0xffff  }
0x3d4: {  	v55 =	vshrl.u32 v1, $0x10;
	v56 =	vshra.s32 v1, $0x1A;
	v60 =	vshrl.u32 v1, $0xD  }
0x3d5: {  	v8 =	vand.u32 $0x7F, v55;
	v62 =	vshll.u32 v56, $0xA;
	v11 =	vand.u32 $0x1C00, v60  }
0x3d6: {  	v10 =	vshll.u32 v56, $0x7;
	v63 =	vand.u32 $0xFFFFE000, v62;
	v8 =	vor.u32 v11, v8  }
0x3d7: {  	v8 =	vor.u32 v63, v8;
	[tilespmem:v2+s28+$0x0] =	vst.idx.msk $0xffff, v4;
	v2 =	vand.u32 $0x380, v6;
	v6 =	vand.u32 $0x380, v10  }
0x3d8: {  	s7 =	simm.s32 $0x0;
	s15 =	simm.s32 $0x11150;
	[tilespmem:v3+s28+$0x0] =	vst.idx.msk $0xffff, v7;
	v4 =	vshll.u32 v0, $0x3;
	v3 =	vor.u32 v2, v5;
	v2 =	vor.u32 v6, v8  }
.LBB2_42:
0x3d9: {  	v5 =	vld [tilespmem:s15+$0x0];
	v4 =	vand.u32 $0x1C00, v4;
	v6 =	vshrl.u32 v0, $0x3;
	v7 =	vshll.u32 v1, $0x3  }
0x3da: {  	v9 =	vand.u32 $0xE07F, v0;
	v10 =	vshrl.u32 v1, $0x3;
	v8 =	vld [tilespmem:s15+$0xFFFFFFE0];
	v7 =	vand.u32 $0x1C00, v7  }
0x3db: {  	v1 =	vand.u32 $0xE07F, v1;
	s6 =	sadd.s32 $0x40, s6;
	v6 =	vand.u32 $0x380, v6;
	v4 =	vor.u32 v4, v9;
	v0 =	vld [tilespmem:s15+$0xFFFFFFD0]  }
0x3dc: {  	s7 =	sadd.s32 $0x4, s7;
	s21 =	sand.u32 $0x7C0, s6;
	v4 =	vor.u32 v6, v4;
	v6 =	vand.u32 $0x380, v10;
	v1 =	vor.u32 v7, v1  }
0x3dd: {  	p0 =	slt.u32 s7, $0x60;
	v6 =	vor.u32 v6, v1;
	v7 =	vld [tilespmem:s21+$0x11100]  }
0x3de: {  	v13 =	vshrl.u32 v5, $0x10;
	v9 =	vshra.s32 v5, $0x1A;
	v10 =	vshrl.u32 v5, $0xD;
	v3 =	vld.idx.msk [tilespmem:v3+s28+$0x0], $0xffff  }
0x3df: {  	v11 =	vand.u32 $0x7F, v13;
	v12 =	vshll.u32 v9, $0xA;
	v10 =	vand.u32 $0x1C00, v10;
	v2 =	vld.idx.msk [tilespmem:v2+s28+$0x0], $0xffff;
	v1 =	vmovc v8  }
0x3e0: {  	v9 =	vshll.u32 v9, $0x7;
	v8 =	vand.u32 $0xFFFFE000, v12;
	v10 =	vor.u32 v10, v11  }
0x3e1: {  	v11 =	vshrl.u32 v0, $0x10;
	v9 =	vand.u32 $0x380, v9;
	v8 =	vor.u32 v8, v10  }
0x3e2: {  	v10 =	vshrl.u32 v7, $0x10;
	v12 =	vshra.s32 v7, $0x1A;
	v13 =	vshrl.u32 v7, $0xD  }
0x3e3: {  	v10 =	vand.u32 $0x7F, v10;
	v14 =	vshll.u32 v12, $0xA;
	v13 =	vand.u32 $0x1C00, v13  }
0x3e4: {  	v12 =	vshll.u32 v12, $0x7;
	v14 =	vand.u32 $0xFFFFE000, v14;
	v10 =	vor.u32 v13, v10;
	[tilespmem:v4+s28+$0x0] =	vst.idx.msk $0xffff, v3  }
0x3e5: {  	v8 =	vor.u32 v9, v8;
	v3 =	vand.u32 $0x380, v12;
	v4 =	vor.u32 v14, v10;
	[tilespmem:v6+s28+$0x0] =	vst.idx.msk $0xffff, v2  }
0x3e6: {  	v2 =	vshra.s32 v0, $0x1A;
	v6 =	vshrl.u32 v0, $0xD;
	v3 =	vor.u32 v3, v4  }
0x3e7: {  	v9 =	vshra.s32 v1, $0x1A;
	v10 =	vshll.u32 v5, $0x3;
	v4 =	vshrl.u32 v1, $0x10  }
0x3e8: {  	v12 =	vshrl.u32 v5, $0x3;
	v5 =	vand.u32 $0xE07F, v5;
	v10 =	vand.u32 $0x1C00, v10  }
0x3e9: {  	v13 =	vshll.u32 v7, $0x3;
	v12 =	vand.u32 $0x380, v12;
	v5 =	vor.u32 v10, v5  }
0x3ea: {  	v10 =	vand.u32 $0x1C00, v13;
	v13 =	vshrl.u32 v7, $0x3;
	v7 =	vand.u32 $0xE07F, v7;
	v8 =	vld.idx.msk [tilespmem:v8+s28+$0x0], $0xffff  }
0x3eb: {  	v13 =	vand.u32 $0x380, v13;
	v7 =	vor.u32 v10, v7;
	v5 =	vor.u32 v12, v5;
	v3 =	vld.idx.msk [tilespmem:v3+s28+$0x0], $0xffff  }
0x3ec: {  	v10 =	vand.u32 $0x7F, v11;
	v11 =	vshrl.u32 v1, $0xD;
	v7 =	vor.u32 v13, v7  }
0x3ed: {  	v6 =	vand.u32 $0x1C00, v6;
	v4 =	vand.u32 $0x7F, v4;
	v12 =	vshll.u32 v2, $0xA  }
.Ltmp20:
0x3ee: {  	v12 =	vand.u32 $0xFFFFE000, v12;
	v13 =	vshll.u32 v9, $0xA;
	v11 =	vand.u32 $0x1C00, v11;
	(pc) =	sbr.rel @p0 .LBB2_42-.Ltmp20, $4  }
0x3ef: {  	v6 =	vor.u32 v6, v10;
	v10 =	vand.u32 $0xFFFFE000, v13;
	v4 =	vor.u32 v11, v4  }
0x3f0: {  	v2 =	vshll.u32 v2, $0x7;
	v9 =	vshll.u32 v9, $0x7;
	v6 =	vor.u32 v12, v6;
	[tilespmem:v5+s28+$0x0] =	vst.idx.msk $0xffff, v8  }
0x3f1: {  	s21 =	simm.s32 $0x11730;
	v2 =	vand.u32 $0x380, v2;
	v5 =	vand.u32 $0x380, v9;
	v8 =	vor.u32 v10, v4;
	[tilespmem:v7+s28+$0x0] =	vst.idx.msk $0xffff, v3  }
0x3f2: {  	s15 =	sadd.s32 $0x40, s15;
	v4 =	vshll.u32 v0, $0x3;
	v3 =	vor.u32 v2, v6;
	v2 =	vor.u32 v5, v8  }
0x3f3: {  	_ = 	snop  }
0x3f4: {  	v4 =	vand.u32 $0x1C00, v4;
	v5 =	vshrl.u32 v0, $0x3;
	v6 =	vshll.u32 v1, $0x3  }
0x3f5: {  	v0 =	vand.u32 $0xE07F, v0;
	v7 =	vshrl.u32 v1, $0x3;
	v1 =	vand.u32 $0xE07F, v1  }
0x3f6: {  	v6 =	vand.u32 $0x1C00, v6;
	v5 =	vand.u32 $0x380, v5;
	v0 =	vor.u32 v4, v0  }
0x3f7: {  	v3 =	vld.idx.msk [tilespmem:v3+s28+$0x0], $0xffff;
	v4 =	vand.u32 $0x380, v7;
	v0 =	vor.u32 v5, v0;
	v1 =	vor.u32 v6, v1  }
0x3f8: {  	v2 =	vld.idx.msk [tilespmem:v2+s28+$0x0], $0xffff;
	v1 =	vor.u32 v4, v1;
	_ =	sdelay $0x3  }
0x3f9: {  	[tilespmem:v0+s28+$0x0] =	vst.idx.msk $0xffff, v3  }
0x3fa: {  	[tilespmem:v1+s28+$0x0] =	vst.idx.msk $0xffff, v2  }
0x3fb: {  	v0 =	vld [tilespmem:s21+$0x0]  }
0x3fc: {  	v1 =	vld [tilespmem:s21+$0xFFFFFFF0]  }
0x3fd: {  	s6 =	simm.s32 $0x11750  }
0x3fe: {  	v7 =	vld [tilespmem:s6+$0x0]  }
0x3ff: {  	v9 =	vld [tilespmem:s6+$0xFFFFFFF0];
	_ =	sdelay $0x1  }
0x400: {  	v2 =	vshra.s32 v0, $0x10;
	v3 =	vshll.u32 v1, $0x3  }
0x401: {  	v6 =	vshra.s32 v1, $0x10;
	v4 =	vand.u32 $0xE07F, v1;
	v5 =	vshll.u32 v0, $0x3  }
0x402: {  	v8 =	vshrl.u32 v0, $0x3;
	v0 =	vand.u32 $0xE07F, v0;
	v1 =	vshrl.u32 v1, $0x3  }
0x403: {  	v10 =	vand.u32 $0xE07F, v9;
	v11 =	vshll.u32 v7, $0x3;
	v3 =	vand.u32 $0x1C00, v3  }
0x404: {  	v13 =	vand.u32 $0xE07F, v7;
	v3 =	vor.u32 v3, v4;
	v4 =	vand.u32 $0x1C00, v5  }
0x405: {  	v5 =	vand.u32 $0x380, v8;
	v8 =	vand.u32 $0x380, v1;
	v0 =	vor.u32 v4, v0;
	v2 =	vld.idx.msk [tilespmem:v2+s3+$0x0], $0xffff  }
0x406: {  	s7 =	simm.s32 $0x11770;
	v4 =	vshra.s32 v7, $0x10;
	v1 =	vor.u32 v5, v0;
	v0 =	vor.u32 v8, v3;
	v3 =	vld.idx.msk [tilespmem:v6+s3+$0x0], $0xffff  }
0x407: {  	v11 =	vand.u32 $0x1C00, v11;
	v5 =	vshra.s32 v9, $0x10;
	v8 =	vshll.u32 v9, $0x3;
	v6 =	vld [tilespmem:s7+$0x0]  }
0x408: {  	v12 =	vshrl.u32 v7, $0x3;
	v11 =	vor.u32 v11, v13;
	v7 =	vld [tilespmem:s7+$0xFFFFFFF0];
	v8 =	vand.u32 $0x1C00, v8  }
0x409: {  	s6 =	simm.s32 $0x4;
	s7 =	simm.s32 $0x11790;
	v8 =	vor.u32 v8, v10;
	v10 =	vshrl.u32 v9, $0x3;
	v9 =	vand.u32 $0x380, v12  }
.LBB2_44:
0x40a: {  	s6 =	sadd.s32 $0x2, s6  }
0x40b: {  	v10 =	vand.u32 $0x380, v10;
	[tilespmem:v1+s28+$0x0] =	vst.idx.msk $0xffff, v2;
	v1 =	vor.u32 v9, v11;
	v2 =	vld.idx.msk [tilespmem:v4+s3+$0x0], $0xffff;
	p0 =	slt.u32 s6, $0xC  }
.Ltmp21:
0x40c: {  	v4 =	vshra.s32 v6, $0x10;
	[tilespmem:v0+s28+$0x0] =	vst.idx.msk $0xffff, v3;
	v0 =	vor.u32 v10, v8;
	v3 =	vld.idx.msk [tilespmem:v5+s3+$0x0], $0xffff;
	v9 =	vmov v6;
	(pc) =	sbr.rel @p0 .LBB2_44-.Ltmp21, $4  }
0x40d: {  	v6 =	vld [tilespmem:s7+$0x0];
	v5 =	vshra.s32 v7, $0x10;
	v8 =	vshll.u32 v7, $0x3;
	v10 =	vand.u32 $0xE07F, v7;
	v11 =	vmovc v7  }
0x40e: {  	v12 =	vshll.u32 v9, $0x3;
	v13 =	vshrl.u32 v9, $0x3;
	v7 =	vld [tilespmem:s7+$0xFFFFFFF0];
	v8 =	vand.u32 $0x1C00, v8  }
0x40f: {  	v14 =	vand.u32 $0xE07F, v9;
	v12 =	vand.u32 $0x1C00, v12;
	v8 =	vor.u32 v8, v10  }
0x410: {  	s7 =	sadd.s32 $0x20, s7;
	v9 =	vand.u32 $0x380, v13;
	v10 =	vshrl.u32 v11, $0x3;
	v11 =	vor.u32 v12, v14  }
0x411: {  	_ = 	snop  }
0x412: {  	v10 =	vand.u32 $0x380, v10;
	v9 =	vor.u32 v9, v11;
	v11 =	vshra.s32 v6, $0x10  }
0x413: {  	v8 =	vor.u32 v10, v8;
	v12 =	vshll.u32 v6, $0x3;
	v10 =	vshra.s32 v7, $0x10  }
0x414: {  	v14 =	vand.u32 $0xE07F, v6;
	v6 =	vshrl.u32 v6, $0x3;
	v13 =	vshll.u32 v7, $0x3  }
0x415: {  	v4 =	vld.idx.msk [tilespmem:v4+s3+$0x0], $0xffff;
	v12 =	vand.u32 $0x1C00, v12;
	v63 =	vand.u32 $0xE07F, v7;
	v7 =	vshrl.u32 v7, $0x3  }
0x416: {  	v5 =	vld.idx.msk [tilespmem:v5+s3+$0x0], $0xffff;
	v6 =	vand.u32 $0x380, v6;
	v12 =	vor.u32 v12, v14;
	v13 =	vand.u32 $0x1C00, v13  }
0x417: {  	v7 =	vand.u32 $0x380, v7;
	v13 =	vor.u32 v13, v63;
	v6 =	vor.u32 v6, v12;
	v11 =	vld.idx.msk [tilespmem:v11+s3+$0x0], $0xffff  }
0x418: {  	[tilespmem:v1+s28+$0x0] =	vst.idx.msk $0xffff, v2;
	v2 =	vor.u32 v7, v13;
	v1 =	vld.idx.msk [tilespmem:v10+s3+$0x0], $0xffff  }
0x419: {  	[tilespmem:v0+s28+$0x0] =	vst.idx.msk $0xffff, v3  }
0x41a: {  	[tilespmem:v9+s28+$0x0] =	vst.idx.msk $0xffff, v4  }
0x41b: {  	[tilespmem:v8+s28+$0x0] =	vst.idx.msk $0xffff, v5  }
0x41c: {  	[tilespmem:v6+s28+$0x0] =	vst.idx.msk $0xffff, v11  }
0x41d: {  	[tilespmem:v2+s28+$0x0] =	vst.idx.msk $0xffff, v1  }
0x41e: {  	s6 =	rddreg [dreg:$0xe]  }
0x41f: {  	[hbm4b:s6+s4] =	stream.linear.scatter [tilespmem:s28], [sflag:$0x7], $0x4000, $0x38;
	[tilespmem:$0x12100] =	vst v63  }
0x420: {  	_ =	swait.ge [sflag:s14], $0x4000  }
0x421: {  	[sflag:s14] =	ssyncset.done $0x0  }
0x422: {  	[sflag:s14] =	ssyncadd.s32 $0xFFFFC000  }
0x423: {  	_ =	swait.ge [sflag:s14], $0x800  }
0x424: {  	[sflag:s14] =	ssyncset.done $0x0  }
0x425: {  	s24 =	simm.s32 $0x11810;
	[sflag:s14] =	ssyncadd.s32 $0xFFFFF800  }
0x426: {  	v0 =	vld [tilespmem:s24+$0xFFFFFFF0]  }
0x427: {  	v1 =	vld [tilespmem:s24+$0x0];
	_ =	sdelay $0x2  }
0x428: {  	s26 =	simm.s32 $0x11830  }
0x429: {  	v4 =	vld [tilespmem:s26+$0xFFFFFFF0];
	v2 =	vshll.u32 v0, $0x3;
	v3 =	vshrl.u32 v0, $0x3;
	v0 =	vand.u32 $0xFFFFE07F, v0  }
0x42a: {  	v7 =	vld [tilespmem:s26+$0x0];
	v5 =	vshll.u32 v1, $0x3;
	v6 =	vshrl.u32 v1, $0x3;
	v2 =	vand.u32 $0x1C00, v2  }
0x42b: {  	v1 =	vand.u32 $0xFFFFE07F, v1;
	v0 =	vor.u32 v2, v0;
	v2 =	vand.u32 $0x1C00, v5  }
0x42c: {  	s29 =	simm.s32 $0x11850;
	v3 =	vand.u32 $0x380, v3;
	v5 =	vand.u32 $0x380, v6;
	v1 =	vor.u32 v2, v1  }
0x42d: {  	v10 =	vld [tilespmem:s29+$0x0];
	v6 =	vor.u32 v3, v0;
	v0 =	vor.u32 v5, v1  }
0x42e: {  	v2 =	vshrl.u32 v4, $0x3;
	v3 =	vand.u32 $0xFFFFE07F, v4;
	v1 =	vshll.u32 v4, $0x3;
	v4 =	vld [tilespmem:s29+$0xFFFFFFF0]  }
0x42f: {  	v8 =	vshrl.u32 v7, $0x3;
	v5 =	vshll.u32 v7, $0x3;
	v1 =	vand.u32 $0x1C00, v1  }
0x430: {  	v1 =	vor.u32 v1, v3;
	v3 =	vand.u32 $0x1C00, v5;
	v5 =	vand.u32 $0xFFFFE07F, v7  }
0x431: {  	v7 =	vand.u32 $0x380, v8;
	v3 =	vor.u32 v3, v5  }
0x432: {  	v11 =	vshll.u32 v10, $0x3;
	v2 =	vand.u32 $0x380, v2;
	v3 =	vor.u32 v7, v3;
	v0 =	vld.idx.msk [tilespmem:v0+s30+$0x0], $0xffff  }
0x433: {  	s15 =	simm.s32 $0x11870;
	v8 =	vshrl.u32 v10, $0x3;
	v2 =	vor.u32 v2, v1;
	v1 =	vld.idx.msk [tilespmem:v6+s30+$0x0], $0xffff;
	v5 =	vshll.u32 v4, $0x3  }
0x434: {  	v6 =	vshrl.u32 v4, $0x3;
	v7 =	vand.u32 $0xFFFFE07F, v4;
	v4 =	vld [tilespmem:s15+$0xFFFFFFF0];
	v9 =	vand.u32 $0x1C00, v5  }
0x435: {  	s21 =	simm.s32 $0x6;
	s7 =	simm.s32 $0x12010;
	s6 =	simm.s32 $0x12010;
	v10 =	vand.u32 $0xFFFFE07F, v10;
	v5 =	vld [tilespmem:s15+$0x0];
	v7 =	vor.u32 v9, v7;
	v9 =	vand.u32 $0x1C00, v11  }
.LBB2_46:
0x436: {  	s21 =	sadd.s32 $0x2, s21  }
0x437: {  	v6 =	vand.u32 $0x380, v6;
	v8 =	vand.u32 $0x380, v8;
	v9 =	vor.u32 v9, v10;
	[tilespmem:s6+$0x0] =	vst v0;
	v0 =	vld.idx.msk [tilespmem:v3+s30+$0x0], $0xffff;
	s7 =	sadd.s32 $0x20, s7;
	p0 =	slt.u32 s21, $0xC  }
.Ltmp22:
0x438: {  	v3 =	vor.u32 v8, v9;
	[tilespmem:s6+$0xFFFFFFF0] =	vst v1;
	v1 =	vld.idx.msk [tilespmem:v2+s30+$0x0], $0xffff;
	v2 =	vor.u32 v6, v7;
	s6 =	smov.u32 s7;
	(pc) =	sbr.rel @p0 .LBB2_46-.Ltmp22, $4  }
0x439: {  	_ = 	snop  }
0x43a: {  	s15 =	sadd.s32 $0x20, s15;
	v7 =	vshll.u32 v4, $0x3;
	v6 =	vshrl.u32 v4, $0x3;
	v9 =	vand.u32 $0xFFFFE07F, v4  }
0x43b: {  	v4 =	vld [tilespmem:s15+$0xFFFFFFF0];
	v7 =	vand.u32 $0x1C00, v7;
	v10 =	vshll.u32 v5, $0x3;
	v8 =	vshrl.u32 v5, $0x3  }
0x43c: {  	v7 =	vor.u32 v7, v9;
	v9 =	vand.u32 $0x1C00, v10;
	v10 =	vand.u32 $0xFFFFE07F, v5;
	v5 =	vld [tilespmem:s15+$0x0]  }
0x43d: {  	_ =	sdelay $0x1  }
0x43e: {  	v6 =	vand.u32 $0x380, v6;
	v8 =	vand.u32 $0x380, v8;
	v9 =	vor.u32 v9, v10  }
0x43f: {  	v6 =	vor.u32 v6, v7;
	v7 =	vor.u32 v8, v9;
	v47 =	vshll.u32 v4, $0x3  }
0x440: {  	v48 =	vshrl.u32 v4, $0x3;
	v4 =	vand.u32 $0xFFFFE07F, v4;
	v49 =	vshll.u32 v5, $0x3  }
0x441: {  	v11 =	vshrl.u32 v5, $0x3;
	v5 =	vand.u32 $0xFFFFE07F, v5;
	v8 =	vand.u32 $0x1C00, v47  }
0x442: {  	v50 =	vand.u32 $0x380, v48;
	v10 =	vand.u32 $0x1C00, v49;
	v4 =	vor.u32 v8, v4  }
0x443: {  	v3 =	vld.idx.msk [tilespmem:v3+s30+$0x0], $0xffff;
	v11 =	vand.u32 $0x380, v11;
	v5 =	vor.u32 v10, v5;
	v4 =	vor.u32 v50, v4  }
0x444: {  	v5 =	vor.u32 v11, v5  }
0x445: {  	v2 =	vld.idx.msk [tilespmem:v2+s30+$0x0], $0xffff  }
0x446: {  	v7 =	vld.idx.msk [tilespmem:v7+s30+$0x0], $0xffff  }
0x447: {  	[tilespmem:s6+$0x0] =	vst v0;
	s7 =	sadd.s32 $0x20, s7;
	v0 =	vld.idx.msk [tilespmem:v6+s30+$0x0], $0xffff  }
0x448: {  	[tilespmem:s7+$0x0] =	vst v3;
	v3 =	vld.idx.msk [tilespmem:v4+s30+$0x0], $0xffff  }
0x449: {  	[tilespmem:s6+$0xFFFFFFF0] =	vst v1;
	v1 =	vld.idx.msk [tilespmem:v5+s30+$0x0], $0xffff  }
0x44a: {  	s24 =	sadd.s32 $0x20, s7;
	[tilespmem:s7+$0xFFFFFFF0] =	vst v2  }
0x44b: {  	[tilespmem:s24+$0x0] =	vst v7  }
0x44c: {  	s26 =	sadd.s32 $0x20, s24;
	[tilespmem:s24+$0xFFFFFFF0] =	vst v0  }
0x44d: {  	[tilespmem:s26+$0xFFFFFFF0] =	vst v3  }
0x44e: {  	s15 =	simm.s32 $0x11910;
	s6 =	simm.s32 $0x0;
	[tilespmem:s26+$0x0] =	vst v1  }
0x44f: {  	s29 =	sand.u32 $0x7C0, s6;
	v2 =	vld [tilespmem:s15+$0x0]  }
0x450: {  	v3 =	vld [tilespmem:s29+$0x11900]  }
0x451: {  	v0 =	vld [tilespmem:s15+$0xFFFFFFD0];
	_ =	sdelay $0x2  }
0x452: {  	v1 =	vshrl.u32 v2, $0x10;
	v4 =	vshra.s32 v2, $0x1A;
	v5 =	vshrl.u32 v2, $0xD  }
0x453: {  	v7 =	vshrl.u32 v3, $0x10;
	v51 =	vshra.s32 v3, $0x1A;
	v52 =	vshrl.u32 v3, $0xD  }
0x454: {  	v54 =	vshrl.u32 v0, $0xD;
	v57 =	vshll.u32 v2, $0x3;
	v12 =	vshrl.u32 v2, $0x3  }
0x455: {  	v2 =	vand.u32 $0xE07F, v2;
	v13 =	vshll.u32 v3, $0x3;
	v59 =	vshrl.u32 v3, $0x3  }
0x456: {  	v3 =	vand.u32 $0xE07F, v3;
	v1 =	vand.u32 $0x7F, v1;
	v6 =	vshll.u32 v4, $0xA  }
0x457: {  	v5 =	vand.u32 $0x1C00, v5;
	v4 =	vshll.u32 v4, $0x7;
	v7 =	vand.u32 $0x7F, v7  }
0x458: {  	v53 =	vshll.u32 v51, $0xA;
	v9 =	vand.u32 $0x1C00, v52;
	v8 =	vshll.u32 v51, $0x7  }
0x459: {  	v6 =	vand.u32 $0xFFFFE000, v6;
	v1 =	vor.u32 v5, v1;
	v4 =	vand.u32 $0x380, v4  }
0x45a: {  	v10 =	vand.u32 $0xFFFFE000, v53;
	v7 =	vor.u32 v9, v7;
	v6 =	vor.u32 v6, v1  }
0x45b: {  	v8 =	vand.u32 $0x380, v8;
	v7 =	vor.u32 v10, v7;
	v4 =	vor.u32 v4, v6  }
0x45c: {  	v11 =	vand.u32 $0x1C00, v57;
	v12 =	vand.u32 $0x380, v12;
	v7 =	vor.u32 v8, v7  }
0x45d: {  	v58 =	vand.u32 $0x1C00, v13;
	v13 =	vand.u32 $0x380, v59;
	v5 =	vshrl.u32 v0, $0x10;
	v1 =	vld [tilespmem:s15+$0xFFFFFFE0]  }
0x45e: {  	v2 =	vor.u32 v11, v2;
	v3 =	vor.u32 v58, v3;
	v6 =	vshra.s32 v0, $0x1A  }
0x45f: {  	v9 =	vand.u32 $0x1C00, v54;
	v5 =	vand.u32 $0x7F, v5;
	v61 =	vshll.u32 v6, $0xA  }
0x460: {  	v2 =	vor.u32 v12, v2;
	v5 =	vor.u32 v9, v5;
	v12 =	vand.u32 $0xFFFFE000, v61;
	v4 =	vld.idx.msk [tilespmem:v4+s30+$0x0], $0xffff  }
0x461: {  	v3 =	vor.u32 v13, v3;
	v6 =	vshll.u32 v6, $0x7;
	v5 =	vor.u32 v12, v5;
	v7 =	vld.idx.msk [tilespmem:v7+s30+$0x0], $0xffff  }
0x462: {  	v55 =	vshrl.u32 v1, $0x10;
	v56 =	vshra.s32 v1, $0x1A;
	v60 =	vshrl.u32 v1, $0xD  }
0x463: {  	v8 =	vand.u32 $0x7F, v55;
	v62 =	vshll.u32 v56, $0xA;
	v11 =	vand.u32 $0x1C00, v60  }
0x464: {  	v10 =	vshll.u32 v56, $0x7;
	v63 =	vand.u32 $0xFFFFE000, v62;
	v8 =	vor.u32 v11, v8  }
0x465: {  	v8 =	vor.u32 v63, v8;
	[tilespmem:v2+s30+$0x0] =	vst.idx.msk $0xffff, v4;
	v2 =	vand.u32 $0x380, v6;
	v6 =	vand.u32 $0x380, v10  }
0x466: {  	s7 =	simm.s32 $0x0;
	s15 =	simm.s32 $0x11950;
	[tilespmem:v3+s30+$0x0] =	vst.idx.msk $0xffff, v7;
	v4 =	vshll.u32 v0, $0x3;
	v3 =	vor.u32 v2, v5;
	v2 =	vor.u32 v6, v8  }
.LBB2_48:
0x467: {  	v5 =	vld [tilespmem:s15+$0x0];
	v4 =	vand.u32 $0x1C00, v4;
	v6 =	vshrl.u32 v0, $0x3;
	v7 =	vshll.u32 v1, $0x3  }
0x468: {  	v9 =	vand.u32 $0xE07F, v0;
	v10 =	vshrl.u32 v1, $0x3;
	v8 =	vld [tilespmem:s15+$0xFFFFFFE0];
	v7 =	vand.u32 $0x1C00, v7  }
0x469: {  	v1 =	vand.u32 $0xE07F, v1;
	s6 =	sadd.s32 $0x40, s6;
	v6 =	vand.u32 $0x380, v6;
	v4 =	vor.u32 v4, v9;
	v0 =	vld [tilespmem:s15+$0xFFFFFFD0]  }
0x46a: {  	s7 =	sadd.s32 $0x4, s7;
	s21 =	sand.u32 $0x7C0, s6;
	v4 =	vor.u32 v6, v4;
	v6 =	vand.u32 $0x380, v10;
	v1 =	vor.u32 v7, v1  }
0x46b: {  	p0 =	slt.u32 s7, $0x60;
	v6 =	vor.u32 v6, v1;
	v7 =	vld [tilespmem:s21+$0x11900]  }
0x46c: {  	v13 =	vshrl.u32 v5, $0x10;
	v9 =	vshra.s32 v5, $0x1A;
	v10 =	vshrl.u32 v5, $0xD;
	v3 =	vld.idx.msk [tilespmem:v3+s30+$0x0], $0xffff  }
0x46d: {  	v11 =	vand.u32 $0x7F, v13;
	v12 =	vshll.u32 v9, $0xA;
	v10 =	vand.u32 $0x1C00, v10;
	v2 =	vld.idx.msk [tilespmem:v2+s30+$0x0], $0xffff;
	v1 =	vmovc v8  }
0x46e: {  	v9 =	vshll.u32 v9, $0x7;
	v8 =	vand.u32 $0xFFFFE000, v12;
	v10 =	vor.u32 v10, v11  }
0x46f: {  	v11 =	vshrl.u32 v0, $0x10;
	v9 =	vand.u32 $0x380, v9;
	v8 =	vor.u32 v8, v10  }
0x470: {  	v10 =	vshrl.u32 v7, $0x10;
	v12 =	vshra.s32 v7, $0x1A;
	v13 =	vshrl.u32 v7, $0xD  }
0x471: {  	v10 =	vand.u32 $0x7F, v10;
	v14 =	vshll.u32 v12, $0xA;
	v13 =	vand.u32 $0x1C00, v13  }
0x472: {  	v12 =	vshll.u32 v12, $0x7;
	v14 =	vand.u32 $0xFFFFE000, v14;
	v10 =	vor.u32 v13, v10;
	[tilespmem:v4+s30+$0x0] =	vst.idx.msk $0xffff, v3  }
0x473: {  	v8 =	vor.u32 v9, v8;
	v3 =	vand.u32 $0x380, v12;
	v4 =	vor.u32 v14, v10;
	[tilespmem:v6+s30+$0x0] =	vst.idx.msk $0xffff, v2  }
0x474: {  	v2 =	vshra.s32 v0, $0x1A;
	v6 =	vshrl.u32 v0, $0xD;
	v3 =	vor.u32 v3, v4  }
0x475: {  	v9 =	vshra.s32 v1, $0x1A;
	v10 =	vshll.u32 v5, $0x3;
	v4 =	vshrl.u32 v1, $0x10  }
0x476: {  	v12 =	vshrl.u32 v5, $0x3;
	v5 =	vand.u32 $0xE07F, v5;
	v10 =	vand.u32 $0x1C00, v10  }
0x477: {  	v13 =	vshll.u32 v7, $0x3;
	v12 =	vand.u32 $0x380, v12;
	v5 =	vor.u32 v10, v5  }
0x478: {  	v10 =	vand.u32 $0x1C00, v13;
	v13 =	vshrl.u32 v7, $0x3;
	v7 =	vand.u32 $0xE07F, v7;
	v8 =	vld.idx.msk [tilespmem:v8+s30+$0x0], $0xffff  }
0x479: {  	v13 =	vand.u32 $0x380, v13;
	v7 =	vor.u32 v10, v7;
	v5 =	vor.u32 v12, v5;
	v3 =	vld.idx.msk [tilespmem:v3+s30+$0x0], $0xffff  }
0x47a: {  	v10 =	vand.u32 $0x7F, v11;
	v11 =	vshrl.u32 v1, $0xD;
	v7 =	vor.u32 v13, v7  }
0x47b: {  	v6 =	vand.u32 $0x1C00, v6;
	v4 =	vand.u32 $0x7F, v4;
	v12 =	vshll.u32 v2, $0xA  }
.Ltmp23:
0x47c: {  	v12 =	vand.u32 $0xFFFFE000, v12;
	v13 =	vshll.u32 v9, $0xA;
	v11 =	vand.u32 $0x1C00, v11;
	(pc) =	sbr.rel @p0 .LBB2_48-.Ltmp23, $4  }
0x47d: {  	v6 =	vor.u32 v6, v10;
	v10 =	vand.u32 $0xFFFFE000, v13;
	v4 =	vor.u32 v11, v4  }
0x47e: {  	v2 =	vshll.u32 v2, $0x7;
	v9 =	vshll.u32 v9, $0x7;
	v6 =	vor.u32 v12, v6;
	[tilespmem:v5+s30+$0x0] =	vst.idx.msk $0xffff, v8  }
0x47f: {  	s21 =	simm.s32 $0x11F30;
	v2 =	vand.u32 $0x380, v2;
	v5 =	vand.u32 $0x380, v9;
	v8 =	vor.u32 v10, v4;
	[tilespmem:v7+s30+$0x0] =	vst.idx.msk $0xffff, v3  }
0x480: {  	s15 =	sadd.s32 $0x40, s15;
	v4 =	vshll.u32 v0, $0x3;
	v3 =	vor.u32 v2, v6;
	v2 =	vor.u32 v5, v8  }
0x481: {  	_ = 	snop  }
0x482: {  	v4 =	vand.u32 $0x1C00, v4;
	v5 =	vshrl.u32 v0, $0x3;
	v6 =	vshll.u32 v1, $0x3  }
0x483: {  	v0 =	vand.u32 $0xE07F, v0;
	v7 =	vshrl.u32 v1, $0x3;
	v1 =	vand.u32 $0xE07F, v1  }
0x484: {  	v6 =	vand.u32 $0x1C00, v6;
	v5 =	vand.u32 $0x380, v5;
	v0 =	vor.u32 v4, v0  }
0x485: {  	v3 =	vld.idx.msk [tilespmem:v3+s30+$0x0], $0xffff;
	v4 =	vand.u32 $0x380, v7;
	v0 =	vor.u32 v5, v0;
	v1 =	vor.u32 v6, v1  }
0x486: {  	v2 =	vld.idx.msk [tilespmem:v2+s30+$0x0], $0xffff;
	v1 =	vor.u32 v4, v1;
	_ =	sdelay $0x3  }
0x487: {  	[tilespmem:v0+s30+$0x0] =	vst.idx.msk $0xffff, v3  }
0x488: {  	[tilespmem:v1+s30+$0x0] =	vst.idx.msk $0xffff, v2  }
0x489: {  	v0 =	vld [tilespmem:s21+$0x0]  }
0x48a: {  	v1 =	vld [tilespmem:s21+$0xFFFFFFF0]  }
0x48b: {  	s6 =	simm.s32 $0x11F50  }
0x48c: {  	v7 =	vld [tilespmem:s6+$0x0]  }
0x48d: {  	v9 =	vld [tilespmem:s6+$0xFFFFFFF0];
	_ =	sdelay $0x1  }
0x48e: {  	v2 =	vshra.s32 v0, $0x10;
	v3 =	vshll.u32 v1, $0x3  }
0x48f: {  	v6 =	vshra.s32 v1, $0x10;
	v4 =	vand.u32 $0xE07F, v1;
	v5 =	vshll.u32 v0, $0x3  }
0x490: {  	v8 =	vshrl.u32 v0, $0x3;
	v0 =	vand.u32 $0xE07F, v0;
	v1 =	vshrl.u32 v1, $0x3  }
0x491: {  	v10 =	vand.u32 $0xE07F, v9;
	v11 =	vshll.u32 v7, $0x3;
	v3 =	vand.u32 $0x1C00, v3  }
0x492: {  	v13 =	vand.u32 $0xE07F, v7;
	v3 =	vor.u32 v3, v4;
	v4 =	vand.u32 $0x1C00, v5  }
0x493: {  	v5 =	vand.u32 $0x380, v8;
	v8 =	vand.u32 $0x380, v1;
	v0 =	vor.u32 v4, v0;
	v2 =	vld.idx.msk [tilespmem:v2+s3+$0x0], $0xffff  }
0x494: {  	s7 =	simm.s32 $0x11F70;
	v4 =	vshra.s32 v7, $0x10;
	v1 =	vor.u32 v5, v0;
	v0 =	vor.u32 v8, v3;
	v3 =	vld.idx.msk [tilespmem:v6+s3+$0x0], $0xffff  }
0x495: {  	v11 =	vand.u32 $0x1C00, v11;
	v5 =	vshra.s32 v9, $0x10;
	v8 =	vshll.u32 v9, $0x3;
	v6 =	vld [tilespmem:s7+$0x0]  }
0x496: {  	v12 =	vshrl.u32 v7, $0x3;
	v11 =	vor.u32 v11, v13;
	v7 =	vld [tilespmem:s7+$0xFFFFFFF0];
	v8 =	vand.u32 $0x1C00, v8  }
0x497: {  	s6 =	simm.s32 $0x4;
	s7 =	simm.s32 $0x11F90;
	v8 =	vor.u32 v8, v10;
	v10 =	vshrl.u32 v9, $0x3;
	v9 =	vand.u32 $0x380, v12  }
.LBB2_50:
0x498: {  	s6 =	sadd.s32 $0x2, s6  }
0x499: {  	v10 =	vand.u32 $0x380, v10;
	[tilespmem:v1+s30+$0x0] =	vst.idx.msk $0xffff, v2;
	v1 =	vor.u32 v9, v11;
	v2 =	vld.idx.msk [tilespmem:v4+s3+$0x0], $0xffff;
	p0 =	slt.u32 s6, $0xC  }
.Ltmp24:
0x49a: {  	v4 =	vshra.s32 v6, $0x10;
	[tilespmem:v0+s30+$0x0] =	vst.idx.msk $0xffff, v3;
	v0 =	vor.u32 v10, v8;
	v3 =	vld.idx.msk [tilespmem:v5+s3+$0x0], $0xffff;
	v9 =	vmov v6;
	(pc) =	sbr.rel @p0 .LBB2_50-.Ltmp24, $4  }
0x49b: {  	v6 =	vld [tilespmem:s7+$0x0];
	v5 =	vshra.s32 v7, $0x10;
	v8 =	vshll.u32 v7, $0x3;
	v10 =	vand.u32 $0xE07F, v7;
	v11 =	vmovc v7  }
0x49c: {  	v12 =	vshll.u32 v9, $0x3;
	v13 =	vshrl.u32 v9, $0x3;
	v7 =	vld [tilespmem:s7+$0xFFFFFFF0];
	v8 =	vand.u32 $0x1C00, v8  }
0x49d: {  	v14 =	vand.u32 $0xE07F, v9;
	v12 =	vand.u32 $0x1C00, v12;
	v8 =	vor.u32 v8, v10  }
0x49e: {  	s7 =	sadd.s32 $0x20, s7;
	v9 =	vand.u32 $0x380, v13;
	v10 =	vshrl.u32 v11, $0x3;
	v11 =	vor.u32 v12, v14  }
0x49f: {  	_ = 	snop  }
0x4a0: {  	v10 =	vand.u32 $0x380, v10;
	v9 =	vor.u32 v9, v11;
	v57 =	vshra.s32 v6, $0x10  }
0x4a1: {  	v8 =	vor.u32 v10, v8;
	v12 =	vshll.u32 v6, $0x3;
	v58 =	vshra.s32 v7, $0x10  }
0x4a2: {  	v14 =	vand.u32 $0xE07F, v6;
	v60 =	vshrl.u32 v6, $0x3;
	v13 =	vshll.u32 v7, $0x3  }
0x4a3: {  	v4 =	vld.idx.msk [tilespmem:v4+s3+$0x0], $0xffff;
	v12 =	vand.u32 $0x1C00, v12;
	v59 =	vand.u32 $0xE07F, v7;
	v61 =	vshrl.u32 v7, $0x3  }
0x4a4: {  	v5 =	vld.idx.msk [tilespmem:v5+s3+$0x0], $0xffff;
	v6 =	vand.u32 $0x380, v60;
	v12 =	vor.u32 v12, v14;
	v13 =	vand.u32 $0x1C00, v13  }
0x4a5: {  	v7 =	vand.u32 $0x380, v61;
	v13 =	vor.u32 v13, v59;
	v6 =	vor.u32 v6, v12;
	v11 =	vld.idx.msk [tilespmem:v57+s3+$0x0], $0xffff  }
0x4a6: {  	[tilespmem:v1+s30+$0x0] =	vst.idx.msk $0xffff, v2;
	v63 =	vor.u32 v7, v13;
	v62 =	vld.idx.msk [tilespmem:v58+s3+$0x0], $0xffff  }
0x4a7: {  	[tilespmem:v0+s30+$0x0] =	vst.idx.msk $0xffff, v3  }
0x4a8: {  	[tilespmem:v9+s30+$0x0] =	vst.idx.msk $0xffff, v4  }
0x4a9: {  	[tilespmem:v8+s30+$0x0] =	vst.idx.msk $0xffff, v5  }
0x4aa: {  	[tilespmem:v6+s30+$0x0] =	vst.idx.msk $0xffff, v11  }
0x4ab: {  	[tilespmem:v63+s30+$0x0] =	vst.idx.msk $0xffff, v62  }
0x4ac: {  	s6 =	rddreg [dreg:$0xf]  }
0x4ad: {  	[hbm4b:s6+s4] =	stream.linear.scatter [tilespmem:s30], [sflag:$0x8], $0x4000, $0x38;
	[tilespmem:$0x12100] =	vst v63  }
0x4ae: {  	_ =	swait.ge [sflag:s9], $0x4000  }
0x4af: {  	[sflag:s9] =	ssyncset.done $0x0  }
0x4b0: {  	[sflag:s9] =	ssyncadd.s32 $0xFFFFC000  }
0x4b1: {  	_ =	swait.ge [sflag:s11], $0x4000  }
0x4b2: {  	[sflag:s11] =	ssyncset.done $0x0  }
0x4b3: {  	[sflag:s11] =	ssyncadd.s32 $0xFFFFC000  }
0x4b4: {  	_ =	swait.ge [sflag:s13], $0x4000  }
0x4b5: {  	[sflag:s13] =	ssyncset.done $0x0  }
0x4b6: {  	[sflag:s13] =	ssyncadd.s32 $0xFFFFC000  }
0x4b7: {  	_ =	swait.ge [sflag:s20], $0x4000  }
0x4b8: {  	s7 =	rddreg [dreg:$0x11]  }
0x4b9: {  	s29 =	rddreg [dreg:$0x10];
	s7 =	sadd.s32 $0x1, s7  }
0x4ba: {  	p0 =	sne.s32 s7, s29  }
.Ltmp25:
0x4bb: {  	_ = 	snop;
	(pc) =	sbr.rel @p0 .LBB2_1-.Ltmp25, $3  }
0x4bc: {  	_ =	sdelay $0x1  }
0x4bd: {  	[sflag:s20] =	ssyncset.done $0x0  }
0x4be: {  	[sflag:s20] =	ssyncadd.s32 $0xFFFFC000  }
0x4bf: {  	_ =	sfence.sel $0x180000  }
0x4c0: {  	[bflag:$0x0] =	sbarrier.arrive $0xFFFF  }
0x4c1: {  	_ =	strace $0x90000047  }
0x4c2: {  	s0 =	stileid.u32;
	[bflag:$0x2] =	sbarrier.arrive $0xFFFF  }
0x4c3: {  	p0 =	sne.s32 s0, $0x0;
	s0 =	rddreg [dreg:$0x3]  }
0x4c4: {  	s0 =	sadd.s32 @!p0 $0x100000, s0  }
0x4c5: {  	[sflag:s0] =	ssyncadd.tile.s32 @!p0 $0x1;
	_ =	shalt  }
.Lfunc_end2:
_tile_overlayer_lowered:
.L_overlay_start_2:
0x4c6: {  	(tag) =	ssettag $0x2  }
0x4c7: {  	s0 =	rddreg [dreg:$0x0];
	s2 =	stileid.u32  }
0x4c8: {  	s1 =	rddreg [dreg:$0x1];
	p0 =	sne.s32 s2, $0x0  }
0x4c9: {  	s3 =	rddreg [dreg:$0x2];
	[bflag:$0x3] =	sbarrier.arrive $0xFFFF;
	s2 =	simm.s32 @!p0 $0x1C09  }
0x4ca: {  	[timem:s3], [sflag:s2] =	dma.local @!p0 [hbm:s0], s1  }
0x4cb: {  	s0 =	simm.s32 @!p0 $0x9  }
0x4cc: {  	_ =	swait.ge @!p0 [sflag:s0], s1  }
0x4cd: {  	s1 =	ssub.s32 @!p0 $0x0, s1;
	[sflag:s0] =	ssyncset.done @!p0 $0x0  }
0x4ce: {  	[sflag:s0] =	ssyncadd.s32 @!p0 s1  }
0x4cf: {  	[bflag:$0x3] =	sbarrier.arrive $0xFFFF  }
0x4d0: {  	_ =	shalt  }

</sc_bundles>
